<compile_context>
chip_gen: v7x
topology: tpu7x:2x2x1
jax: 0.10.2.dev20260603
libtpu: 0.0.44.dev20260713+nightly
codegen_flags: <defaults>
</compile_context>

<pallas_src>
import jax
import jax.numpy as jnp
import numpy as np
from jax import lax
from jax.experimental import pallas as pl
from jax.experimental.pallas import tpu as pltpu
from jax.experimental.pallas import tpu_sc as plsc

_B, _N, _D = 32, 256, 4096
_T = _B * _N
_NC, _NS, _L = 2, 16, 16
_NW = _NC * _NS
_SPLIT = 3584
_T_SC = _T - _SPLIT
_RPW = _T_SC // _NW
_BLK = 256
_G = 4
_IDXC = 8 * (_RPW // _G + 2)
_LN2 = 0.6931471805599453

_INV23 = 1.0 / (1 << 23)


def _log2_times(t, x, gtab_v):
    xi = plsc.bitcast(x, jnp.int32)
    y = xi.astype(jnp.float32) * _INV23 + (-127.0)
    idx = lax.shift_right_logical(xi, 15) & 0xFF
    g = plsc.load_gather(gtab_v, [idx])
    return t * (y + g)


def _sc_body(ps_hbm, pt_hbm, mask_hbm, gtab_hbm, out_hbm,
             mask_v, idx_v, gtab_v,
             ps_b0, ps_b1, ps_b2, pt_b0, pt_b1, pt_b2, part_v,
             sem_ps0, sem_ps1, sem_ps2, sem_pt0, sem_pt1, sem_pt2):
    cid = lax.axis_index("c")
    sid = lax.axis_index("s")
    wid = sid * _NC + cid
    base = pl.multiple_of(_SPLIT + wid * _RPW, _RPW)

    pltpu.sync_copy(mask_hbm.at[pl.ds(base, _RPW)], mask_v)
    pltpu.sync_copy(gtab_hbm, gtab_v)

    lane = lax.iota(jnp.int32, _L)
    basev = jnp.zeros((_L,), jnp.int32) + base
    for i in range(_IDXC // _L):
        idx_v[pl.ds(i * _L, _L)] = basev
    off = jnp.int32(0)
    for i in range(_RPW // _L):
        mv = mask_v[pl.ds(i * _L, _L)]
        pos = plsc.cumsum(mv) + (off - 1)
        slot = lax.shift_left(lax.shift_right_logical(pos, 2), 3) | (pos & 3)
        rows = basev + (i * _L) + lane
        plsc.store_scatter(idx_v, [slot], rows, mask=mv > 0)
        off = off + jnp.sum(mv)
    local_n = off

    nch = (local_n + _G - 1) // _G
    zero16 = jnp.zeros((_L,), jnp.float32)
    ps_bufs = (ps_b0, ps_b1, ps_b2)
    pt_bufs = (pt_b0, pt_b1, pt_b2)
    ps_sems = (sem_ps0, sem_ps1, sem_ps2)
    pt_sems = (sem_pt0, sem_pt1, sem_pt2)
    _NB = 3

    def copies(j, b):
        idxs = idx_v.at[pl.ds(j * 8, _G)]
        return (pltpu.make_async_copy(ps_hbm.at[idxs], ps_bufs[b], ps_sems[b]),
                pltpu.make_async_copy(pt_hbm.at[idxs], pt_bufs[b], pt_sems[b]))

    for b in range(_NB - 1):
        @pl.when(b < nch)
        def _prime(b=b):
            for c in copies(b, b):
                c.start()

    def consume(j, b):
        for c in copies(j, b):
            c.wait()
        psb, ptb = ps_bufs[b], pt_bufs[b]

        @plsc.parallel_loop(0, _D, step=_L, unroll=2, carry=(zero16,) * _G)
        def accs(o, accs_in):
            return tuple(
                accs_in[r] + _log2_times(ptb[r, pl.ds(o, _L)],
                                         psb[r, pl.ds(o, _L)], gtab_v)
                for r in range(_G)
            )
        s = zero16
        for r in range(_G):
            s = s + jnp.where(j * _G + r < local_n, accs[r], zero16)
        return s

    ntrips = (nch + _NB - 1) // _NB

    def trip(t, acc):
        for b in range(_NB):
            j = t * _NB + b

            @pl.when(j + _NB - 1 < nch)
            def _prefetch(j=j, b=b):
                for c in copies(j + _NB - 1, (b + _NB - 1) % _NB):
                    c.start()

            acc = acc + lax.cond(j < nch,
                                 lambda j=j, b=b: consume(j, b),
                                 lambda: zero16)
        return acc

    acc = lax.fori_loop(0, ntrips, trip, zero16)

    part_v[pl.ds(0, _L)] = acc
    cntf = local_n.astype(jnp.float32)
    part_v[pl.ds(_L, _L)] = jnp.where(lane == 0, cntf, 0.0)
    pltpu.sync_copy(part_v, out_hbm.at[wid])


def _tc_dense_body(ps_ref, pt_ref, m_ref, out_ref, s_acc, c_acc):
    i = pl.program_id(0)

    @pl.when(i == 0)
    def _init():
        s_acc[0] = 0.0
        c_acc[0] = 0.0

    ps = ps_ref[...]
    pt = pt_ref[...]
    m = m_ref[...].astype(jnp.float32)
    per_tok = -(pt * jnp.log(ps)).sum(axis=-1)
    s_acc[0] += (per_tok * m).sum()
    c_acc[0] += m.sum()

    @pl.when(i == pl.num_programs(0) - 1)
    def _fin():
        out_ref[0, 0] = s_acc[0]
        out_ref[0, 1] = c_acc[0]


def _combine_body(parts_ref, tc_ref, out_ref):
    p = parts_ref[...]
    s = (-_LN2) * p[:, :_L].sum() + tc_ref[0, 0]
    c = p[:, _L:].sum() + tc_ref[0, 1]
    out_ref[0, 0] = s / jnp.maximum(c, 1.0)


def _gtab() -> jnp.ndarray:
    i = np.arange(256, dtype=np.float64)
    f = (i + 0.5) / 256.0
    return jnp.asarray(np.log2(1.0 + f) - f, dtype=jnp.float32)


def kernel(ps, pt, bool_masked_pos):
    ps2 = ps.reshape(_T, _D)
    pt2 = pt.reshape(_T, _D)
    mask = bool_masked_pos.reshape(_T).astype(jnp.int32)

    sc = pl.kernel(
        _sc_body,
        out_type=jax.ShapeDtypeStruct((_NW, 2 * _L), jnp.float32),
        mesh=plsc.VectorSubcoreMesh(core_axis_name="c", subcore_axis_name="s",
                                    num_cores=_NC, num_subcores=_NS),
        compiler_params=pltpu.CompilerParams(needs_layout_passes=False),
        scratch_types=[
            pltpu.VMEM((_RPW,), jnp.int32),
            pltpu.VMEM((_IDXC,), jnp.int32),
            pltpu.VMEM((256,), jnp.float32),
            pltpu.VMEM((_G, _D), jnp.float32),
            pltpu.VMEM((_G, _D), jnp.float32),
            pltpu.VMEM((_G, _D), jnp.float32),
            pltpu.VMEM((_G, _D), jnp.float32),
            pltpu.VMEM((_G, _D), jnp.float32),
            pltpu.VMEM((_G, _D), jnp.float32),
            pltpu.VMEM((2 * _L,), jnp.float32),
            pltpu.SemaphoreType.DMA,
            pltpu.SemaphoreType.DMA,
            pltpu.SemaphoreType.DMA,
            pltpu.SemaphoreType.DMA,
            pltpu.SemaphoreType.DMA,
            pltpu.SemaphoreType.DMA,
        ],
    )
    parts = sc(ps2, pt2, mask, _gtab())

    mask_b = bool_masked_pos.reshape(_T)
    tc_parts = pl.pallas_call(
        _tc_dense_body,
        grid=(_SPLIT // _BLK,),
        in_specs=[
            pl.BlockSpec((_BLK, _D), lambda i: (i, 0)),
            pl.BlockSpec((_BLK, _D), lambda i: (i, 0)),
            pl.BlockSpec((_BLK,), lambda i: (i,)),
        ],
        out_specs=pl.BlockSpec(memory_space=pltpu.SMEM),
        out_shape=jax.ShapeDtypeStruct((1, 2), jnp.float32),
        scratch_shapes=[
            pltpu.SMEM((1,), jnp.float32),
            pltpu.SMEM((1,), jnp.float32),
        ],
    )(ps2, pt2, mask_b)

    out = pl.pallas_call(
        _combine_body,
        in_specs=[
            pl.BlockSpec(memory_space=pltpu.VMEM),
            pl.BlockSpec(memory_space=pltpu.SMEM),
        ],
        out_specs=pl.BlockSpec(memory_space=pltpu.SMEM),
        out_shape=jax.ShapeDtypeStruct((1, 1), jnp.float32),
    )(parts, tc_parts)
    return out[0, 0]

# --- scband reference (transcript-rebuilt; emitter-appended) ---
"""Pipeline reference for scband-i-botloss-45543833207139 (READ-ONLY COPY).

The authoritative reference and input builder live on the scoring server;
editing this copy changes nothing except your own understanding.
"""

import jax, jax.numpy as jnp
import numpy as np

B, N, D = 32, 256, 4096

def setup_inputs(seed: int = 0) -> dict:
    key = jax.random.key(seed)
    k1, k2, k3 = jax.random.split(key, 3)
    # ps/pt are probability distributions over the patch-prototype dim (softmax outputs
    # of student/teacher heads in iBOT), so build them with softmax of gaussian logits.
    ps = jax.nn.softmax(jax.random.normal(k1, (B, N, D), dtype=jnp.float32), axis=-1)
    pt = jax.nn.softmax(jax.random.normal(k2, (B, N, D), dtype=jnp.float32), axis=-1)
    bool_masked_pos = jax.random.bernoulli(k3, 0.5, (B, N))
    return {"ps": ps, "pt": pt, "bool_masked_pos": bool_masked_pos}

def reference(ps, pt, bool_masked_pos):
    # torch: masked_select over masked patch positions, then
    # loss = -(pt_masked * log(ps_masked)).sum(dim=1).mean()
    # Equivalent static-shape form: per-token CE, masked mean over selected tokens.
    m = bool_masked_pos.astype(ps.dtype)  # [B, N]
    per_token = -(pt * jnp.log(ps)).sum(axis=-1)  # [B, N]
    count = jnp.maximum(m.sum(), 1.0)
    loss = (per_token * m).sum() / count
    return loss

if __name__ == "__main__":
    import jax
    _d = setup_inputs()
    print(jax.jit(kernel)(*tuple(_d.values())))

</pallas_src>

<mosaic_0001>
#map = affine_map<(d0, d1) -> (0, 0)>
#map1 = affine_map<(d0, d1) -> (0)>
module attributes {stable_mosaic.version = 14 : i64} {
  func.func @_sc_body(%arg0: i32, %arg1: i32, %arg2: memref<8192x4096xf32, #tpu.memory_space<hbm>>, %arg3: memref<8192x4096xf32, #tpu.memory_space<hbm>>, %arg4: memref<8192xi32, #tpu.memory_space<hbm>>, %arg5: memref<256xf32, #tpu.memory_space<hbm>>, %arg6: memref<32x32xf32, #tpu.memory_space<hbm>>, %arg7: memref<144xi32, #tpu.memory_space<vmem>>, %arg8: memref<304xi32, #tpu.memory_space<vmem>>, %arg9: memref<256xf32, #tpu.memory_space<vmem>>, %arg10: memref<4x4096xf32, #tpu.memory_space<vmem>>, %arg11: memref<4x4096xf32, #tpu.memory_space<vmem>>, %arg12: memref<4x4096xf32, #tpu.memory_space<vmem>>, %arg13: memref<4x4096xf32, #tpu.memory_space<vmem>>, %arg14: memref<4x4096xf32, #tpu.memory_space<vmem>>, %arg15: memref<4x4096xf32, #tpu.memory_space<vmem>>, %arg16: memref<32xf32, #tpu.memory_space<vmem>>, %arg17: memref<!tpu.dma_semaphore, #tpu.memory_space<semaphore_mem>>, %arg18: memref<!tpu.dma_semaphore, #tpu.memory_space<semaphore_mem>>, %arg19: memref<!tpu.dma_semaphore, #tpu.memory_space<semaphore_mem>>, %arg20: memref<!tpu.dma_semaphore, #tpu.memory_space<semaphore_mem>>, %arg21: memref<!tpu.dma_semaphore, #tpu.memory_space<semaphore_mem>>, %arg22: memref<!tpu.dma_semaphore, #tpu.memory_space<semaphore_mem>>) attributes {dimension_semantics = [#tpu.dimension_semantics<core_parallel>, #tpu.dimension_semantics<subcore_parallel>], iteration_bounds = array<i64: 2, 16>, scalar_prefetch = 0 : i64, scratch_operands = 16 : i64, tpu.core_type = #tpu.core_type<sc_vector_subcore>, window_params = [{transform_indices = #map}, {transform_indices = #map}, {transform_indices = #map1}, {transform_indices = #map1}, {transform_indices = #map}]} {
    %mul3A = arith.constant 2 : i32
    %mul3A_0 = arith.muli %arg1, %mul3A : i32
    %add3A = arith.addi %mul3A_0, %arg0 : i32
    %mul3A_1 = arith.constant 144 : i32
    %mul3A_2 = arith.muli %add3A, %mul3A_1 : i32
    %add3A_3 = arith.constant 3584 : i32
    %add3A_4 = arith.addi %add3A_3, %mul3A_2 : i32
    %multiple_of3A = tpu.assume_multiple %add3A_4, 144 : i32
    "tpu.region"() ({
      %run_scoped3A = tpu.sem_alloc : memref<!tpu.dma_semaphore, #tpu.memory_space<semaphore_mem>>
      %dma_start3A = tpu.memref_slice %arg4[%multiple_of3A] : memref<8192xi32, #tpu.memory_space<hbm>> -> memref<144xi32, #tpu.memory_space<hbm>>
      %dma_start3A_398 = tpu.memref_slice %arg4[%multiple_of3A] : memref<8192xi32, #tpu.memory_space<hbm>> -> memref<144xi32, #tpu.memory_space<hbm>>
      tpu.enqueue_dma source(%dma_start3A_398 : memref<144xi32, #tpu.memory_space<hbm>>) target(%arg7 : memref<144xi32, #tpu.memory_space<vmem>>) target_semaphore(%run_scoped3A : memref<!tpu.dma_semaphore, #tpu.memory_space<semaphore_mem>>)
      %dma_wait3A = tpu.memref_slice %arg4[%multiple_of3A] : memref<8192xi32, #tpu.memory_space<hbm>> -> memref<144xi32, #tpu.memory_space<hbm>>
      %dma_wait3A_399 = tpu.memref_slice %arg4[%multiple_of3A] : memref<8192xi32, #tpu.memory_space<hbm>> -> memref<144xi32, #tpu.memory_space<hbm>>
      tpu.wait_dma2 semaphore(%run_scoped3A : memref<!tpu.dma_semaphore, #tpu.memory_space<semaphore_mem>>) src(%dma_wait3A_399 : memref<144xi32, #tpu.memory_space<hbm>>) dst(%arg7 : memref<144xi32, #tpu.memory_space<vmem>>)
      tpu.yield
    }) : () -> ()
    "tpu.region"() ({
      %run_scoped3A = tpu.sem_alloc : memref<!tpu.dma_semaphore, #tpu.memory_space<semaphore_mem>>
      tpu.enqueue_dma source(%arg5 : memref<256xf32, #tpu.memory_space<hbm>>) target(%arg9 : memref<256xf32, #tpu.memory_space<vmem>>) target_semaphore(%run_scoped3A : memref<!tpu.dma_semaphore, #tpu.memory_space<semaphore_mem>>)
      tpu.wait_dma2 semaphore(%run_scoped3A : memref<!tpu.dma_semaphore, #tpu.memory_space<semaphore_mem>>) src(%arg5 : memref<256xf32, #tpu.memory_space<hbm>>) dst(%arg9 : memref<256xf32, #tpu.memory_space<vmem>>)
      tpu.yield
    }) : () -> ()
    %iota3A = tpu.iota {dimensions = array<i32: 0>} : vector<16xi32>
    %broadcast_in_dim3A = arith.constant 0 : i32
    %broadcast_in_dim3A_5 = vector.broadcast %broadcast_in_dim3A : i32 to vector<16xi32>
    %add3A_6 = vector.broadcast %multiple_of3A : i32 to vector<16xi32>
    %add3A_7 = arith.addi %broadcast_in_dim3A_5, %add3A_6 : vector<16xi32>
    %swap3A = arith.constant 0 : index
    %swap3A_8 = tpu.vector_load %arg8[%swap3A] {strides = array<i32>} : memref<304xi32, #tpu.memory_space<vmem>>, vector<16xi32>,
    tpu.vector_store %arg8[%swap3A], %add3A_7 {strides = array<i32>} : memref<304xi32, #tpu.memory_space<vmem>>, vector<16xi32>,
    %swap3A_9 = arith.constant 16 : index
    %swap3A_10 = tpu.vector_load %arg8[%swap3A_9] {strides = array<i32>} : memref<304xi32, #tpu.memory_space<vmem>>, vector<16xi32>,
    tpu.vector_store %arg8[%swap3A_9], %add3A_7 {strides = array<i32>} : memref<304xi32, #tpu.memory_space<vmem>>, vector<16xi32>,
    %swap3A_11 = arith.constant 32 : index
    %swap3A_12 = tpu.vector_load %arg8[%swap3A_11] {strides = array<i32>} : memref<304xi32, #tpu.memory_space<vmem>>, vector<16xi32>,
    tpu.vector_store %arg8[%swap3A_11], %add3A_7 {strides = array<i32>} : memref<304xi32, #tpu.memory_space<vmem>>, vector<16xi32>,
    %swap3A_13 = arith.constant 48 : index
    %swap3A_14 = tpu.vector_load %arg8[%swap3A_13] {strides = array<i32>} : memref<304xi32, #tpu.memory_space<vmem>>, vector<16xi32>,
    tpu.vector_store %arg8[%swap3A_13], %add3A_7 {strides = array<i32>} : memref<304xi32, #tpu.memory_space<vmem>>, vector<16xi32>,
    %swap3A_15 = arith.constant 64 : index
    %swap3A_16 = tpu.vector_load %arg8[%swap3A_15] {strides = array<i32>} : memref<304xi32, #tpu.memory_space<vmem>>, vector<16xi32>,
    tpu.vector_store %arg8[%swap3A_15], %add3A_7 {strides = array<i32>} : memref<304xi32, #tpu.memory_space<vmem>>, vector<16xi32>,
    %swap3A_17 = arith.constant 80 : index
    %swap3A_18 = tpu.vector_load %arg8[%swap3A_17] {strides = array<i32>} : memref<304xi32, #tpu.memory_space<vmem>>, vector<16xi32>,
    tpu.vector_store %arg8[%swap3A_17], %add3A_7 {strides = array<i32>} : memref<304xi32, #tpu.memory_space<vmem>>, vector<16xi32>,
    %swap3A_19 = arith.constant 96 : index
    %swap3A_20 = tpu.vector_load %arg8[%swap3A_19] {strides = array<i32>} : memref<304xi32, #tpu.memory_space<vmem>>, vector<16xi32>,
    tpu.vector_store %arg8[%swap3A_19], %add3A_7 {strides = array<i32>} : memref<304xi32, #tpu.memory_space<vmem>>, vector<16xi32>,
    %swap3A_21 = arith.constant 112 : index
    %swap3A_22 = tpu.vector_load %arg8[%swap3A_21] {strides = array<i32>} : memref<304xi32, #tpu.memory_space<vmem>>, vector<16xi32>,
    tpu.vector_store %arg8[%swap3A_21], %add3A_7 {strides = array<i32>} : memref<304xi32, #tpu.memory_space<vmem>>, vector<16xi32>,
    %swap3A_23 = arith.constant 128 : index
    %swap3A_24 = tpu.vector_load %arg8[%swap3A_23] {strides = array<i32>} : memref<304xi32, #tpu.memory_space<vmem>>, vector<16xi32>,
    tpu.vector_store %arg8[%swap3A_23], %add3A_7 {strides = array<i32>} : memref<304xi32, #tpu.memory_space<vmem>>, vector<16xi32>,
    %swap3A_25 = arith.constant 144 : index
    %swap3A_26 = tpu.vector_load %arg8[%swap3A_25] {strides = array<i32>} : memref<304xi32, #tpu.memory_space<vmem>>, vector<16xi32>,
    tpu.vector_store %arg8[%swap3A_25], %add3A_7 {strides = array<i32>} : memref<304xi32, #tpu.memory_space<vmem>>, vector<16xi32>,
    %swap3A_27 = arith.constant 160 : index
    %swap3A_28 = tpu.vector_load %arg8[%swap3A_27] {strides = array<i32>} : memref<304xi32, #tpu.memory_space<vmem>>, vector<16xi32>,
    tpu.vector_store %arg8[%swap3A_27], %add3A_7 {strides = array<i32>} : memref<304xi32, #tpu.memory_space<vmem>>, vector<16xi32>,
    %swap3A_29 = arith.constant 176 : index
    %swap3A_30 = tpu.vector_load %arg8[%swap3A_29] {strides = array<i32>} : memref<304xi32, #tpu.memory_space<vmem>>, vector<16xi32>,
    tpu.vector_store %arg8[%swap3A_29], %add3A_7 {strides = array<i32>} : memref<304xi32, #tpu.memory_space<vmem>>, vector<16xi32>,
    %swap3A_31 = arith.constant 192 : index
    %swap3A_32 = tpu.vector_load %arg8[%swap3A_31] {strides = array<i32>} : memref<304xi32, #tpu.memory_space<vmem>>, vector<16xi32>,
    tpu.vector_store %arg8[%swap3A_31], %add3A_7 {strides = array<i32>} : memref<304xi32, #tpu.memory_space<vmem>>, vector<16xi32>,
    %swap3A_33 = arith.constant 208 : index
    %swap3A_34 = tpu.vector_load %arg8[%swap3A_33] {strides = array<i32>} : memref<304xi32, #tpu.memory_space<vmem>>, vector<16xi32>,
    tpu.vector_store %arg8[%swap3A_33], %add3A_7 {strides = array<i32>} : memref<304xi32, #tpu.memory_space<vmem>>, vector<16xi32>,
    %swap3A_35 = arith.constant 224 : index
    %swap3A_36 = tpu.vector_load %arg8[%swap3A_35] {strides = array<i32>} : memref<304xi32, #tpu.memory_space<vmem>>, vector<16xi32>,
    tpu.vector_store %arg8[%swap3A_35], %add3A_7 {strides = array<i32>} : memref<304xi32, #tpu.memory_space<vmem>>, vector<16xi32>,
    %swap3A_37 = arith.constant 240 : index
    %swap3A_38 = tpu.vector_load %arg8[%swap3A_37] {strides = array<i32>} : memref<304xi32, #tpu.memory_space<vmem>>, vector<16xi32>,
    tpu.vector_store %arg8[%swap3A_37], %add3A_7 {strides = array<i32>} : memref<304xi32, #tpu.memory_space<vmem>>, vector<16xi32>,
    %swap3A_39 = arith.constant 256 : index
    %swap3A_40 = tpu.vector_load %arg8[%swap3A_39] {strides = array<i32>} : memref<304xi32, #tpu.memory_space<vmem>>, vector<16xi32>,
    tpu.vector_store %arg8[%swap3A_39], %add3A_7 {strides = array<i32>} : memref<304xi32, #tpu.memory_space<vmem>>, vector<16xi32>,
    %swap3A_41 = arith.constant 272 : index
    %swap3A_42 = tpu.vector_load %arg8[%swap3A_41] {strides = array<i32>} : memref<304xi32, #tpu.memory_space<vmem>>, vector<16xi32>,
    tpu.vector_store %arg8[%swap3A_41], %add3A_7 {strides = array<i32>} : memref<304xi32, #tpu.memory_space<vmem>>, vector<16xi32>,
    %swap3A_43 = arith.constant 288 : index
    %swap3A_44 = tpu.vector_load %arg8[%swap3A_43] {strides = array<i32>} : memref<304xi32, #tpu.memory_space<vmem>>, vector<16xi32>,
    tpu.vector_store %arg8[%swap3A_43], %add3A_7 {strides = array<i32>} : memref<304xi32, #tpu.memory_space<vmem>>, vector<16xi32>,
    %get3A = arith.constant 0 : index
    %get3A_45 = tpu.vector_load %arg7[%get3A] {strides = array<i32>} : memref<144xi32, #tpu.memory_space<vmem>>, vector<16xi32>,
    %broadcast_in_dim3A_46 = arith.constant true
    %broadcast_in_dim3A_47 = vector.broadcast %broadcast_in_dim3A_46 : i1 to vector<16xi1>
    %masked_cumsum3A = tpu.scan <sum>, %get3A_45 masked %broadcast_in_dim3A_47 : vector<16xi32>, vector<16xi1> -> vector<16xi32>
    %sub3A = arith.constant 0 : i32
    %sub3A_48 = arith.constant 1 : i32
    %sub3A_49 = arith.subi %sub3A, %sub3A_48 : i32
    %add3A_50 = vector.broadcast %sub3A_49 : i32 to vector<16xi32>
    %add3A_51 = arith.addi %masked_cumsum3A, %add3A_50 : vector<16xi32>
    %shift_right_logical3A = arith.constant 2 : i32
    %shift_right_logical3A_52 = vector.broadcast %shift_right_logical3A : i32 to vector<16xi32>
    %shift_right_logical3A_53 = arith.shrui %add3A_51, %shift_right_logical3A_52 : vector<16xi32>
    %shift_left3A = arith.constant 3 : i32
    %shift_left3A_54 = vector.broadcast %shift_left3A : i32 to vector<16xi32>
    %shift_left3A_55 = arith.shli %shift_right_logical3A_53, %shift_left3A_54 : vector<16xi32>
    %and3A = arith.constant 3 : i32
    %and3A_56 = vector.broadcast %and3A : i32 to vector<16xi32>
    %and3A_57 = arith.andi %add3A_51, %and3A_56 : vector<16xi32>
    %or3A = arith.ori %shift_left3A_55, %and3A_57 : vector<16xi32>
    %add3A_58 = arith.constant 0 : i32
    %add3A_59 = vector.broadcast %add3A_58 : i32 to vector<16xi32>
    %add3A_60 = arith.addi %add3A_7, %add3A_59 : vector<16xi32>
    %add3A_61 = arith.addi %add3A_60, %iota3A : vector<16xi32>
    %gt3A = arith.constant 0 : i32
    %gt3A_62 = vector.broadcast %gt3A : i32 to vector<16xi32>
    %gt3A_63 = arith.cmpi sgt, %get3A_45, %gt3A_62 : vector<16xi32>
    tpu.vector_store_idx %arg8[%or3A], %add3A_61 masked %gt3A_63 : memref<304xi32, #tpu.memory_space<vmem>>[vector<16xi32>], vector<16xi32>, vector<16xi1>
    %reduce_sum3A = arith.constant true
    %reduce_sum3A_64 = vector.broadcast %reduce_sum3A : i1 to vector<16xi1>
    %reduce_sum3A_65 = tpu.scan <sum>, %get3A_45 masked %reduce_sum3A_64 : vector<16xi32>, vector<16xi1> -> vector<16xi32>
    %reduce_sum3A_66 = vector.extract %reduce_sum3A_65[15] : i32 from vector<16xi32>
    %add3A_67 = arith.constant 0 : i32
    %add3A_68 = arith.addi %add3A_67, %reduce_sum3A_66 : i32
    %get3A_69 = arith.constant 16 : index
    %get3A_70 = tpu.vector_load %arg7[%get3A_69] {strides = array<i32>} : memref<144xi32, #tpu.memory_space<vmem>>, vector<16xi32>,
    %broadcast_in_dim3A_71 = arith.constant true
    %broadcast_in_dim3A_72 = vector.broadcast %broadcast_in_dim3A_71 : i1 to vector<16xi1>
    %masked_cumsum3A_73 = tpu.scan <sum>, %get3A_70 masked %broadcast_in_dim3A_72 : vector<16xi32>, vector<16xi1> -> vector<16xi32>
    %sub3A_74 = arith.constant 1 : i32
    %sub3A_75 = arith.subi %add3A_68, %sub3A_74 : i32
    %add3A_76 = vector.broadcast %sub3A_75 : i32 to vector<16xi32>
    %add3A_77 = arith.addi %masked_cumsum3A_73, %add3A_76 : vector<16xi32>
    %shift_right_logical3A_78 = arith.constant 2 : i32
    %shift_right_logical3A_79 = vector.broadcast %shift_right_logical3A_78 : i32 to vector<16xi32>
    %shift_right_logical3A_80 = arith.shrui %add3A_77, %shift_right_logical3A_79 : vector<16xi32>
    %shift_left3A_81 = arith.constant 3 : i32
    %shift_left3A_82 = vector.broadcast %shift_left3A_81 : i32 to vector<16xi32>
    %shift_left3A_83 = arith.shli %shift_right_logical3A_80, %shift_left3A_82 : vector<16xi32>
    %and3A_84 = arith.constant 3 : i32
    %and3A_85 = vector.broadcast %and3A_84 : i32 to vector<16xi32>
    %and3A_86 = arith.andi %add3A_77, %and3A_85 : vector<16xi32>
    %or3A_87 = arith.ori %shift_left3A_83, %and3A_86 : vector<16xi32>
    %add3A_88 = arith.constant 16 : i32
    %add3A_89 = vector.broadcast %add3A_88 : i32 to vector<16xi32>
    %add3A_90 = arith.addi %add3A_7, %add3A_89 : vector<16xi32>
    %add3A_91 = arith.addi %add3A_90, %iota3A : vector<16xi32>
    %gt3A_92 = arith.constant 0 : i32
    %gt3A_93 = vector.broadcast %gt3A_92 : i32 to vector<16xi32>
    %gt3A_94 = arith.cmpi sgt, %get3A_70, %gt3A_93 : vector<16xi32>
    tpu.vector_store_idx %arg8[%or3A_87], %add3A_91 masked %gt3A_94 : memref<304xi32, #tpu.memory_space<vmem>>[vector<16xi32>], vector<16xi32>, vector<16xi1>
    %reduce_sum3A_95 = arith.constant true
    %reduce_sum3A_96 = vector.broadcast %reduce_sum3A_95 : i1 to vector<16xi1>
    %reduce_sum3A_97 = tpu.scan <sum>, %get3A_70 masked %reduce_sum3A_96 : vector<16xi32>, vector<16xi1> -> vector<16xi32>
    %reduce_sum3A_98 = vector.extract %reduce_sum3A_97[15] : i32 from vector<16xi32>
    %add3A_99 = arith.addi %add3A_68, %reduce_sum3A_98 : i32
    %get3A_100 = arith.constant 32 : index
    %get3A_101 = tpu.vector_load %arg7[%get3A_100] {strides = array<i32>} : memref<144xi32, #tpu.memory_space<vmem>>, vector<16xi32>,
    %broadcast_in_dim3A_102 = arith.constant true
    %broadcast_in_dim3A_103 = vector.broadcast %broadcast_in_dim3A_102 : i1 to vector<16xi1>
    %masked_cumsum3A_104 = tpu.scan <sum>, %get3A_101 masked %broadcast_in_dim3A_103 : vector<16xi32>, vector<16xi1> -> vector<16xi32>
    %sub3A_105 = arith.constant 1 : i32
    %sub3A_106 = arith.subi %add3A_99, %sub3A_105 : i32
    %add3A_107 = vector.broadcast %sub3A_106 : i32 to vector<16xi32>
    %add3A_108 = arith.addi %masked_cumsum3A_104, %add3A_107 : vector<16xi32>
    %shift_right_logical3A_109 = arith.constant 2 : i32
    %shift_right_logical3A_110 = vector.broadcast %shift_right_logical3A_109 : i32 to vector<16xi32>
    %shift_right_logical3A_111 = arith.shrui %add3A_108, %shift_right_logical3A_110 : vector<16xi32>
    %shift_left3A_112 = arith.constant 3 : i32
    %shift_left3A_113 = vector.broadcast %shift_left3A_112 : i32 to vector<16xi32>
    %shift_left3A_114 = arith.shli %shift_right_logical3A_111, %shift_left3A_113 : vector<16xi32>
    %and3A_115 = arith.constant 3 : i32
    %and3A_116 = vector.broadcast %and3A_115 : i32 to vector<16xi32>
    %and3A_117 = arith.andi %add3A_108, %and3A_116 : vector<16xi32>
    %or3A_118 = arith.ori %shift_left3A_114, %and3A_117 : vector<16xi32>
    %add3A_119 = arith.constant 32 : i32
    %add3A_120 = vector.broadcast %add3A_119 : i32 to vector<16xi32>
    %add3A_121 = arith.addi %add3A_7, %add3A_120 : vector<16xi32>
    %add3A_122 = arith.addi %add3A_121, %iota3A : vector<16xi32>
    %gt3A_123 = arith.constant 0 : i32
    %gt3A_124 = vector.broadcast %gt3A_123 : i32 to vector<16xi32>
    %gt3A_125 = arith.cmpi sgt, %get3A_101, %gt3A_124 : vector<16xi32>
    tpu.vector_store_idx %arg8[%or3A_118], %add3A_122 masked %gt3A_125 : memref<304xi32, #tpu.memory_space<vmem>>[vector<16xi32>], vector<16xi32>, vector<16xi1>
    %reduce_sum3A_126 = arith.constant true
    %reduce_sum3A_127 = vector.broadcast %reduce_sum3A_126 : i1 to vector<16xi1>
    %reduce_sum3A_128 = tpu.scan <sum>, %get3A_101 masked %reduce_sum3A_127 : vector<16xi32>, vector<16xi1> -> vector<16xi32>
    %reduce_sum3A_129 = vector.extract %reduce_sum3A_128[15] : i32 from vector<16xi32>
    %add3A_130 = arith.addi %add3A_99, %reduce_sum3A_129 : i32
    %get3A_131 = arith.constant 48 : index
    %get3A_132 = tpu.vector_load %arg7[%get3A_131] {strides = array<i32>} : memref<144xi32, #tpu.memory_space<vmem>>, vector<16xi32>,
    %broadcast_in_dim3A_133 = arith.constant true
    %broadcast_in_dim3A_134 = vector.broadcast %broadcast_in_dim3A_133 : i1 to vector<16xi1>
    %masked_cumsum3A_135 = tpu.scan <sum>, %get3A_132 masked %broadcast_in_dim3A_134 : vector<16xi32>, vector<16xi1> -> vector<16xi32>
    %sub3A_136 = arith.constant 1 : i32
    %sub3A_137 = arith.subi %add3A_130, %sub3A_136 : i32
    %add3A_138 = vector.broadcast %sub3A_137 : i32 to vector<16xi32>
    %add3A_139 = arith.addi %masked_cumsum3A_135, %add3A_138 : vector<16xi32>
    %shift_right_logical3A_140 = arith.constant 2 : i32
    %shift_right_logical3A_141 = vector.broadcast %shift_right_logical3A_140 : i32 to vector<16xi32>
    %shift_right_logical3A_142 = arith.shrui %add3A_139, %shift_right_logical3A_141 : vector<16xi32>
    %shift_left3A_143 = arith.constant 3 : i32
    %shift_left3A_144 = vector.broadcast %shift_left3A_143 : i32 to vector<16xi32>
    %shift_left3A_145 = arith.shli %shift_right_logical3A_142, %shift_left3A_144 : vector<16xi32>
    %and3A_146 = arith.constant 3 : i32
    %and3A_147 = vector.broadcast %and3A_146 : i32 to vector<16xi32>
    %and3A_148 = arith.andi %add3A_139, %and3A_147 : vector<16xi32>
    %or3A_149 = arith.ori %shift_left3A_145, %and3A_148 : vector<16xi32>
    %add3A_150 = arith.constant 48 : i32
    %add3A_151 = vector.broadcast %add3A_150 : i32 to vector<16xi32>
    %add3A_152 = arith.addi %add3A_7, %add3A_151 : vector<16xi32>
    %add3A_153 = arith.addi %add3A_152, %iota3A : vector<16xi32>
    %gt3A_154 = arith.constant 0 : i32
    %gt3A_155 = vector.broadcast %gt3A_154 : i32 to vector<16xi32>
    %gt3A_156 = arith.cmpi sgt, %get3A_132, %gt3A_155 : vector<16xi32>
    tpu.vector_store_idx %arg8[%or3A_149], %add3A_153 masked %gt3A_156 : memref<304xi32, #tpu.memory_space<vmem>>[vector<16xi32>], vector<16xi32>, vector<16xi1>
    %reduce_sum3A_157 = arith.constant true
    %reduce_sum3A_158 = vector.broadcast %reduce_sum3A_157 : i1 to vector<16xi1>
    %reduce_sum3A_159 = tpu.scan <sum>, %get3A_132 masked %reduce_sum3A_158 : vector<16xi32>, vector<16xi1> -> vector<16xi32>
    %reduce_sum3A_160 = vector.extract %reduce_sum3A_159[15] : i32 from vector<16xi32>
    %add3A_161 = arith.addi %add3A_130, %reduce_sum3A_160 : i32
    %get3A_162 = arith.constant 64 : index
    %get3A_163 = tpu.vector_load %arg7[%get3A_162] {strides = array<i32>} : memref<144xi32, #tpu.memory_space<vmem>>, vector<16xi32>,
    %broadcast_in_dim3A_164 = arith.constant true
    %broadcast_in_dim3A_165 = vector.broadcast %broadcast_in_dim3A_164 : i1 to vector<16xi1>
    %masked_cumsum3A_166 = tpu.scan <sum>, %get3A_163 masked %broadcast_in_dim3A_165 : vector<16xi32>, vector<16xi1> -> vector<16xi32>
    %sub3A_167 = arith.constant 1 : i32
    %sub3A_168 = arith.subi %add3A_161, %sub3A_167 : i32
    %add3A_169 = vector.broadcast %sub3A_168 : i32 to vector<16xi32>
    %add3A_170 = arith.addi %masked_cumsum3A_166, %add3A_169 : vector<16xi32>
    %shift_right_logical3A_171 = arith.constant 2 : i32
    %shift_right_logical3A_172 = vector.broadcast %shift_right_logical3A_171 : i32 to vector<16xi32>
    %shift_right_logical3A_173 = arith.shrui %add3A_170, %shift_right_logical3A_172 : vector<16xi32>
    %shift_left3A_174 = arith.constant 3 : i32
    %shift_left3A_175 = vector.broadcast %shift_left3A_174 : i32 to vector<16xi32>
    %shift_left3A_176 = arith.shli %shift_right_logical3A_173, %shift_left3A_175 : vector<16xi32>
    %and3A_177 = arith.constant 3 : i32
    %and3A_178 = vector.broadcast %and3A_177 : i32 to vector<16xi32>
    %and3A_179 = arith.andi %add3A_170, %and3A_178 : vector<16xi32>
    %or3A_180 = arith.ori %shift_left3A_176, %and3A_179 : vector<16xi32>
    %add3A_181 = arith.constant 64 : i32
    %add3A_182 = vector.broadcast %add3A_181 : i32 to vector<16xi32>
    %add3A_183 = arith.addi %add3A_7, %add3A_182 : vector<16xi32>
    %add3A_184 = arith.addi %add3A_183, %iota3A : vector<16xi32>
    %gt3A_185 = arith.constant 0 : i32
    %gt3A_186 = vector.broadcast %gt3A_185 : i32 to vector<16xi32>
    %gt3A_187 = arith.cmpi sgt, %get3A_163, %gt3A_186 : vector<16xi32>
    tpu.vector_store_idx %arg8[%or3A_180], %add3A_184 masked %gt3A_187 : memref<304xi32, #tpu.memory_space<vmem>>[vector<16xi32>], vector<16xi32>, vector<16xi1>
    %reduce_sum3A_188 = arith.constant true
    %reduce_sum3A_189 = vector.broadcast %reduce_sum3A_188 : i1 to vector<16xi1>
    %reduce_sum3A_190 = tpu.scan <sum>, %get3A_163 masked %reduce_sum3A_189 : vector<16xi32>, vector<16xi1> -> vector<16xi32>
    %reduce_sum3A_191 = vector.extract %reduce_sum3A_190[15] : i32 from vector<16xi32>
    %add3A_192 = arith.addi %add3A_161, %reduce_sum3A_191 : i32
    %get3A_193 = arith.constant 80 : index
    %get3A_194 = tpu.vector_load %arg7[%get3A_193] {strides = array<i32>} : memref<144xi32, #tpu.memory_space<vmem>>, vector<16xi32>,
    %broadcast_in_dim3A_195 = arith.constant true
    %broadcast_in_dim3A_196 = vector.broadcast %broadcast_in_dim3A_195 : i1 to vector<16xi1>
    %masked_cumsum3A_197 = tpu.scan <sum>, %get3A_194 masked %broadcast_in_dim3A_196 : vector<16xi32>, vector<16xi1> -> vector<16xi32>
    %sub3A_198 = arith.constant 1 : i32
    %sub3A_199 = arith.subi %add3A_192, %sub3A_198 : i32
    %add3A_200 = vector.broadcast %sub3A_199 : i32 to vector<16xi32>
    %add3A_201 = arith.addi %masked_cumsum3A_197, %add3A_200 : vector<16xi32>
    %shift_right_logical3A_202 = arith.constant 2 : i32
    %shift_right_logical3A_203 = vector.broadcast %shift_right_logical3A_202 : i32 to vector<16xi32>
    %shift_right_logical3A_204 = arith.shrui %add3A_201, %shift_right_logical3A_203 : vector<16xi32>
    %shift_left3A_205 = arith.constant 3 : i32
    %shift_left3A_206 = vector.broadcast %shift_left3A_205 : i32 to vector<16xi32>
    %shift_left3A_207 = arith.shli %shift_right_logical3A_204, %shift_left3A_206 : vector<16xi32>
    %and3A_208 = arith.constant 3 : i32
    %and3A_209 = vector.broadcast %and3A_208 : i32 to vector<16xi32>
    %and3A_210 = arith.andi %add3A_201, %and3A_209 : vector<16xi32>
    %or3A_211 = arith.ori %shift_left3A_207, %and3A_210 : vector<16xi32>
    %add3A_212 = arith.constant 80 : i32
    %add3A_213 = vector.broadcast %add3A_212 : i32 to vector<16xi32>
    %add3A_214 = arith.addi %add3A_7, %add3A_213 : vector<16xi32>
    %add3A_215 = arith.addi %add3A_214, %iota3A : vector<16xi32>
    %gt3A_216 = arith.constant 0 : i32
    %gt3A_217 = vector.broadcast %gt3A_216 : i32 to vector<16xi32>
    %gt3A_218 = arith.cmpi sgt, %get3A_194, %gt3A_217 : vector<16xi32>
    tpu.vector_store_idx %arg8[%or3A_211], %add3A_215 masked %gt3A_218 : memref<304xi32, #tpu.memory_space<vmem>>[vector<16xi32>], vector<16xi32>, vector<16xi1>
    %reduce_sum3A_219 = arith.constant true
    %reduce_sum3A_220 = vector.broadcast %reduce_sum3A_219 : i1 to vector<16xi1>
    %reduce_sum3A_221 = tpu.scan <sum>, %get3A_194 masked %reduce_sum3A_220 : vector<16xi32>, vector<16xi1> -> vector<16xi32>
    %reduce_sum3A_222 = vector.extract %reduce_sum3A_221[15] : i32 from vector<16xi32>
    %add3A_223 = arith.addi %add3A_192, %reduce_sum3A_222 : i32
    %get3A_224 = arith.constant 96 : index
    %get3A_225 = tpu.vector_load %arg7[%get3A_224] {strides = array<i32>} : memref<144xi32, #tpu.memory_space<vmem>>, vector<16xi32>,
    %broadcast_in_dim3A_226 = arith.constant true
    %broadcast_in_dim3A_227 = vector.broadcast %broadcast_in_dim3A_226 : i1 to vector<16xi1>
    %masked_cumsum3A_228 = tpu.scan <sum>, %get3A_225 masked %broadcast_in_dim3A_227 : vector<16xi32>, vector<16xi1> -> vector<16xi32>
    %sub3A_229 = arith.constant 1 : i32
    %sub3A_230 = arith.subi %add3A_223, %sub3A_229 : i32
    %add3A_231 = vector.broadcast %sub3A_230 : i32 to vector<16xi32>
    %add3A_232 = arith.addi %masked_cumsum3A_228, %add3A_231 : vector<16xi32>
    %shift_right_logical3A_233 = arith.constant 2 : i32
    %shift_right_logical3A_234 = vector.broadcast %shift_right_logical3A_233 : i32 to vector<16xi32>
    %shift_right_logical3A_235 = arith.shrui %add3A_232, %shift_right_logical3A_234 : vector<16xi32>
    %shift_left3A_236 = arith.constant 3 : i32
    %shift_left3A_237 = vector.broadcast %shift_left3A_236 : i32 to vector<16xi32>
    %shift_left3A_238 = arith.shli %shift_right_logical3A_235, %shift_left3A_237 : vector<16xi32>
    %and3A_239 = arith.constant 3 : i32
    %and3A_240 = vector.broadcast %and3A_239 : i32 to vector<16xi32>
    %and3A_241 = arith.andi %add3A_232, %and3A_240 : vector<16xi32>
    %or3A_242 = arith.ori %shift_left3A_238, %and3A_241 : vector<16xi32>
    %add3A_243 = arith.constant 96 : i32
    %add3A_244 = vector.broadcast %add3A_243 : i32 to vector<16xi32>
    %add3A_245 = arith.addi %add3A_7, %add3A_244 : vector<16xi32>
    %add3A_246 = arith.addi %add3A_245, %iota3A : vector<16xi32>
    %gt3A_247 = arith.constant 0 : i32
    %gt3A_248 = vector.broadcast %gt3A_247 : i32 to vector<16xi32>
    %gt3A_249 = arith.cmpi sgt, %get3A_225, %gt3A_248 : vector<16xi32>
    tpu.vector_store_idx %arg8[%or3A_242], %add3A_246 masked %gt3A_249 : memref<304xi32, #tpu.memory_space<vmem>>[vector<16xi32>], vector<16xi32>, vector<16xi1>
    %reduce_sum3A_250 = arith.constant true
    %reduce_sum3A_251 = vector.broadcast %reduce_sum3A_250 : i1 to vector<16xi1>
    %reduce_sum3A_252 = tpu.scan <sum>, %get3A_225 masked %reduce_sum3A_251 : vector<16xi32>, vector<16xi1> -> vector<16xi32>
    %reduce_sum3A_253 = vector.extract %reduce_sum3A_252[15] : i32 from vector<16xi32>
    %add3A_254 = arith.addi %add3A_223, %reduce_sum3A_253 : i32
    %get3A_255 = arith.constant 112 : index
    %get3A_256 = tpu.vector_load %arg7[%get3A_255] {strides = array<i32>} : memref<144xi32, #tpu.memory_space<vmem>>, vector<16xi32>,
    %broadcast_in_dim3A_257 = arith.constant true
    %broadcast_in_dim3A_258 = vector.broadcast %broadcast_in_dim3A_257 : i1 to vector<16xi1>
    %masked_cumsum3A_259 = tpu.scan <sum>, %get3A_256 masked %broadcast_in_dim3A_258 : vector<16xi32>, vector<16xi1> -> vector<16xi32>
    %sub3A_260 = arith.constant 1 : i32
    %sub3A_261 = arith.subi %add3A_254, %sub3A_260 : i32
    %add3A_262 = vector.broadcast %sub3A_261 : i32 to vector<16xi32>
    %add3A_263 = arith.addi %masked_cumsum3A_259, %add3A_262 : vector<16xi32>
    %shift_right_logical3A_264 = arith.constant 2 : i32
    %shift_right_logical3A_265 = vector.broadcast %shift_right_logical3A_264 : i32 to vector<16xi32>
    %shift_right_logical3A_266 = arith.shrui %add3A_263, %shift_right_logical3A_265 : vector<16xi32>
    %shift_left3A_267 = arith.constant 3 : i32
    %shift_left3A_268 = vector.broadcast %shift_left3A_267 : i32 to vector<16xi32>
    %shift_left3A_269 = arith.shli %shift_right_logical3A_266, %shift_left3A_268 : vector<16xi32>
    %and3A_270 = arith.constant 3 : i32
    %and3A_271 = vector.broadcast %and3A_270 : i32 to vector<16xi32>
    %and3A_272 = arith.andi %add3A_263, %and3A_271 : vector<16xi32>
    %or3A_273 = arith.ori %shift_left3A_269, %and3A_272 : vector<16xi32>
    %add3A_274 = arith.constant 112 : i32
    %add3A_275 = vector.broadcast %add3A_274 : i32 to vector<16xi32>
    %add3A_276 = arith.addi %add3A_7, %add3A_275 : vector<16xi32>
    %add3A_277 = arith.addi %add3A_276, %iota3A : vector<16xi32>
    %gt3A_278 = arith.constant 0 : i32
    %gt3A_279 = vector.broadcast %gt3A_278 : i32 to vector<16xi32>
    %gt3A_280 = arith.cmpi sgt, %get3A_256, %gt3A_279 : vector<16xi32>
    tpu.vector_store_idx %arg8[%or3A_273], %add3A_277 masked %gt3A_280 : memref<304xi32, #tpu.memory_space<vmem>>[vector<16xi32>], vector<16xi32>, vector<16xi1>
    %reduce_sum3A_281 = arith.constant true
    %reduce_sum3A_282 = vector.broadcast %reduce_sum3A_281 : i1 to vector<16xi1>
    %reduce_sum3A_283 = tpu.scan <sum>, %get3A_256 masked %reduce_sum3A_282 : vector<16xi32>, vector<16xi1> -> vector<16xi32>
    %reduce_sum3A_284 = vector.extract %reduce_sum3A_283[15] : i32 from vector<16xi32>
    %add3A_285 = arith.addi %add3A_254, %reduce_sum3A_284 : i32
    %get3A_286 = arith.constant 128 : index
    %get3A_287 = tpu.vector_load %arg7[%get3A_286] {strides = array<i32>} : memref<144xi32, #tpu.memory_space<vmem>>, vector<16xi32>,
    %broadcast_in_dim3A_288 = arith.constant true
    %broadcast_in_dim3A_289 = vector.broadcast %broadcast_in_dim3A_288 : i1 to vector<16xi1>
    %masked_cumsum3A_290 = tpu.scan <sum>, %get3A_287 masked %broadcast_in_dim3A_289 : vector<16xi32>, vector<16xi1> -> vector<16xi32>
    %sub3A_291 = arith.constant 1 : i32
    %sub3A_292 = arith.subi %add3A_285, %sub3A_291 : i32
    %add3A_293 = vector.broadcast %sub3A_292 : i32 to vector<16xi32>
    %add3A_294 = arith.addi %masked_cumsum3A_290, %add3A_293 : vector<16xi32>
    %shift_right_logical3A_295 = arith.constant 2 : i32
    %shift_right_logical3A_296 = vector.broadcast %shift_right_logical3A_295 : i32 to vector<16xi32>
    %shift_right_logical3A_297 = arith.shrui %add3A_294, %shift_right_logical3A_296 : vector<16xi32>
    %shift_left3A_298 = arith.constant 3 : i32
    %shift_left3A_299 = vector.broadcast %shift_left3A_298 : i32 to vector<16xi32>
    %shift_left3A_300 = arith.shli %shift_right_logical3A_297, %shift_left3A_299 : vector<16xi32>
    %and3A_301 = arith.constant 3 : i32
    %and3A_302 = vector.broadcast %and3A_301 : i32 to vector<16xi32>
    %and3A_303 = arith.andi %add3A_294, %and3A_302 : vector<16xi32>
    %or3A_304 = arith.ori %shift_left3A_300, %and3A_303 : vector<16xi32>
    %add3A_305 = arith.constant 128 : i32
    %add3A_306 = vector.broadcast %add3A_305 : i32 to vector<16xi32>
    %add3A_307 = arith.addi %add3A_7, %add3A_306 : vector<16xi32>
    %add3A_308 = arith.addi %add3A_307, %iota3A : vector<16xi32>
    %gt3A_309 = arith.constant 0 : i32
    %gt3A_310 = vector.broadcast %gt3A_309 : i32 to vector<16xi32>
    %gt3A_311 = arith.cmpi sgt, %get3A_287, %gt3A_310 : vector<16xi32>
    tpu.vector_store_idx %arg8[%or3A_304], %add3A_308 masked %gt3A_311 : memref<304xi32, #tpu.memory_space<vmem>>[vector<16xi32>], vector<16xi32>, vector<16xi1>
    %reduce_sum3A_312 = arith.constant true
    %reduce_sum3A_313 = vector.broadcast %reduce_sum3A_312 : i1 to vector<16xi1>
    %reduce_sum3A_314 = tpu.scan <sum>, %get3A_287 masked %reduce_sum3A_313 : vector<16xi32>, vector<16xi1> -> vector<16xi32>
    %reduce_sum3A_315 = vector.extract %reduce_sum3A_314[15] : i32 from vector<16xi32>
    %add3A_316 = arith.addi %add3A_285, %reduce_sum3A_315 : i32
    %add3A_317 = arith.constant 4 : i32
    %add3A_318 = arith.addi %add3A_316, %add3A_317 : i32
    %sub3A_319 = arith.constant 1 : i32
    %sub3A_320 = arith.subi %add3A_318, %sub3A_319 : i32
    %jit3A = arith.constant 4 : i32
    %div3A = arith.divsi %sub3A_320, %jit3A : i32
    %sign3A = arith.constant 0 : i32
    %sign3A_321 = arith.cmpi sgt, %sub3A_320, %sign3A : i32
    %sign3A_322 = arith.extui %sign3A_321 : i1 to i32
    %sign3A_323 = arith.constant 0 : i32
    %sign3A_324 = arith.cmpi slt, %sub3A_320, %sign3A_323 : i32
    %sign3A_325 = arith.extui %sign3A_324 : i1 to i32
    %sign3A_326 = arith.subi %sign3A_322, %sign3A_325 : i32
    %sign3A_327 = arith.constant 0 : i32
    %sign3A_328 = arith.cmpi sgt, %jit3A, %sign3A_327 : i32
    %sign3A_329 = arith.extui %sign3A_328 : i1 to i32
    %sign3A_330 = arith.constant 0 : i32
    %sign3A_331 = arith.cmpi slt, %jit3A, %sign3A_330 : i32
    %sign3A_332 = arith.extui %sign3A_331 : i1 to i32
    %sign3A_333 = arith.subi %sign3A_329, %sign3A_332 : i32
    %ne3A = arith.cmpi ne, %sign3A_326, %sign3A_333 : i32
    %rem3A = arith.remsi %sub3A_320, %jit3A : i32
    %ne3A_334 = arith.constant 0 : i32
    %ne3A_335 = arith.cmpi ne, %rem3A, %ne3A_334 : i32
    %and3A_336 = arith.andi %ne3A, %ne3A_335 : i1
    %sub3A_337 = arith.constant 1 : i32
    %sub3A_338 = arith.subi %div3A, %sub3A_337 : i32
    %select_n3A = arith.select %and3A_336, %sub3A_338, %div3A : i32
    %broadcast_in_dim3A_339 = arith.constant 0.000000e+00 : f32
    %broadcast_in_dim3A_340 = vector.broadcast %broadcast_in_dim3A_339 : f32 to vector<16xf32>
    %gt3A_341 = arith.constant 0 : i32
    %gt3A_342 = arith.cmpi sgt, %select_n3A, %gt3A_341 : i32
    %convert_element_type3A = arith.extui %gt3A_342 : i1 to i32
    %cond3A = arith.constant 0 : i32
    %cond3A_343 = arith.cmpi ne, %convert_element_type3A, %cond3A : i32
    scf.if %cond3A_343 {
      %dma_start3A = arith.constant 0 : i32
      %dma_start3A_398 = tpu.memref_slice %arg8[%dma_start3A] : memref<304xi32, #tpu.memory_space<vmem>> -> memref<4xi32, #tpu.memory_space<vmem>>
      %dma_start3A_399 = arith.constant 0 : i32
      %dma_start3A_400 = arith.constant 0 : i32
      %dma_start3A_401 = tpu.memref_slice %arg2[%dma_start3A_399, %dma_start3A_400] : memref<8192x4096xf32, #tpu.memory_space<hbm>> -> memref<8192x4096xf32, #tpu.memory_space<hbm>>
      tpu.enqueue_indirect_dma source(%dma_start3A_401 : memref<8192x4096xf32, #tpu.memory_space<hbm>>) target(%arg10 : memref<4x4096xf32, #tpu.memory_space<vmem>>) offsets(%dma_start3A_398 : memref<4xi32, #tpu.memory_space<vmem>>) semaphore(%arg17 : memref<!tpu.dma_semaphore, #tpu.memory_space<semaphore_mem>>)
      %dma_start3A_402 = arith.constant 0 : i32
      %dma_start3A_403 = tpu.memref_slice %arg8[%dma_start3A_402] : memref<304xi32, #tpu.memory_space<vmem>> -> memref<4xi32, #tpu.memory_space<vmem>>
      %dma_start3A_404 = arith.constant 0 : i32
      %dma_start3A_405 = arith.constant 0 : i32
      %dma_start3A_406 = tpu.memref_slice %arg3[%dma_start3A_404, %dma_start3A_405] : memref<8192x4096xf32, #tpu.memory_space<hbm>> -> memref<8192x4096xf32, #tpu.memory_space<hbm>>
      tpu.enqueue_indirect_dma source(%dma_start3A_406 : memref<8192x4096xf32, #tpu.memory_space<hbm>>) target(%arg13 : memref<4x4096xf32, #tpu.memory_space<vmem>>) offsets(%dma_start3A_403 : memref<4xi32, #tpu.memory_space<vmem>>) semaphore(%arg20 : memref<!tpu.dma_semaphore, #tpu.memory_space<semaphore_mem>>)
    } else {
    }
    %gt3A_344 = arith.constant 1 : i32
    %gt3A_345 = arith.cmpi sgt, %select_n3A, %gt3A_344 : i32
    %convert_element_type3A_346 = arith.extui %gt3A_345 : i1 to i32
    %cond3A_347 = arith.constant 0 : i32
    %cond3A_348 = arith.cmpi ne, %convert_element_type3A_346, %cond3A_347 : i32
    scf.if %cond3A_348 {
      %dma_start3A = arith.constant 8 : i32
      %dma_start3A_398 = tpu.memref_slice %arg8[%dma_start3A] : memref<304xi32, #tpu.memory_space<vmem>> -> memref<4xi32, #tpu.memory_space<vmem>>
      %dma_start3A_399 = arith.constant 0 : i32
      %dma_start3A_400 = arith.constant 0 : i32
      %dma_start3A_401 = tpu.memref_slice %arg2[%dma_start3A_399, %dma_start3A_400] : memref<8192x4096xf32, #tpu.memory_space<hbm>> -> memref<8192x4096xf32, #tpu.memory_space<hbm>>
      tpu.enqueue_indirect_dma source(%dma_start3A_401 : memref<8192x4096xf32, #tpu.memory_space<hbm>>) target(%arg11 : memref<4x4096xf32, #tpu.memory_space<vmem>>) offsets(%dma_start3A_398 : memref<4xi32, #tpu.memory_space<vmem>>) semaphore(%arg18 : memref<!tpu.dma_semaphore, #tpu.memory_space<semaphore_mem>>)
      %dma_start3A_402 = arith.constant 8 : i32
      %dma_start3A_403 = tpu.memref_slice %arg8[%dma_start3A_402] : memref<304xi32, #tpu.memory_space<vmem>> -> memref<4xi32, #tpu.memory_space<vmem>>
      %dma_start3A_404 = arith.constant 0 : i32
      %dma_start3A_405 = arith.constant 0 : i32
      %dma_start3A_406 = tpu.memref_slice %arg3[%dma_start3A_404, %dma_start3A_405] : memref<8192x4096xf32, #tpu.memory_space<hbm>> -> memref<8192x4096xf32, #tpu.memory_space<hbm>>
      tpu.enqueue_indirect_dma source(%dma_start3A_406 : memref<8192x4096xf32, #tpu.memory_space<hbm>>) target(%arg14 : memref<4x4096xf32, #tpu.memory_space<vmem>>) offsets(%dma_start3A_403 : memref<4xi32, #tpu.memory_space<vmem>>) semaphore(%arg21 : memref<!tpu.dma_semaphore, #tpu.memory_space<semaphore_mem>>)
    } else {
    }
    %add3A_349 = arith.constant 3 : i32
    %add3A_350 = arith.addi %select_n3A, %add3A_349 : i32
    %sub3A_351 = arith.constant 1 : i32
    %sub3A_352 = arith.subi %add3A_350, %sub3A_351 : i32
    %jit3A_353 = arith.constant 3 : i32
    %div3A_354 = arith.divsi %sub3A_352, %jit3A_353 : i32
    %sign3A_355 = arith.constant 0 : i32
    %sign3A_356 = arith.cmpi sgt, %sub3A_352, %sign3A_355 : i32
    %sign3A_357 = arith.extui %sign3A_356 : i1 to i32
    %sign3A_358 = arith.constant 0 : i32
    %sign3A_359 = arith.cmpi slt, %sub3A_352, %sign3A_358 : i32
    %sign3A_360 = arith.extui %sign3A_359 : i1 to i32
    %sign3A_361 = arith.subi %sign3A_357, %sign3A_360 : i32
    %sign3A_362 = arith.constant 0 : i32
    %sign3A_363 = arith.cmpi sgt, %jit3A_353, %sign3A_362 : i32
    %sign3A_364 = arith.extui %sign3A_363 : i1 to i32
    %sign3A_365 = arith.constant 0 : i32
    %sign3A_366 = arith.cmpi slt, %jit3A_353, %sign3A_365 : i32
    %sign3A_367 = arith.extui %sign3A_366 : i1 to i32
    %sign3A_368 = arith.subi %sign3A_364, %sign3A_367 : i32
    %ne3A_369 = arith.cmpi ne, %sign3A_361, %sign3A_368 : i32
    %rem3A_370 = arith.remsi %sub3A_352, %jit3A_353 : i32
    %ne3A_371 = arith.constant 0 : i32
    %ne3A_372 = arith.cmpi ne, %rem3A_370, %ne3A_371 : i32
    %and3A_373 = arith.andi %ne3A_369, %ne3A_372 : i1
    %sub3A_374 = arith.constant 1 : i32
    %sub3A_375 = arith.subi %div3A_354, %sub3A_374 : i32
    %select_n3A_376 = arith.select %and3A_373, %sub3A_375, %div3A_354 : i32
    %while3A = arith.constant 0 : i32
    %while3A_377 = arith.subi %select_n3A_376, %while3A : i32
    %while3A_378 = arith.addi %while3A, %while3A_377 : i32
    %while3A_379 = arith.constant 1 : i32
    %while3A_380 = arith.divsi %while3A_377, %while3A_379 : i32
    %while3A_381 = arith.muli %while3A_380, %while3A_379 : i32
    %while3A_382 = arith.addi %while3A, %while3A_381 : i32
    %while3A_383 = arith.constant 1 : i32
    %while3A_384 = scf.for %while3A_398 = %while3A to %while3A_382 step %while3A_383 iter_args(%while3A_399 = %broadcast_in_dim3A_340) -> (vector<16xf32>)  : i32 {
      %mul3A_400 = arith.constant 3 : i32
      %mul3A_401 = arith.muli %while3A_398, %mul3A_400 : i32
      %add3A_402 = arith.constant 0 : i32
      %add3A_403 = arith.addi %mul3A_401, %add3A_402 : i32
      %add3A_404 = arith.constant 3 : i32
      %add3A_405 = arith.addi %add3A_403, %add3A_404 : i32
      %sub3A_406 = arith.constant 1 : i32
      %sub3A_407 = arith.subi %add3A_405, %sub3A_406 : i32
      %lt3A = arith.cmpi slt, %sub3A_407, %select_n3A : i32
      %convert_element_type3A_408 = arith.extui %lt3A : i1 to i32
      %cond3A_409 = arith.constant 0 : i32
      %cond3A_410 = arith.cmpi ne, %convert_element_type3A_408, %cond3A_409 : i32
      scf.if %cond3A_410 {
        %add3A_453 = arith.constant 3 : i32
        %add3A_454 = arith.addi %add3A_403, %add3A_453 : i32
        %sub3A_455 = arith.constant 1 : i32
        %sub3A_456 = arith.subi %add3A_454, %sub3A_455 : i32
        %mul3A_457 = arith.constant 8 : i32
        %mul3A_458 = arith.muli %sub3A_456, %mul3A_457 : i32
        %dma_start3A = tpu.memref_slice %arg8[%mul3A_458] : memref<304xi32, #tpu.memory_space<vmem>> -> memref<4xi32, #tpu.memory_space<vmem>>
        %dma_start3A_459 = arith.constant 0 : i32
        %dma_start3A_460 = arith.constant 0 : i32
        %dma_start3A_461 = tpu.memref_slice %arg2[%dma_start3A_459, %dma_start3A_460] : memref<8192x4096xf32, #tpu.memory_space<hbm>> -> memref<8192x4096xf32, #tpu.memory_space<hbm>>
        tpu.enqueue_indirect_dma source(%dma_start3A_461 : memref<8192x4096xf32, #tpu.memory_space<hbm>>) target(%arg12 : memref<4x4096xf32, #tpu.memory_space<vmem>>) offsets(%dma_start3A : memref<4xi32, #tpu.memory_space<vmem>>) semaphore(%arg19 : memref<!tpu.dma_semaphore, #tpu.memory_space<semaphore_mem>>)
        %dma_start3A_462 = tpu.memref_slice %arg8[%mul3A_458] : memref<304xi32, #tpu.memory_space<vmem>> -> memref<4xi32, #tpu.memory_space<vmem>>
        %dma_start3A_463 = arith.constant 0 : i32
        %dma_start3A_464 = arith.constant 0 : i32
        %dma_start3A_465 = tpu.memref_slice %arg3[%dma_start3A_463, %dma_start3A_464] : memref<8192x4096xf32, #tpu.memory_space<hbm>> -> memref<8192x4096xf32, #tpu.memory_space<hbm>>
        tpu.enqueue_indirect_dma source(%dma_start3A_465 : memref<8192x4096xf32, #tpu.memory_space<hbm>>) target(%arg15 : memref<4x4096xf32, #tpu.memory_space<vmem>>) offsets(%dma_start3A_462 : memref<4xi32, #tpu.memory_space<vmem>>) semaphore(%arg22 : memref<!tpu.dma_semaphore, #tpu.memory_space<semaphore_mem>>)
      } else {
      }
      %lt3A_411 = arith.cmpi slt, %add3A_403, %select_n3A : i32
      %convert_element_type3A_412 = arith.extui %lt3A_411 : i1 to i32
      %cond3A_413 = arith.constant 0 : i32
      %cond3A_414 = arith.cmpi ne, %convert_element_type3A_412, %cond3A_413 : i32
      %cond3A_415 = scf.if %cond3A_414 -> (vector<16xf32>) {
        %mul3A_453 = arith.constant 8 : i32
        %mul3A_454 = arith.muli %add3A_403, %mul3A_453 : i32
        %dma_wait3A = tpu.memref_slice %arg8[%mul3A_454] : memref<304xi32, #tpu.memory_space<vmem>> -> memref<4xi32, #tpu.memory_space<vmem>>
        %dma_wait3A_455 = arith.constant 0 : i32
        %dma_wait3A_456 = arith.constant 0 : i32
        %dma_wait3A_457 = tpu.memref_slice %arg2[%dma_wait3A_455, %dma_wait3A_456] : memref<8192x4096xf32, #tpu.memory_space<hbm>> -> memref<8192x4096xf32, #tpu.memory_space<hbm>>
        tpu.wait_indirect_dma semaphore(%arg17 : memref<!tpu.dma_semaphore, #tpu.memory_space<semaphore_mem>>) src(%dma_wait3A_457 : memref<8192x4096xf32, #tpu.memory_space<hbm>>) dst(%arg10 : memref<4x4096xf32, #tpu.memory_space<vmem>>)
        %dma_wait3A_458 = tpu.memref_slice %arg8[%mul3A_454] : memref<304xi32, #tpu.memory_space<vmem>> -> memref<4xi32, #tpu.memory_space<vmem>>
        %dma_wait3A_459 = arith.constant 0 : i32
        %dma_wait3A_460 = arith.constant 0 : i32
        %dma_wait3A_461 = tpu.memref_slice %arg3[%dma_wait3A_459, %dma_wait3A_460] : memref<8192x4096xf32, #tpu.memory_space<hbm>> -> memref<8192x4096xf32, #tpu.memory_space<hbm>>
        tpu.wait_indirect_dma semaphore(%arg20 : memref<!tpu.dma_semaphore, #tpu.memory_space<semaphore_mem>>) src(%dma_wait3A_461 : memref<8192x4096xf32, #tpu.memory_space<hbm>>) dst(%arg13 : memref<4x4096xf32, #tpu.memory_space<vmem>>)
        %parallel_loop3A = arith.constant 0 : i32
        %parallel_loop3A_462 = arith.constant 4096 : i32
        %parallel_loop3A_463 = arith.constant 16 : i32
        %parallel_loop3A_464:4 = scf.for %parallel_loop3A_493 = %parallel_loop3A to %parallel_loop3A_462 step %parallel_loop3A_463 iter_args(%parallel_loop3A_494 = %broadcast_in_dim3A_340, %parallel_loop3A_495 = %broadcast_in_dim3A_340, %parallel_loop3A_496 = %broadcast_in_dim3A_340, %parallel_loop3A_497 = %broadcast_in_dim3A_340) -> (vector<16xf32>, vector<16xf32>, vector<16xf32>, vector<16xf32>)  : i32 {
          %parallel_loop3A_498 = arith.constant 0 : i32
          %parallel_loop3A_499 = arith.index_cast %parallel_loop3A_498 : i32 to index
          %parallel_loop3A_500 = arith.index_cast %parallel_loop3A_493 : i32 to index
          %parallel_loop3A_501 = tpu.vector_load %arg13[%parallel_loop3A_499, %parallel_loop3A_500] {strides = array<i32>} : memref<4x4096xf32, #tpu.memory_space<vmem>>, vector<16xf32>,
          %parallel_loop3A_502 = arith.constant 0 : i32
          %parallel_loop3A_503 = arith.index_cast %parallel_loop3A_502 : i32 to index
          %parallel_loop3A_504 = arith.index_cast %parallel_loop3A_493 : i32 to index
          %parallel_loop3A_505 = tpu.vector_load %arg10[%parallel_loop3A_503, %parallel_loop3A_504] {strides = array<i32>} : memref<4x4096xf32, #tpu.memory_space<vmem>>, vector<16xf32>,
          %parallel_loop3A_506 = vector.bitcast %parallel_loop3A_505 : vector<16xf32> to vector<16xi32>
          %parallel_loop3A_507 = arith.sitofp %parallel_loop3A_506 : vector<16xi32> to vector<16xf32>
          %parallel_loop3A_508 = arith.constant 1.1920929E-7 : f32
          %parallel_loop3A_509 = vector.broadcast %parallel_loop3A_508 : f32 to vector<16xf32>
          %parallel_loop3A_510 = arith.mulf %parallel_loop3A_507, %parallel_loop3A_509 : vector<16xf32>
          %parallel_loop3A_511 = arith.constant -1.270000e+02 : f32
          %parallel_loop3A_512 = vector.broadcast %parallel_loop3A_511 : f32 to vector<16xf32>
          %parallel_loop3A_513 = arith.addf %parallel_loop3A_510, %parallel_loop3A_512 : vector<16xf32>
          %parallel_loop3A_514 = arith.constant 15 : i32
          %parallel_loop3A_515 = vector.broadcast %parallel_loop3A_514 : i32 to vector<16xi32>
          %parallel_loop3A_516 = arith.shrui %parallel_loop3A_506, %parallel_loop3A_515 : vector<16xi32>
          %parallel_loop3A_517 = arith.constant 255 : i32
          %parallel_loop3A_518 = vector.broadcast %parallel_loop3A_517 : i32 to vector<16xi32>
          %parallel_loop3A_519 = arith.andi %parallel_loop3A_516, %parallel_loop3A_518 : vector<16xi32>
          %parallel_loop3A_520 = tpu.vector_load_idx %arg9[%parallel_loop3A_519] : memref<256xf32, #tpu.memory_space<vmem>>[vector<16xi32>], vector<16xf32>,
          %parallel_loop3A_521 = arith.addf %parallel_loop3A_513, %parallel_loop3A_520 : vector<16xf32>
          %parallel_loop3A_522 = arith.mulf %parallel_loop3A_501, %parallel_loop3A_521 : vector<16xf32>
          %parallel_loop3A_523 = arith.addf %parallel_loop3A_494, %parallel_loop3A_522 : vector<16xf32>
          %parallel_loop3A_524 = arith.constant 1 : i32
          %parallel_loop3A_525 = arith.index_cast %parallel_loop3A_524 : i32 to index
          %parallel_loop3A_526 = arith.index_cast %parallel_loop3A_493 : i32 to index
          %parallel_loop3A_527 = tpu.vector_load %arg13[%parallel_loop3A_525, %parallel_loop3A_526] {strides = array<i32>} : memref<4x4096xf32, #tpu.memory_space<vmem>>, vector<16xf32>,
          %parallel_loop3A_528 = arith.constant 1 : i32
          %parallel_loop3A_529 = arith.index_cast %parallel_loop3A_528 : i32 to index
          %parallel_loop3A_530 = arith.index_cast %parallel_loop3A_493 : i32 to index
          %parallel_loop3A_531 = tpu.vector_load %arg10[%parallel_loop3A_529, %parallel_loop3A_530] {strides = array<i32>} : memref<4x4096xf32, #tpu.memory_space<vmem>>, vector<16xf32>,
          %parallel_loop3A_532 = vector.bitcast %parallel_loop3A_531 : vector<16xf32> to vector<16xi32>
          %parallel_loop3A_533 = arith.sitofp %parallel_loop3A_532 : vector<16xi32> to vector<16xf32>
          %parallel_loop3A_534 = arith.constant 1.1920929E-7 : f32
          %parallel_loop3A_535 = vector.broadcast %parallel_loop3A_534 : f32 to vector<16xf32>
          %parallel_loop3A_536 = arith.mulf %parallel_loop3A_533, %parallel_loop3A_535 : vector<16xf32>
          %parallel_loop3A_537 = arith.constant -1.270000e+02 : f32
          %parallel_loop3A_538 = vector.broadcast %parallel_loop3A_537 : f32 to vector<16xf32>
          %parallel_loop3A_539 = arith.addf %parallel_loop3A_536, %parallel_loop3A_538 : vector<16xf32>
          %parallel_loop3A_540 = arith.constant 15 : i32
          %parallel_loop3A_541 = vector.broadcast %parallel_loop3A_540 : i32 to vector<16xi32>
          %parallel_loop3A_542 = arith.shrui %parallel_loop3A_532, %parallel_loop3A_541 : vector<16xi32>
          %parallel_loop3A_543 = arith.constant 255 : i32
          %parallel_loop3A_544 = vector.broadcast %parallel_loop3A_543 : i32 to vector<16xi32>
          %parallel_loop3A_545 = arith.andi %parallel_loop3A_542, %parallel_loop3A_544 : vector<16xi32>
          %parallel_loop3A_546 = tpu.vector_load_idx %arg9[%parallel_loop3A_545] : memref<256xf32, #tpu.memory_space<vmem>>[vector<16xi32>], vector<16xf32>,
          %parallel_loop3A_547 = arith.addf %parallel_loop3A_539, %parallel_loop3A_546 : vector<16xf32>
          %parallel_loop3A_548 = arith.mulf %parallel_loop3A_527, %parallel_loop3A_547 : vector<16xf32>
          %parallel_loop3A_549 = arith.addf %parallel_loop3A_495, %parallel_loop3A_548 : vector<16xf32>
          %parallel_loop3A_550 = arith.constant 2 : i32
          %parallel_loop3A_551 = arith.index_cast %parallel_loop3A_550 : i32 to index
          %parallel_loop3A_552 = arith.index_cast %parallel_loop3A_493 : i32 to index
          %parallel_loop3A_553 = tpu.vector_load %arg13[%parallel_loop3A_551, %parallel_loop3A_552] {strides = array<i32>} : memref<4x4096xf32, #tpu.memory_space<vmem>>, vector<16xf32>,
          %parallel_loop3A_554 = arith.constant 2 : i32
          %parallel_loop3A_555 = arith.index_cast %parallel_loop3A_554 : i32 to index
          %parallel_loop3A_556 = arith.index_cast %parallel_loop3A_493 : i32 to index
          %parallel_loop3A_557 = tpu.vector_load %arg10[%parallel_loop3A_555, %parallel_loop3A_556] {strides = array<i32>} : memref<4x4096xf32, #tpu.memory_space<vmem>>, vector<16xf32>,
          %parallel_loop3A_558 = vector.bitcast %parallel_loop3A_557 : vector<16xf32> to vector<16xi32>
          %parallel_loop3A_559 = arith.sitofp %parallel_loop3A_558 : vector<16xi32> to vector<16xf32>
          %parallel_loop3A_560 = arith.constant 1.1920929E-7 : f32
          %parallel_loop3A_561 = vector.broadcast %parallel_loop3A_560 : f32 to vector<16xf32>
          %parallel_loop3A_562 = arith.mulf %parallel_loop3A_559, %parallel_loop3A_561 : vector<16xf32>
          %parallel_loop3A_563 = arith.constant -1.270000e+02 : f32
          %parallel_loop3A_564 = vector.broadcast %parallel_loop3A_563 : f32 to vector<16xf32>
          %parallel_loop3A_565 = arith.addf %parallel_loop3A_562, %parallel_loop3A_564 : vector<16xf32>
          %parallel_loop3A_566 = arith.constant 15 : i32
          %parallel_loop3A_567 = vector.broadcast %parallel_loop3A_566 : i32 to vector<16xi32>
          %parallel_loop3A_568 = arith.shrui %parallel_loop3A_558, %parallel_loop3A_567 : vector<16xi32>
          %parallel_loop3A_569 = arith.constant 255 : i32
          %parallel_loop3A_570 = vector.broadcast %parallel_loop3A_569 : i32 to vector<16xi32>
          %parallel_loop3A_571 = arith.andi %parallel_loop3A_568, %parallel_loop3A_570 : vector<16xi32>
          %parallel_loop3A_572 = tpu.vector_load_idx %arg9[%parallel_loop3A_571] : memref<256xf32, #tpu.memory_space<vmem>>[vector<16xi32>], vector<16xf32>,
          %parallel_loop3A_573 = arith.addf %parallel_loop3A_565, %parallel_loop3A_572 : vector<16xf32>
          %parallel_loop3A_574 = arith.mulf %parallel_loop3A_553, %parallel_loop3A_573 : vector<16xf32>
          %parallel_loop3A_575 = arith.addf %parallel_loop3A_496, %parallel_loop3A_574 : vector<16xf32>
          %parallel_loop3A_576 = arith.constant 3 : i32
          %parallel_loop3A_577 = arith.index_cast %parallel_loop3A_576 : i32 to index
          %parallel_loop3A_578 = arith.index_cast %parallel_loop3A_493 : i32 to index
          %parallel_loop3A_579 = tpu.vector_load %arg13[%parallel_loop3A_577, %parallel_loop3A_578] {strides = array<i32>} : memref<4x4096xf32, #tpu.memory_space<vmem>>, vector<16xf32>,
          %parallel_loop3A_580 = arith.constant 3 : i32
          %parallel_loop3A_581 = arith.index_cast %parallel_loop3A_580 : i32 to index
          %parallel_loop3A_582 = arith.index_cast %parallel_loop3A_493 : i32 to index
          %parallel_loop3A_583 = tpu.vector_load %arg10[%parallel_loop3A_581, %parallel_loop3A_582] {strides = array<i32>} : memref<4x4096xf32, #tpu.memory_space<vmem>>, vector<16xf32>,
          %parallel_loop3A_584 = vector.bitcast %parallel_loop3A_583 : vector<16xf32> to vector<16xi32>
          %parallel_loop3A_585 = arith.sitofp %parallel_loop3A_584 : vector<16xi32> to vector<16xf32>
          %parallel_loop3A_586 = arith.constant 1.1920929E-7 : f32
          %parallel_loop3A_587 = vector.broadcast %parallel_loop3A_586 : f32 to vector<16xf32>
          %parallel_loop3A_588 = arith.mulf %parallel_loop3A_585, %parallel_loop3A_587 : vector<16xf32>
          %parallel_loop3A_589 = arith.constant -1.270000e+02 : f32
          %parallel_loop3A_590 = vector.broadcast %parallel_loop3A_589 : f32 to vector<16xf32>
          %parallel_loop3A_591 = arith.addf %parallel_loop3A_588, %parallel_loop3A_590 : vector<16xf32>
          %parallel_loop3A_592 = arith.constant 15 : i32
          %parallel_loop3A_593 = vector.broadcast %parallel_loop3A_592 : i32 to vector<16xi32>
          %parallel_loop3A_594 = arith.shrui %parallel_loop3A_584, %parallel_loop3A_593 : vector<16xi32>
          %parallel_loop3A_595 = arith.constant 255 : i32
          %parallel_loop3A_596 = vector.broadcast %parallel_loop3A_595 : i32 to vector<16xi32>
          %parallel_loop3A_597 = arith.andi %parallel_loop3A_594, %parallel_loop3A_596 : vector<16xi32>
          %parallel_loop3A_598 = tpu.vector_load_idx %arg9[%parallel_loop3A_597] : memref<256xf32, #tpu.memory_space<vmem>>[vector<16xi32>], vector<16xf32>,
          %parallel_loop3A_599 = arith.addf %parallel_loop3A_591, %parallel_loop3A_598 : vector<16xf32>
          %parallel_loop3A_600 = arith.mulf %parallel_loop3A_579, %parallel_loop3A_599 : vector<16xf32>
          %parallel_loop3A_601 = arith.addf %parallel_loop3A_497, %parallel_loop3A_600 : vector<16xf32>
          scf.yield %parallel_loop3A_523, %parallel_loop3A_549, %parallel_loop3A_575, %parallel_loop3A_601 : vector<16xf32>, vector<16xf32>, vector<16xf32>, vector<16xf32>
        } {sc.loop_unroll_factor = 2 : i64, sc.parallel_access}
        %mul3A_465 = arith.constant 4 : i32
        %mul3A_466 = arith.muli %add3A_403, %mul3A_465 : i32
        %add3A_467 = arith.constant 0 : i32
        %add3A_468 = arith.addi %mul3A_466, %add3A_467 : i32
        %lt3A_469 = arith.cmpi slt, %add3A_468, %add3A_316 : i32
        %select_n3A_470 = arith.select %lt3A_469, %parallel_loop3A_464#0, %broadcast_in_dim3A_340 : vector<16xf32>
        %add3A_471 = arith.addf %broadcast_in_dim3A_340, %select_n3A_470 : vector<16xf32>
        %mul3A_472 = arith.constant 4 : i32
        %mul3A_473 = arith.muli %add3A_403, %mul3A_472 : i32
        %add3A_474 = arith.constant 1 : i32
        %add3A_475 = arith.addi %mul3A_473, %add3A_474 : i32
        %lt3A_476 = arith.cmpi slt, %add3A_475, %add3A_316 : i32
        %select_n3A_477 = arith.select %lt3A_476, %parallel_loop3A_464#1, %broadcast_in_dim3A_340 : vector<16xf32>
        %add3A_478 = arith.addf %add3A_471, %select_n3A_477 : vector<16xf32>
        %mul3A_479 = arith.constant 4 : i32
        %mul3A_480 = arith.muli %add3A_403, %mul3A_479 : i32
        %add3A_481 = arith.constant 2 : i32
        %add3A_482 = arith.addi %mul3A_480, %add3A_481 : i32
        %lt3A_483 = arith.cmpi slt, %add3A_482, %add3A_316 : i32
        %select_n3A_484 = arith.select %lt3A_483, %parallel_loop3A_464#2, %broadcast_in_dim3A_340 : vector<16xf32>
        %add3A_485 = arith.addf %add3A_478, %select_n3A_484 : vector<16xf32>
        %mul3A_486 = arith.constant 4 : i32
        %mul3A_487 = arith.muli %add3A_403, %mul3A_486 : i32
        %add3A_488 = arith.constant 3 : i32
        %add3A_489 = arith.addi %mul3A_487, %add3A_488 : i32
        %lt3A_490 = arith.cmpi slt, %add3A_489, %add3A_316 : i32
        %select_n3A_491 = arith.select %lt3A_490, %parallel_loop3A_464#3, %broadcast_in_dim3A_340 : vector<16xf32>
        %add3A_492 = arith.addf %add3A_485, %select_n3A_491 : vector<16xf32>
        scf.yield %add3A_492 : vector<16xf32>
      } else {
        scf.yield %broadcast_in_dim3A_340 : vector<16xf32>
      }
      %add3A_416 = arith.addf %while3A_399, %cond3A_415 : vector<16xf32>
      %mul3A_417 = arith.constant 3 : i32
      %mul3A_418 = arith.muli %while3A_398, %mul3A_417 : i32
      %add3A_419 = arith.constant 1 : i32
      %add3A_420 = arith.addi %mul3A_418, %add3A_419 : i32
      %add3A_421 = arith.constant 3 : i32
      %add3A_422 = arith.addi %add3A_420, %add3A_421 : i32
      %sub3A_423 = arith.constant 1 : i32
      %sub3A_424 = arith.subi %add3A_422, %sub3A_423 : i32
      %lt3A_425 = arith.cmpi slt, %sub3A_424, %select_n3A : i32
      %convert_element_type3A_426 = arith.extui %lt3A_425 : i1 to i32
      %cond3A_427 = arith.constant 0 : i32
      %cond3A_428 = arith.cmpi ne, %convert_element_type3A_426, %cond3A_427 : i32
      scf.if %cond3A_428 {
        %add3A_453 = arith.constant 3 : i32
        %add3A_454 = arith.addi %add3A_420, %add3A_453 : i32
        %sub3A_455 = arith.constant 1 : i32
        %sub3A_456 = arith.subi %add3A_454, %sub3A_455 : i32
        %mul3A_457 = arith.constant 8 : i32
        %mul3A_458 = arith.muli %sub3A_456, %mul3A_457 : i32
        %dma_start3A = tpu.memref_slice %arg8[%mul3A_458] : memref<304xi32, #tpu.memory_space<vmem>> -> memref<4xi32, #tpu.memory_space<vmem>>
        %dma_start3A_459 = arith.constant 0 : i32
        %dma_start3A_460 = arith.constant 0 : i32
        %dma_start3A_461 = tpu.memref_slice %arg2[%dma_start3A_459, %dma_start3A_460] : memref<8192x4096xf32, #tpu.memory_space<hbm>> -> memref<8192x4096xf32, #tpu.memory_space<hbm>>
        tpu.enqueue_indirect_dma source(%dma_start3A_461 : memref<8192x4096xf32, #tpu.memory_space<hbm>>) target(%arg10 : memref<4x4096xf32, #tpu.memory_space<vmem>>) offsets(%dma_start3A : memref<4xi32, #tpu.memory_space<vmem>>) semaphore(%arg17 : memref<!tpu.dma_semaphore, #tpu.memory_space<semaphore_mem>>)
        %dma_start3A_462 = tpu.memref_slice %arg8[%mul3A_458] : memref<304xi32, #tpu.memory_space<vmem>> -> memref<4xi32, #tpu.memory_space<vmem>>
        %dma_start3A_463 = arith.constant 0 : i32
        %dma_start3A_464 = arith.constant 0 : i32
        %dma_start3A_465 = tpu.memref_slice %arg3[%dma_start3A_463, %dma_start3A_464] : memref<8192x4096xf32, #tpu.memory_space<hbm>> -> memref<8192x4096xf32, #tpu.memory_space<hbm>>
        tpu.enqueue_indirect_dma source(%dma_start3A_465 : memref<8192x4096xf32, #tpu.memory_space<hbm>>) target(%arg13 : memref<4x4096xf32, #tpu.memory_space<vmem>>) offsets(%dma_start3A_462 : memref<4xi32, #tpu.memory_space<vmem>>) semaphore(%arg20 : memref<!tpu.dma_semaphore, #tpu.memory_space<semaphore_mem>>)
      } else {
      }
      %lt3A_429 = arith.cmpi slt, %add3A_420, %select_n3A : i32
      %convert_element_type3A_430 = arith.extui %lt3A_429 : i1 to i32
      %cond3A_431 = arith.constant 0 : i32
      %cond3A_432 = arith.cmpi ne, %convert_element_type3A_430, %cond3A_431 : i32
      %cond3A_433 = scf.if %cond3A_432 -> (vector<16xf32>) {
        %mul3A_453 = arith.constant 8 : i32
        %mul3A_454 = arith.muli %add3A_420, %mul3A_453 : i32
        %dma_wait3A = tpu.memref_slice %arg8[%mul3A_454] : memref<304xi32, #tpu.memory_space<vmem>> -> memref<4xi32, #tpu.memory_space<vmem>>
        %dma_wait3A_455 = arith.constant 0 : i32
        %dma_wait3A_456 = arith.constant 0 : i32
        %dma_wait3A_457 = tpu.memref_slice %arg2[%dma_wait3A_455, %dma_wait3A_456] : memref<8192x4096xf32, #tpu.memory_space<hbm>> -> memref<8192x4096xf32, #tpu.memory_space<hbm>>
        tpu.wait_indirect_dma semaphore(%arg18 : memref<!tpu.dma_semaphore, #tpu.memory_space<semaphore_mem>>) src(%dma_wait3A_457 : memref<8192x4096xf32, #tpu.memory_space<hbm>>) dst(%arg11 : memref<4x4096xf32, #tpu.memory_space<vmem>>)
        %dma_wait3A_458 = tpu.memref_slice %arg8[%mul3A_454] : memref<304xi32, #tpu.memory_space<vmem>> -> memref<4xi32, #tpu.memory_space<vmem>>
        %dma_wait3A_459 = arith.constant 0 : i32
        %dma_wait3A_460 = arith.constant 0 : i32
        %dma_wait3A_461 = tpu.memref_slice %arg3[%dma_wait3A_459, %dma_wait3A_460] : memref<8192x4096xf32, #tpu.memory_space<hbm>> -> memref<8192x4096xf32, #tpu.memory_space<hbm>>
        tpu.wait_indirect_dma semaphore(%arg21 : memref<!tpu.dma_semaphore, #tpu.memory_space<semaphore_mem>>) src(%dma_wait3A_461 : memref<8192x4096xf32, #tpu.memory_space<hbm>>) dst(%arg14 : memref<4x4096xf32, #tpu.memory_space<vmem>>)
        %parallel_loop3A = arith.constant 0 : i32
        %parallel_loop3A_462 = arith.constant 4096 : i32
        %parallel_loop3A_463 = arith.constant 16 : i32
        %parallel_loop3A_464:4 = scf.for %parallel_loop3A_493 = %parallel_loop3A to %parallel_loop3A_462 step %parallel_loop3A_463 iter_args(%parallel_loop3A_494 = %broadcast_in_dim3A_340, %parallel_loop3A_495 = %broadcast_in_dim3A_340, %parallel_loop3A_496 = %broadcast_in_dim3A_340, %parallel_loop3A_497 = %broadcast_in_dim3A_340) -> (vector<16xf32>, vector<16xf32>, vector<16xf32>, vector<16xf32>)  : i32 {
          %parallel_loop3A_498 = arith.constant 0 : i32
          %parallel_loop3A_499 = arith.index_cast %parallel_loop3A_498 : i32 to index
          %parallel_loop3A_500 = arith.index_cast %parallel_loop3A_493 : i32 to index
          %parallel_loop3A_501 = tpu.vector_load %arg14[%parallel_loop3A_499, %parallel_loop3A_500] {strides = array<i32>} : memref<4x4096xf32, #tpu.memory_space<vmem>>, vector<16xf32>,
          %parallel_loop3A_502 = arith.constant 0 : i32
          %parallel_loop3A_503 = arith.index_cast %parallel_loop3A_502 : i32 to index
          %parallel_loop3A_504 = arith.index_cast %parallel_loop3A_493 : i32 to index
          %parallel_loop3A_505 = tpu.vector_load %arg11[%parallel_loop3A_503, %parallel_loop3A_504] {strides = array<i32>} : memref<4x4096xf32, #tpu.memory_space<vmem>>, vector<16xf32>,
          %parallel_loop3A_506 = vector.bitcast %parallel_loop3A_505 : vector<16xf32> to vector<16xi32>
          %parallel_loop3A_507 = arith.sitofp %parallel_loop3A_506 : vector<16xi32> to vector<16xf32>
          %parallel_loop3A_508 = arith.constant 1.1920929E-7 : f32
          %parallel_loop3A_509 = vector.broadcast %parallel_loop3A_508 : f32 to vector<16xf32>
          %parallel_loop3A_510 = arith.mulf %parallel_loop3A_507, %parallel_loop3A_509 : vector<16xf32>
          %parallel_loop3A_511 = arith.constant -1.270000e+02 : f32
          %parallel_loop3A_512 = vector.broadcast %parallel_loop3A_511 : f32 to vector<16xf32>
          %parallel_loop3A_513 = arith.addf %parallel_loop3A_510, %parallel_loop3A_512 : vector<16xf32>
          %parallel_loop3A_514 = arith.constant 15 : i32
          %parallel_loop3A_515 = vector.broadcast %parallel_loop3A_514 : i32 to vector<16xi32>
          %parallel_loop3A_516 = arith.shrui %parallel_loop3A_506, %parallel_loop3A_515 : vector<16xi32>
          %parallel_loop3A_517 = arith.constant 255 : i32
          %parallel_loop3A_518 = vector.broadcast %parallel_loop3A_517 : i32 to vector<16xi32>
          %parallel_loop3A_519 = arith.andi %parallel_loop3A_516, %parallel_loop3A_518 : vector<16xi32>
          %parallel_loop3A_520 = tpu.vector_load_idx %arg9[%parallel_loop3A_519] : memref<256xf32, #tpu.memory_space<vmem>>[vector<16xi32>], vector<16xf32>,
          %parallel_loop3A_521 = arith.addf %parallel_loop3A_513, %parallel_loop3A_520 : vector<16xf32>
          %parallel_loop3A_522 = arith.mulf %parallel_loop3A_501, %parallel_loop3A_521 : vector<16xf32>
          %parallel_loop3A_523 = arith.addf %parallel_loop3A_494, %parallel_loop3A_522 : vector<16xf32>
          %parallel_loop3A_524 = arith.constant 1 : i32
          %parallel_loop3A_525 = arith.index_cast %parallel_loop3A_524 : i32 to index
          %parallel_loop3A_526 = arith.index_cast %parallel_loop3A_493 : i32 to index
          %parallel_loop3A_527 = tpu.vector_load %arg14[%parallel_loop3A_525, %parallel_loop3A_526] {strides = array<i32>} : memref<4x4096xf32, #tpu.memory_space<vmem>>, vector<16xf32>,
          %parallel_loop3A_528 = arith.constant 1 : i32
          %parallel_loop3A_529 = arith.index_cast %parallel_loop3A_528 : i32 to index
          %parallel_loop3A_530 = arith.index_cast %parallel_loop3A_493 : i32 to index
          %parallel_loop3A_531 = tpu.vector_load %arg11[%parallel_loop3A_529, %parallel_loop3A_530] {strides = array<i32>} : memref<4x4096xf32, #tpu.memory_space<vmem>>, vector<16xf32>,
          %parallel_loop3A_532 = vector.bitcast %parallel_loop3A_531 : vector<16xf32> to vector<16xi32>
          %parallel_loop3A_533 = arith.sitofp %parallel_loop3A_532 : vector<16xi32> to vector<16xf32>
          %parallel_loop3A_534 = arith.constant 1.1920929E-7 : f32
          %parallel_loop3A_535 = vector.broadcast %parallel_loop3A_534 : f32 to vector<16xf32>
          %parallel_loop3A_536 = arith.mulf %parallel_loop3A_533, %parallel_loop3A_535 : vector<16xf32>
          %parallel_loop3A_537 = arith.constant -1.270000e+02 : f32
          %parallel_loop3A_538 = vector.broadcast %parallel_loop3A_537 : f32 to vector<16xf32>
          %parallel_loop3A_539 = arith.addf %parallel_loop3A_536, %parallel_loop3A_538 : vector<16xf32>
          %parallel_loop3A_540 = arith.constant 15 : i32
          %parallel_loop3A_541 = vector.broadcast %parallel_loop3A_540 : i32 to vector<16xi32>
          %parallel_loop3A_542 = arith.shrui %parallel_loop3A_532, %parallel_loop3A_541 : vector<16xi32>
          %parallel_loop3A_543 = arith.constant 255 : i32
          %parallel_loop3A_544 = vector.broadcast %parallel_loop3A_543 : i32 to vector<16xi32>
          %parallel_loop3A_545 = arith.andi %parallel_loop3A_542, %parallel_loop3A_544 : vector<16xi32>
          %parallel_loop3A_546 = tpu.vector_load_idx %arg9[%parallel_loop3A_545] : memref<256xf32, #tpu.memory_space<vmem>>[vector<16xi32>], vector<16xf32>,
          %parallel_loop3A_547 = arith.addf %parallel_loop3A_539, %parallel_loop3A_546 : vector<16xf32>
          %parallel_loop3A_548 = arith.mulf %parallel_loop3A_527, %parallel_loop3A_547 : vector<16xf32>
          %parallel_loop3A_549 = arith.addf %parallel_loop3A_495, %parallel_loop3A_548 : vector<16xf32>
          %parallel_loop3A_550 = arith.constant 2 : i32
          %parallel_loop3A_551 = arith.index_cast %parallel_loop3A_550 : i32 to index
          %parallel_loop3A_552 = arith.index_cast %parallel_loop3A_493 : i32 to index
          %parallel_loop3A_553 = tpu.vector_load %arg14[%parallel_loop3A_551, %parallel_loop3A_552] {strides = array<i32>} : memref<4x4096xf32, #tpu.memory_space<vmem>>, vector<16xf32>,
          %parallel_loop3A_554 = arith.constant 2 : i32
          %parallel_loop3A_555 = arith.index_cast %parallel_loop3A_554 : i32 to index
          %parallel_loop3A_556 = arith.index_cast %parallel_loop3A_493 : i32 to index
          %parallel_loop3A_557 = tpu.vector_load %arg11[%parallel_loop3A_555, %parallel_loop3A_556] {strides = array<i32>} : memref<4x4096xf32, #tpu.memory_space<vmem>>, vector<16xf32>,
          %parallel_loop3A_558 = vector.bitcast %parallel_loop3A_557 : vector<16xf32> to vector<16xi32>
          %parallel_loop3A_559 = arith.sitofp %parallel_loop3A_558 : vector<16xi32> to vector<16xf32>
          %parallel_loop3A_560 = arith.constant 1.1920929E-7 : f32
          %parallel_loop3A_561 = vector.broadcast %parallel_loop3A_560 : f32 to vector<16xf32>
          %parallel_loop3A_562 = arith.mulf %parallel_loop3A_559, %parallel_loop3A_561 : vector<16xf32>
          %parallel_loop3A_563 = arith.constant -1.270000e+02 : f32
          %parallel_loop3A_564 = vector.broadcast %parallel_loop3A_563 : f32 to vector<16xf32>
          %parallel_loop3A_565 = arith.addf %parallel_loop3A_562, %parallel_loop3A_564 : vector<16xf32>
          %parallel_loop3A_566 = arith.constant 15 : i32
          %parallel_loop3A_567 = vector.broadcast %parallel_loop3A_566 : i32 to vector<16xi32>
          %parallel_loop3A_568 = arith.shrui %parallel_loop3A_558, %parallel_loop3A_567 : vector<16xi32>
          %parallel_loop3A_569 = arith.constant 255 : i32
          %parallel_loop3A_570 = vector.broadcast %parallel_loop3A_569 : i32 to vector<16xi32>
          %parallel_loop3A_571 = arith.andi %parallel_loop3A_568, %parallel_loop3A_570 : vector<16xi32>
          %parallel_loop3A_572 = tpu.vector_load_idx %arg9[%parallel_loop3A_571] : memref<256xf32, #tpu.memory_space<vmem>>[vector<16xi32>], vector<16xf32>,
          %parallel_loop3A_573 = arith.addf %parallel_loop3A_565, %parallel_loop3A_572 : vector<16xf32>
          %parallel_loop3A_574 = arith.mulf %parallel_loop3A_553, %parallel_loop3A_573 : vector<16xf32>
          %parallel_loop3A_575 = arith.addf %parallel_loop3A_496, %parallel_loop3A_574 : vector<16xf32>
          %parallel_loop3A_576 = arith.constant 3 : i32
          %parallel_loop3A_577 = arith.index_cast %parallel_loop3A_576 : i32 to index
          %parallel_loop3A_578 = arith.index_cast %parallel_loop3A_493 : i32 to index
          %parallel_loop3A_579 = tpu.vector_load %arg14[%parallel_loop3A_577, %parallel_loop3A_578] {strides = array<i32>} : memref<4x4096xf32, #tpu.memory_space<vmem>>, vector<16xf32>,
          %parallel_loop3A_580 = arith.constant 3 : i32
          %parallel_loop3A_581 = arith.index_cast %parallel_loop3A_580 : i32 to index
          %parallel_loop3A_582 = arith.index_cast %parallel_loop3A_493 : i32 to index
          %parallel_loop3A_583 = tpu.vector_load %arg11[%parallel_loop3A_581, %parallel_loop3A_582] {strides = array<i32>} : memref<4x4096xf32, #tpu.memory_space<vmem>>, vector<16xf32>,
          %parallel_loop3A_584 = vector.bitcast %parallel_loop3A_583 : vector<16xf32> to vector<16xi32>
          %parallel_loop3A_585 = arith.sitofp %parallel_loop3A_584 : vector<16xi32> to vector<16xf32>
          %parallel_loop3A_586 = arith.constant 1.1920929E-7 : f32
          %parallel_loop3A_587 = vector.broadcast %parallel_loop3A_586 : f32 to vector<16xf32>
          %parallel_loop3A_588 = arith.mulf %parallel_loop3A_585, %parallel_loop3A_587 : vector<16xf32>
          %parallel_loop3A_589 = arith.constant -1.270000e+02 : f32
          %parallel_loop3A_590 = vector.broadcast %parallel_loop3A_589 : f32 to vector<16xf32>
          %parallel_loop3A_591 = arith.addf %parallel_loop3A_588, %parallel_loop3A_590 : vector<16xf32>
          %parallel_loop3A_592 = arith.constant 15 : i32
          %parallel_loop3A_593 = vector.broadcast %parallel_loop3A_592 : i32 to vector<16xi32>
          %parallel_loop3A_594 = arith.shrui %parallel_loop3A_584, %parallel_loop3A_593 : vector<16xi32>
          %parallel_loop3A_595 = arith.constant 255 : i32
          %parallel_loop3A_596 = vector.broadcast %parallel_loop3A_595 : i32 to vector<16xi32>
          %parallel_loop3A_597 = arith.andi %parallel_loop3A_594, %parallel_loop3A_596 : vector<16xi32>
          %parallel_loop3A_598 = tpu.vector_load_idx %arg9[%parallel_loop3A_597] : memref<256xf32, #tpu.memory_space<vmem>>[vector<16xi32>], vector<16xf32>,
          %parallel_loop3A_599 = arith.addf %parallel_loop3A_591, %parallel_loop3A_598 : vector<16xf32>
          %parallel_loop3A_600 = arith.mulf %parallel_loop3A_579, %parallel_loop3A_599 : vector<16xf32>
          %parallel_loop3A_601 = arith.addf %parallel_loop3A_497, %parallel_loop3A_600 : vector<16xf32>
          scf.yield %parallel_loop3A_523, %parallel_loop3A_549, %parallel_loop3A_575, %parallel_loop3A_601 : vector<16xf32>, vector<16xf32>, vector<16xf32>, vector<16xf32>
        } {sc.loop_unroll_factor = 2 : i64, sc.parallel_access}
        %mul3A_465 = arith.constant 4 : i32
        %mul3A_466 = arith.muli %add3A_420, %mul3A_465 : i32
        %add3A_467 = arith.constant 0 : i32
        %add3A_468 = arith.addi %mul3A_466, %add3A_467 : i32
        %lt3A_469 = arith.cmpi slt, %add3A_468, %add3A_316 : i32
        %select_n3A_470 = arith.select %lt3A_469, %parallel_loop3A_464#0, %broadcast_in_dim3A_340 : vector<16xf32>
        %add3A_471 = arith.addf %broadcast_in_dim3A_340, %select_n3A_470 : vector<16xf32>
        %mul3A_472 = arith.constant 4 : i32
        %mul3A_473 = arith.muli %add3A_420, %mul3A_472 : i32
        %add3A_474 = arith.constant 1 : i32
        %add3A_475 = arith.addi %mul3A_473, %add3A_474 : i32
        %lt3A_476 = arith.cmpi slt, %add3A_475, %add3A_316 : i32
        %select_n3A_477 = arith.select %lt3A_476, %parallel_loop3A_464#1, %broadcast_in_dim3A_340 : vector<16xf32>
        %add3A_478 = arith.addf %add3A_471, %select_n3A_477 : vector<16xf32>
        %mul3A_479 = arith.constant 4 : i32
        %mul3A_480 = arith.muli %add3A_420, %mul3A_479 : i32
        %add3A_481 = arith.constant 2 : i32
        %add3A_482 = arith.addi %mul3A_480, %add3A_481 : i32
        %lt3A_483 = arith.cmpi slt, %add3A_482, %add3A_316 : i32
        %select_n3A_484 = arith.select %lt3A_483, %parallel_loop3A_464#2, %broadcast_in_dim3A_340 : vector<16xf32>
        %add3A_485 = arith.addf %add3A_478, %select_n3A_484 : vector<16xf32>
        %mul3A_486 = arith.constant 4 : i32
        %mul3A_487 = arith.muli %add3A_420, %mul3A_486 : i32
        %add3A_488 = arith.constant 3 : i32
        %add3A_489 = arith.addi %mul3A_487, %add3A_488 : i32
        %lt3A_490 = arith.cmpi slt, %add3A_489, %add3A_316 : i32
        %select_n3A_491 = arith.select %lt3A_490, %parallel_loop3A_464#3, %broadcast_in_dim3A_340 : vector<16xf32>
        %add3A_492 = arith.addf %add3A_485, %select_n3A_491 : vector<16xf32>
        scf.yield %add3A_492 : vector<16xf32>
      } else {
        scf.yield %broadcast_in_dim3A_340 : vector<16xf32>
      }
      %add3A_434 = arith.addf %add3A_416, %cond3A_433 : vector<16xf32>
      %mul3A_435 = arith.constant 3 : i32
      %mul3A_436 = arith.muli %while3A_398, %mul3A_435 : i32
      %add3A_437 = arith.constant 2 : i32
      %add3A_438 = arith.addi %mul3A_436, %add3A_437 : i32
      %add3A_439 = arith.constant 3 : i32
      %add3A_440 = arith.addi %add3A_438, %add3A_439 : i32
      %sub3A_441 = arith.constant 1 : i32
      %sub3A_442 = arith.subi %add3A_440, %sub3A_441 : i32
      %lt3A_443 = arith.cmpi slt, %sub3A_442, %select_n3A : i32
      %convert_element_type3A_444 = arith.extui %lt3A_443 : i1 to i32
      %cond3A_445 = arith.constant 0 : i32
      %cond3A_446 = arith.cmpi ne, %convert_element_type3A_444, %cond3A_445 : i32
      scf.if %cond3A_446 {
        %add3A_453 = arith.constant 3 : i32
        %add3A_454 = arith.addi %add3A_438, %add3A_453 : i32
        %sub3A_455 = arith.constant 1 : i32
        %sub3A_456 = arith.subi %add3A_454, %sub3A_455 : i32
        %mul3A_457 = arith.constant 8 : i32
        %mul3A_458 = arith.muli %sub3A_456, %mul3A_457 : i32
        %dma_start3A = tpu.memref_slice %arg8[%mul3A_458] : memref<304xi32, #tpu.memory_space<vmem>> -> memref<4xi32, #tpu.memory_space<vmem>>
        %dma_start3A_459 = arith.constant 0 : i32
        %dma_start3A_460 = arith.constant 0 : i32
        %dma_start3A_461 = tpu.memref_slice %arg2[%dma_start3A_459, %dma_start3A_460] : memref<8192x4096xf32, #tpu.memory_space<hbm>> -> memref<8192x4096xf32, #tpu.memory_space<hbm>>
        tpu.enqueue_indirect_dma source(%dma_start3A_461 : memref<8192x4096xf32, #tpu.memory_space<hbm>>) target(%arg11 : memref<4x4096xf32, #tpu.memory_space<vmem>>) offsets(%dma_start3A : memref<4xi32, #tpu.memory_space<vmem>>) semaphore(%arg18 : memref<!tpu.dma_semaphore, #tpu.memory_space<semaphore_mem>>)
        %dma_start3A_462 = tpu.memref_slice %arg8[%mul3A_458] : memref<304xi32, #tpu.memory_space<vmem>> -> memref<4xi32, #tpu.memory_space<vmem>>
        %dma_start3A_463 = arith.constant 0 : i32
        %dma_start3A_464 = arith.constant 0 : i32
        %dma_start3A_465 = tpu.memref_slice %arg3[%dma_start3A_463, %dma_start3A_464] : memref<8192x4096xf32, #tpu.memory_space<hbm>> -> memref<8192x4096xf32, #tpu.memory_space<hbm>>
        tpu.enqueue_indirect_dma source(%dma_start3A_465 : memref<8192x4096xf32, #tpu.memory_space<hbm>>) target(%arg14 : memref<4x4096xf32, #tpu.memory_space<vmem>>) offsets(%dma_start3A_462 : memref<4xi32, #tpu.memory_space<vmem>>) semaphore(%arg21 : memref<!tpu.dma_semaphore, #tpu.memory_space<semaphore_mem>>)
      } else {
      }
      %lt3A_447 = arith.cmpi slt, %add3A_438, %select_n3A : i32
      %convert_element_type3A_448 = arith.extui %lt3A_447 : i1 to i32
      %cond3A_449 = arith.constant 0 : i32
      %cond3A_450 = arith.cmpi ne, %convert_element_type3A_448, %cond3A_449 : i32
      %cond3A_451 = scf.if %cond3A_450 -> (vector<16xf32>) {
        %mul3A_453 = arith.constant 8 : i32
        %mul3A_454 = arith.muli %add3A_438, %mul3A_453 : i32
        %dma_wait3A = tpu.memref_slice %arg8[%mul3A_454] : memref<304xi32, #tpu.memory_space<vmem>> -> memref<4xi32, #tpu.memory_space<vmem>>
        %dma_wait3A_455 = arith.constant 0 : i32
        %dma_wait3A_456 = arith.constant 0 : i32
        %dma_wait3A_457 = tpu.memref_slice %arg2[%dma_wait3A_455, %dma_wait3A_456] : memref<8192x4096xf32, #tpu.memory_space<hbm>> -> memref<8192x4096xf32, #tpu.memory_space<hbm>>
        tpu.wait_indirect_dma semaphore(%arg19 : memref<!tpu.dma_semaphore, #tpu.memory_space<semaphore_mem>>) src(%dma_wait3A_457 : memref<8192x4096xf32, #tpu.memory_space<hbm>>) dst(%arg12 : memref<4x4096xf32, #tpu.memory_space<vmem>>)
        %dma_wait3A_458 = tpu.memref_slice %arg8[%mul3A_454] : memref<304xi32, #tpu.memory_space<vmem>> -> memref<4xi32, #tpu.memory_space<vmem>>
        %dma_wait3A_459 = arith.constant 0 : i32
        %dma_wait3A_460 = arith.constant 0 : i32
        %dma_wait3A_461 = tpu.memref_slice %arg3[%dma_wait3A_459, %dma_wait3A_460] : memref<8192x4096xf32, #tpu.memory_space<hbm>> -> memref<8192x4096xf32, #tpu.memory_space<hbm>>
        tpu.wait_indirect_dma semaphore(%arg22 : memref<!tpu.dma_semaphore, #tpu.memory_space<semaphore_mem>>) src(%dma_wait3A_461 : memref<8192x4096xf32, #tpu.memory_space<hbm>>) dst(%arg15 : memref<4x4096xf32, #tpu.memory_space<vmem>>)
        %parallel_loop3A = arith.constant 0 : i32
        %parallel_loop3A_462 = arith.constant 4096 : i32
        %parallel_loop3A_463 = arith.constant 16 : i32
        %parallel_loop3A_464:4 = scf.for %parallel_loop3A_493 = %parallel_loop3A to %parallel_loop3A_462 step %parallel_loop3A_463 iter_args(%parallel_loop3A_494 = %broadcast_in_dim3A_340, %parallel_loop3A_495 = %broadcast_in_dim3A_340, %parallel_loop3A_496 = %broadcast_in_dim3A_340, %parallel_loop3A_497 = %broadcast_in_dim3A_340) -> (vector<16xf32>, vector<16xf32>, vector<16xf32>, vector<16xf32>)  : i32 {
          %parallel_loop3A_498 = arith.constant 0 : i32
          %parallel_loop3A_499 = arith.index_cast %parallel_loop3A_498 : i32 to index
          %parallel_loop3A_500 = arith.index_cast %parallel_loop3A_493 : i32 to index
          %parallel_loop3A_501 = tpu.vector_load %arg15[%parallel_loop3A_499, %parallel_loop3A_500] {strides = array<i32>} : memref<4x4096xf32, #tpu.memory_space<vmem>>, vector<16xf32>,
          %parallel_loop3A_502 = arith.constant 0 : i32
          %parallel_loop3A_503 = arith.index_cast %parallel_loop3A_502 : i32 to index
          %parallel_loop3A_504 = arith.index_cast %parallel_loop3A_493 : i32 to index
          %parallel_loop3A_505 = tpu.vector_load %arg12[%parallel_loop3A_503, %parallel_loop3A_504] {strides = array<i32>} : memref<4x4096xf32, #tpu.memory_space<vmem>>, vector<16xf32>,
          %parallel_loop3A_506 = vector.bitcast %parallel_loop3A_505 : vector<16xf32> to vector<16xi32>
          %parallel_loop3A_507 = arith.sitofp %parallel_loop3A_506 : vector<16xi32> to vector<16xf32>
          %parallel_loop3A_508 = arith.constant 1.1920929E-7 : f32
          %parallel_loop3A_509 = vector.broadcast %parallel_loop3A_508 : f32 to vector<16xf32>
          %parallel_loop3A_510 = arith.mulf %parallel_loop3A_507, %parallel_loop3A_509 : vector<16xf32>
          %parallel_loop3A_511 = arith.constant -1.270000e+02 : f32
          %parallel_loop3A_512 = vector.broadcast %parallel_loop3A_511 : f32 to vector<16xf32>
          %parallel_loop3A_513 = arith.addf %parallel_loop3A_510, %parallel_loop3A_512 : vector<16xf32>
          %parallel_loop3A_514 = arith.constant 15 : i32
          %parallel_loop3A_515 = vector.broadcast %parallel_loop3A_514 : i32 to vector<16xi32>
          %parallel_loop3A_516 = arith.shrui %parallel_loop3A_506, %parallel_loop3A_515 : vector<16xi32>
          %parallel_loop3A_517 = arith.constant 255 : i32
          %parallel_loop3A_518 = vector.broadcast %parallel_loop3A_517 : i32 to vector<16xi32>
          %parallel_loop3A_519 = arith.andi %parallel_loop3A_516, %parallel_loop3A_518 : vector<16xi32>
          %parallel_loop3A_520 = tpu.vector_load_idx %arg9[%parallel_loop3A_519] : memref<256xf32, #tpu.memory_space<vmem>>[vector<16xi32>], vector<16xf32>,
          %parallel_loop3A_521 = arith.addf %parallel_loop3A_513, %parallel_loop3A_520 : vector<16xf32>
          %parallel_loop3A_522 = arith.mulf %parallel_loop3A_501, %parallel_loop3A_521 : vector<16xf32>
          %parallel_loop3A_523 = arith.addf %parallel_loop3A_494, %parallel_loop3A_522 : vector<16xf32>
          %parallel_loop3A_524 = arith.constant 1 : i32
          %parallel_loop3A_525 = arith.index_cast %parallel_loop3A_524 : i32 to index
          %parallel_loop3A_526 = arith.index_cast %parallel_loop3A_493 : i32 to index
          %parallel_loop3A_527 = tpu.vector_load %arg15[%parallel_loop3A_525, %parallel_loop3A_526] {strides = array<i32>} : memref<4x4096xf32, #tpu.memory_space<vmem>>, vector<16xf32>,
          %parallel_loop3A_528 = arith.constant 1 : i32
          %parallel_loop3A_529 = arith.index_cast %parallel_loop3A_528 : i32 to index
          %parallel_loop3A_530 = arith.index_cast %parallel_loop3A_493 : i32 to index
          %parallel_loop3A_531 = tpu.vector_load %arg12[%parallel_loop3A_529, %parallel_loop3A_530] {strides = array<i32>} : memref<4x4096xf32, #tpu.memory_space<vmem>>, vector<16xf32>,
          %parallel_loop3A_532 = vector.bitcast %parallel_loop3A_531 : vector<16xf32> to vector<16xi32>
          %parallel_loop3A_533 = arith.sitofp %parallel_loop3A_532 : vector<16xi32> to vector<16xf32>
          %parallel_loop3A_534 = arith.constant 1.1920929E-7 : f32
          %parallel_loop3A_535 = vector.broadcast %parallel_loop3A_534 : f32 to vector<16xf32>
          %parallel_loop3A_536 = arith.mulf %parallel_loop3A_533, %parallel_loop3A_535 : vector<16xf32>
          %parallel_loop3A_537 = arith.constant -1.270000e+02 : f32
          %parallel_loop3A_538 = vector.broadcast %parallel_loop3A_537 : f32 to vector<16xf32>
          %parallel_loop3A_539 = arith.addf %parallel_loop3A_536, %parallel_loop3A_538 : vector<16xf32>
          %parallel_loop3A_540 = arith.constant 15 : i32
          %parallel_loop3A_541 = vector.broadcast %parallel_loop3A_540 : i32 to vector<16xi32>
          %parallel_loop3A_542 = arith.shrui %parallel_loop3A_532, %parallel_loop3A_541 : vector<16xi32>
          %parallel_loop3A_543 = arith.constant 255 : i32
          %parallel_loop3A_544 = vector.broadcast %parallel_loop3A_543 : i32 to vector<16xi32>
          %parallel_loop3A_545 = arith.andi %parallel_loop3A_542, %parallel_loop3A_544 : vector<16xi32>
          %parallel_loop3A_546 = tpu.vector_load_idx %arg9[%parallel_loop3A_545] : memref<256xf32, #tpu.memory_space<vmem>>[vector<16xi32>], vector<16xf32>,
          %parallel_loop3A_547 = arith.addf %parallel_loop3A_539, %parallel_loop3A_546 : vector<16xf32>
          %parallel_loop3A_548 = arith.mulf %parallel_loop3A_527, %parallel_loop3A_547 : vector<16xf32>
          %parallel_loop3A_549 = arith.addf %parallel_loop3A_495, %parallel_loop3A_548 : vector<16xf32>
          %parallel_loop3A_550 = arith.constant 2 : i32
          %parallel_loop3A_551 = arith.index_cast %parallel_loop3A_550 : i32 to index
          %parallel_loop3A_552 = arith.index_cast %parallel_loop3A_493 : i32 to index
          %parallel_loop3A_553 = tpu.vector_load %arg15[%parallel_loop3A_551, %parallel_loop3A_552] {strides = array<i32>} : memref<4x4096xf32, #tpu.memory_space<vmem>>, vector<16xf32>,
          %parallel_loop3A_554 = arith.constant 2 : i32
          %parallel_loop3A_555 = arith.index_cast %parallel_loop3A_554 : i32 to index
          %parallel_loop3A_556 = arith.index_cast %parallel_loop3A_493 : i32 to index
          %parallel_loop3A_557 = tpu.vector_load %arg12[%parallel_loop3A_555, %parallel_loop3A_556] {strides = array<i32>} : memref<4x4096xf32, #tpu.memory_space<vmem>>, vector<16xf32>,
          %parallel_loop3A_558 = vector.bitcast %parallel_loop3A_557 : vector<16xf32> to vector<16xi32>
          %parallel_loop3A_559 = arith.sitofp %parallel_loop3A_558 : vector<16xi32> to vector<16xf32>
          %parallel_loop3A_560 = arith.constant 1.1920929E-7 : f32
          %parallel_loop3A_561 = vector.broadcast %parallel_loop3A_560 : f32 to vector<16xf32>
          %parallel_loop3A_562 = arith.mulf %parallel_loop3A_559, %parallel_loop3A_561 : vector<16xf32>
          %parallel_loop3A_563 = arith.constant -1.270000e+02 : f32
          %parallel_loop3A_564 = vector.broadcast %parallel_loop3A_563 : f32 to vector<16xf32>
          %parallel_loop3A_565 = arith.addf %parallel_loop3A_562, %parallel_loop3A_564 : vector<16xf32>
          %parallel_loop3A_566 = arith.constant 15 : i32
          %parallel_loop3A_567 = vector.broadcast %parallel_loop3A_566 : i32 to vector<16xi32>
          %parallel_loop3A_568 = arith.shrui %parallel_loop3A_558, %parallel_loop3A_567 : vector<16xi32>
          %parallel_loop3A_569 = arith.constant 255 : i32
          %parallel_loop3A_570 = vector.broadcast %parallel_loop3A_569 : i32 to vector<16xi32>
          %parallel_loop3A_571 = arith.andi %parallel_loop3A_568, %parallel_loop3A_570 : vector<16xi32>
          %parallel_loop3A_572 = tpu.vector_load_idx %arg9[%parallel_loop3A_571] : memref<256xf32, #tpu.memory_space<vmem>>[vector<16xi32>], vector<16xf32>,
          %parallel_loop3A_573 = arith.addf %parallel_loop3A_565, %parallel_loop3A_572 : vector<16xf32>
          %parallel_loop3A_574 = arith.mulf %parallel_loop3A_553, %parallel_loop3A_573 : vector<16xf32>
          %parallel_loop3A_575 = arith.addf %parallel_loop3A_496, %parallel_loop3A_574 : vector<16xf32>
          %parallel_loop3A_576 = arith.constant 3 : i32
          %parallel_loop3A_577 = arith.index_cast %parallel_loop3A_576 : i32 to index
          %parallel_loop3A_578 = arith.index_cast %parallel_loop3A_493 : i32 to index
          %parallel_loop3A_579 = tpu.vector_load %arg15[%parallel_loop3A_577, %parallel_loop3A_578] {strides = array<i32>} : memref<4x4096xf32, #tpu.memory_space<vmem>>, vector<16xf32>,
          %parallel_loop3A_580 = arith.constant 3 : i32
          %parallel_loop3A_581 = arith.index_cast %parallel_loop3A_580 : i32 to index
          %parallel_loop3A_582 = arith.index_cast %parallel_loop3A_493 : i32 to index
          %parallel_loop3A_583 = tpu.vector_load %arg12[%parallel_loop3A_581, %parallel_loop3A_582] {strides = array<i32>} : memref<4x4096xf32, #tpu.memory_space<vmem>>, vector<16xf32>,
          %parallel_loop3A_584 = vector.bitcast %parallel_loop3A_583 : vector<16xf32> to vector<16xi32>
          %parallel_loop3A_585 = arith.sitofp %parallel_loop3A_584 : vector<16xi32> to vector<16xf32>
          %parallel_loop3A_586 = arith.constant 1.1920929E-7 : f32
          %parallel_loop3A_587 = vector.broadcast %parallel_loop3A_586 : f32 to vector<16xf32>
          %parallel_loop3A_588 = arith.mulf %parallel_loop3A_585, %parallel_loop3A_587 : vector<16xf32>
          %parallel_loop3A_589 = arith.constant -1.270000e+02 : f32
          %parallel_loop3A_590 = vector.broadcast %parallel_loop3A_589 : f32 to vector<16xf32>
          %parallel_loop3A_591 = arith.addf %parallel_loop3A_588, %parallel_loop3A_590 : vector<16xf32>
          %parallel_loop3A_592 = arith.constant 15 : i32
          %parallel_loop3A_593 = vector.broadcast %parallel_loop3A_592 : i32 to vector<16xi32>
          %parallel_loop3A_594 = arith.shrui %parallel_loop3A_584, %parallel_loop3A_593 : vector<16xi32>
          %parallel_loop3A_595 = arith.constant 255 : i32
          %parallel_loop3A_596 = vector.broadcast %parallel_loop3A_595 : i32 to vector<16xi32>
          %parallel_loop3A_597 = arith.andi %parallel_loop3A_594, %parallel_loop3A_596 : vector<16xi32>
          %parallel_loop3A_598 = tpu.vector_load_idx %arg9[%parallel_loop3A_597] : memref<256xf32, #tpu.memory_space<vmem>>[vector<16xi32>], vector<16xf32>,
          %parallel_loop3A_599 = arith.addf %parallel_loop3A_591, %parallel_loop3A_598 : vector<16xf32>
          %parallel_loop3A_600 = arith.mulf %parallel_loop3A_579, %parallel_loop3A_599 : vector<16xf32>
          %parallel_loop3A_601 = arith.addf %parallel_loop3A_497, %parallel_loop3A_600 : vector<16xf32>
          scf.yield %parallel_loop3A_523, %parallel_loop3A_549, %parallel_loop3A_575, %parallel_loop3A_601 : vector<16xf32>, vector<16xf32>, vector<16xf32>, vector<16xf32>
        } {sc.loop_unroll_factor = 2 : i64, sc.parallel_access}
        %mul3A_465 = arith.constant 4 : i32
        %mul3A_466 = arith.muli %add3A_438, %mul3A_465 : i32
        %add3A_467 = arith.constant 0 : i32
        %add3A_468 = arith.addi %mul3A_466, %add3A_467 : i32
        %lt3A_469 = arith.cmpi slt, %add3A_468, %add3A_316 : i32
        %select_n3A_470 = arith.select %lt3A_469, %parallel_loop3A_464#0, %broadcast_in_dim3A_340 : vector<16xf32>
        %add3A_471 = arith.addf %broadcast_in_dim3A_340, %select_n3A_470 : vector<16xf32>
        %mul3A_472 = arith.constant 4 : i32
        %mul3A_473 = arith.muli %add3A_438, %mul3A_472 : i32
        %add3A_474 = arith.constant 1 : i32
        %add3A_475 = arith.addi %mul3A_473, %add3A_474 : i32
        %lt3A_476 = arith.cmpi slt, %add3A_475, %add3A_316 : i32
        %select_n3A_477 = arith.select %lt3A_476, %parallel_loop3A_464#1, %broadcast_in_dim3A_340 : vector<16xf32>
        %add3A_478 = arith.addf %add3A_471, %select_n3A_477 : vector<16xf32>
        %mul3A_479 = arith.constant 4 : i32
        %mul3A_480 = arith.muli %add3A_438, %mul3A_479 : i32
        %add3A_481 = arith.constant 2 : i32
        %add3A_482 = arith.addi %mul3A_480, %add3A_481 : i32
        %lt3A_483 = arith.cmpi slt, %add3A_482, %add3A_316 : i32
        %select_n3A_484 = arith.select %lt3A_483, %parallel_loop3A_464#2, %broadcast_in_dim3A_340 : vector<16xf32>
        %add3A_485 = arith.addf %add3A_478, %select_n3A_484 : vector<16xf32>
        %mul3A_486 = arith.constant 4 : i32
        %mul3A_487 = arith.muli %add3A_438, %mul3A_486 : i32
        %add3A_488 = arith.constant 3 : i32
        %add3A_489 = arith.addi %mul3A_487, %add3A_488 : i32
        %lt3A_490 = arith.cmpi slt, %add3A_489, %add3A_316 : i32
        %select_n3A_491 = arith.select %lt3A_490, %parallel_loop3A_464#3, %broadcast_in_dim3A_340 : vector<16xf32>
        %add3A_492 = arith.addf %add3A_485, %select_n3A_491 : vector<16xf32>
        scf.yield %add3A_492 : vector<16xf32>
      } else {
        scf.yield %broadcast_in_dim3A_340 : vector<16xf32>
      }
      %add3A_452 = arith.addf %add3A_434, %cond3A_451 : vector<16xf32>
      scf.yield %add3A_452 : vector<16xf32>
    }
    %while3A_385 = arith.constant 1 : i32
    %while3A_386 = scf.for %while3A_398 = %while3A_382 to %while3A_378 step %while3A_385 iter_args(%while3A_399 = %while3A_384) -> (vector<16xf32>)  : i32 {
      %mul3A_400 = arith.constant 3 : i32
      %mul3A_401 = arith.muli %while3A_398, %mul3A_400 : i32
      %add3A_402 = arith.constant 0 : i32
      %add3A_403 = arith.addi %mul3A_401, %add3A_402 : i32
      %add3A_404 = arith.constant 3 : i32
      %add3A_405 = arith.addi %add3A_403, %add3A_404 : i32
      %sub3A_406 = arith.constant 1 : i32
      %sub3A_407 = arith.subi %add3A_405, %sub3A_406 : i32
      %lt3A = arith.cmpi slt, %sub3A_407, %select_n3A : i32
      %convert_element_type3A_408 = arith.extui %lt3A : i1 to i32
      %cond3A_409 = arith.constant 0 : i32
      %cond3A_410 = arith.cmpi ne, %convert_element_type3A_408, %cond3A_409 : i32
      scf.if %cond3A_410 {
        %add3A_453 = arith.constant 3 : i32
        %add3A_454 = arith.addi %add3A_403, %add3A_453 : i32
        %sub3A_455 = arith.constant 1 : i32
        %sub3A_456 = arith.subi %add3A_454, %sub3A_455 : i32
        %mul3A_457 = arith.constant 8 : i32
        %mul3A_458 = arith.muli %sub3A_456, %mul3A_457 : i32
        %dma_start3A = tpu.memref_slice %arg8[%mul3A_458] : memref<304xi32, #tpu.memory_space<vmem>> -> memref<4xi32, #tpu.memory_space<vmem>>
        %dma_start3A_459 = arith.constant 0 : i32
        %dma_start3A_460 = arith.constant 0 : i32
        %dma_start3A_461 = tpu.memref_slice %arg2[%dma_start3A_459, %dma_start3A_460] : memref<8192x4096xf32, #tpu.memory_space<hbm>> -> memref<8192x4096xf32, #tpu.memory_space<hbm>>
        tpu.enqueue_indirect_dma source(%dma_start3A_461 : memref<8192x4096xf32, #tpu.memory_space<hbm>>) target(%arg12 : memref<4x4096xf32, #tpu.memory_space<vmem>>) offsets(%dma_start3A : memref<4xi32, #tpu.memory_space<vmem>>) semaphore(%arg19 : memref<!tpu.dma_semaphore, #tpu.memory_space<semaphore_mem>>)
        %dma_start3A_462 = tpu.memref_slice %arg8[%mul3A_458] : memref<304xi32, #tpu.memory_space<vmem>> -> memref<4xi32, #tpu.memory_space<vmem>>
        %dma_start3A_463 = arith.constant 0 : i32
        %dma_start3A_464 = arith.constant 0 : i32
        %dma_start3A_465 = tpu.memref_slice %arg3[%dma_start3A_463, %dma_start3A_464] : memref<8192x4096xf32, #tpu.memory_space<hbm>> -> memref<8192x4096xf32, #tpu.memory_space<hbm>>
        tpu.enqueue_indirect_dma source(%dma_start3A_465 : memref<8192x4096xf32, #tpu.memory_space<hbm>>) target(%arg15 : memref<4x4096xf32, #tpu.memory_space<vmem>>) offsets(%dma_start3A_462 : memref<4xi32, #tpu.memory_space<vmem>>) semaphore(%arg22 : memref<!tpu.dma_semaphore, #tpu.memory_space<semaphore_mem>>)
      } else {
      }
      %lt3A_411 = arith.cmpi slt, %add3A_403, %select_n3A : i32
      %convert_element_type3A_412 = arith.extui %lt3A_411 : i1 to i32
      %cond3A_413 = arith.constant 0 : i32
      %cond3A_414 = arith.cmpi ne, %convert_element_type3A_412, %cond3A_413 : i32
      %cond3A_415 = scf.if %cond3A_414 -> (vector<16xf32>) {
        %mul3A_453 = arith.constant 8 : i32
        %mul3A_454 = arith.muli %add3A_403, %mul3A_453 : i32
        %dma_wait3A = tpu.memref_slice %arg8[%mul3A_454] : memref<304xi32, #tpu.memory_space<vmem>> -> memref<4xi32, #tpu.memory_space<vmem>>
        %dma_wait3A_455 = arith.constant 0 : i32
        %dma_wait3A_456 = arith.constant 0 : i32
        %dma_wait3A_457 = tpu.memref_slice %arg2[%dma_wait3A_455, %dma_wait3A_456] : memref<8192x4096xf32, #tpu.memory_space<hbm>> -> memref<8192x4096xf32, #tpu.memory_space<hbm>>
        tpu.wait_indirect_dma semaphore(%arg17 : memref<!tpu.dma_semaphore, #tpu.memory_space<semaphore_mem>>) src(%dma_wait3A_457 : memref<8192x4096xf32, #tpu.memory_space<hbm>>) dst(%arg10 : memref<4x4096xf32, #tpu.memory_space<vmem>>)
        %dma_wait3A_458 = tpu.memref_slice %arg8[%mul3A_454] : memref<304xi32, #tpu.memory_space<vmem>> -> memref<4xi32, #tpu.memory_space<vmem>>
        %dma_wait3A_459 = arith.constant 0 : i32
        %dma_wait3A_460 = arith.constant 0 : i32
        %dma_wait3A_461 = tpu.memref_slice %arg3[%dma_wait3A_459, %dma_wait3A_460] : memref<8192x4096xf32, #tpu.memory_space<hbm>> -> memref<8192x4096xf32, #tpu.memory_space<hbm>>
        tpu.wait_indirect_dma semaphore(%arg20 : memref<!tpu.dma_semaphore, #tpu.memory_space<semaphore_mem>>) src(%dma_wait3A_461 : memref<8192x4096xf32, #tpu.memory_space<hbm>>) dst(%arg13 : memref<4x4096xf32, #tpu.memory_space<vmem>>)
        %parallel_loop3A = arith.constant 0 : i32
        %parallel_loop3A_462 = arith.constant 4096 : i32
        %parallel_loop3A_463 = arith.constant 16 : i32
        %parallel_loop3A_464:4 = scf.for %parallel_loop3A_493 = %parallel_loop3A to %parallel_loop3A_462 step %parallel_loop3A_463 iter_args(%parallel_loop3A_494 = %broadcast_in_dim3A_340, %parallel_loop3A_495 = %broadcast_in_dim3A_340, %parallel_loop3A_496 = %broadcast_in_dim3A_340, %parallel_loop3A_497 = %broadcast_in_dim3A_340) -> (vector<16xf32>, vector<16xf32>, vector<16xf32>, vector<16xf32>)  : i32 {
          %parallel_loop3A_498 = arith.constant 0 : i32
          %parallel_loop3A_499 = arith.index_cast %parallel_loop3A_498 : i32 to index
          %parallel_loop3A_500 = arith.index_cast %parallel_loop3A_493 : i32 to index
          %parallel_loop3A_501 = tpu.vector_load %arg13[%parallel_loop3A_499, %parallel_loop3A_500] {strides = array<i32>} : memref<4x4096xf32, #tpu.memory_space<vmem>>, vector<16xf32>,
          %parallel_loop3A_502 = arith.constant 0 : i32
          %parallel_loop3A_503 = arith.index_cast %parallel_loop3A_502 : i32 to index
          %parallel_loop3A_504 = arith.index_cast %parallel_loop3A_493 : i32 to index
          %parallel_loop3A_505 = tpu.vector_load %arg10[%parallel_loop3A_503, %parallel_loop3A_504] {strides = array<i32>} : memref<4x4096xf32, #tpu.memory_space<vmem>>, vector<16xf32>,
          %parallel_loop3A_506 = vector.bitcast %parallel_loop3A_505 : vector<16xf32> to vector<16xi32>
          %parallel_loop3A_507 = arith.sitofp %parallel_loop3A_506 : vector<16xi32> to vector<16xf32>
          %parallel_loop3A_508 = arith.constant 1.1920929E-7 : f32
          %parallel_loop3A_509 = vector.broadcast %parallel_loop3A_508 : f32 to vector<16xf32>
          %parallel_loop3A_510 = arith.mulf %parallel_loop3A_507, %parallel_loop3A_509 : vector<16xf32>
          %parallel_loop3A_511 = arith.constant -1.270000e+02 : f32
          %parallel_loop3A_512 = vector.broadcast %parallel_loop3A_511 : f32 to vector<16xf32>
          %parallel_loop3A_513 = arith.addf %parallel_loop3A_510, %parallel_loop3A_512 : vector<16xf32>
          %parallel_loop3A_514 = arith.constant 15 : i32
          %parallel_loop3A_515 = vector.broadcast %parallel_loop3A_514 : i32 to vector<16xi32>
          %parallel_loop3A_516 = arith.shrui %parallel_loop3A_506, %parallel_loop3A_515 : vector<16xi32>
          %parallel_loop3A_517 = arith.constant 255 : i32
          %parallel_loop3A_518 = vector.broadcast %parallel_loop3A_517 : i32 to vector<16xi32>
          %parallel_loop3A_519 = arith.andi %parallel_loop3A_516, %parallel_loop3A_518 : vector<16xi32>
          %parallel_loop3A_520 = tpu.vector_load_idx %arg9[%parallel_loop3A_519] : memref<256xf32, #tpu.memory_space<vmem>>[vector<16xi32>], vector<16xf32>,
          %parallel_loop3A_521 = arith.addf %parallel_loop3A_513, %parallel_loop3A_520 : vector<16xf32>
          %parallel_loop3A_522 = arith.mulf %parallel_loop3A_501, %parallel_loop3A_521 : vector<16xf32>
          %parallel_loop3A_523 = arith.addf %parallel_loop3A_494, %parallel_loop3A_522 : vector<16xf32>
          %parallel_loop3A_524 = arith.constant 1 : i32
          %parallel_loop3A_525 = arith.index_cast %parallel_loop3A_524 : i32 to index
          %parallel_loop3A_526 = arith.index_cast %parallel_loop3A_493 : i32 to index
          %parallel_loop3A_527 = tpu.vector_load %arg13[%parallel_loop3A_525, %parallel_loop3A_526] {strides = array<i32>} : memref<4x4096xf32, #tpu.memory_space<vmem>>, vector<16xf32>,
          %parallel_loop3A_528 = arith.constant 1 : i32
          %parallel_loop3A_529 = arith.index_cast %parallel_loop3A_528 : i32 to index
          %parallel_loop3A_530 = arith.index_cast %parallel_loop3A_493 : i32 to index
          %parallel_loop3A_531 = tpu.vector_load %arg10[%parallel_loop3A_529, %parallel_loop3A_530] {strides = array<i32>} : memref<4x4096xf32, #tpu.memory_space<vmem>>, vector<16xf32>,
          %parallel_loop3A_532 = vector.bitcast %parallel_loop3A_531 : vector<16xf32> to vector<16xi32>
          %parallel_loop3A_533 = arith.sitofp %parallel_loop3A_532 : vector<16xi32> to vector<16xf32>
          %parallel_loop3A_534 = arith.constant 1.1920929E-7 : f32
          %parallel_loop3A_535 = vector.broadcast %parallel_loop3A_534 : f32 to vector<16xf32>
          %parallel_loop3A_536 = arith.mulf %parallel_loop3A_533, %parallel_loop3A_535 : vector<16xf32>
          %parallel_loop3A_537 = arith.constant -1.270000e+02 : f32
          %parallel_loop3A_538 = vector.broadcast %parallel_loop3A_537 : f32 to vector<16xf32>
          %parallel_loop3A_539 = arith.addf %parallel_loop3A_536, %parallel_loop3A_538 : vector<16xf32>
          %parallel_loop3A_540 = arith.constant 15 : i32
          %parallel_loop3A_541 = vector.broadcast %parallel_loop3A_540 : i32 to vector<16xi32>
          %parallel_loop3A_542 = arith.shrui %parallel_loop3A_532, %parallel_loop3A_541 : vector<16xi32>
          %parallel_loop3A_543 = arith.constant 255 : i32
          %parallel_loop3A_544 = vector.broadcast %parallel_loop3A_543 : i32 to vector<16xi32>
          %parallel_loop3A_545 = arith.andi %parallel_loop3A_542, %parallel_loop3A_544 : vector<16xi32>
          %parallel_loop3A_546 = tpu.vector_load_idx %arg9[%parallel_loop3A_545] : memref<256xf32, #tpu.memory_space<vmem>>[vector<16xi32>], vector<16xf32>,
          %parallel_loop3A_547 = arith.addf %parallel_loop3A_539, %parallel_loop3A_546 : vector<16xf32>
          %parallel_loop3A_548 = arith.mulf %parallel_loop3A_527, %parallel_loop3A_547 : vector<16xf32>
          %parallel_loop3A_549 = arith.addf %parallel_loop3A_495, %parallel_loop3A_548 : vector<16xf32>
          %parallel_loop3A_550 = arith.constant 2 : i32
          %parallel_loop3A_551 = arith.index_cast %parallel_loop3A_550 : i32 to index
          %parallel_loop3A_552 = arith.index_cast %parallel_loop3A_493 : i32 to index
          %parallel_loop3A_553 = tpu.vector_load %arg13[%parallel_loop3A_551, %parallel_loop3A_552] {strides = array<i32>} : memref<4x4096xf32, #tpu.memory_space<vmem>>, vector<16xf32>,
          %parallel_loop3A_554 = arith.constant 2 : i32
          %parallel_loop3A_555 = arith.index_cast %parallel_loop3A_554 : i32 to index
          %parallel_loop3A_556 = arith.index_cast %parallel_loop3A_493 : i32 to index
          %parallel_loop3A_557 = tpu.vector_load %arg10[%parallel_loop3A_555, %parallel_loop3A_556] {strides = array<i32>} : memref<4x4096xf32, #tpu.memory_space<vmem>>, vector<16xf32>,
          %parallel_loop3A_558 = vector.bitcast %parallel_loop3A_557 : vector<16xf32> to vector<16xi32>
          %parallel_loop3A_559 = arith.sitofp %parallel_loop3A_558 : vector<16xi32> to vector<16xf32>
          %parallel_loop3A_560 = arith.constant 1.1920929E-7 : f32
          %parallel_loop3A_561 = vector.broadcast %parallel_loop3A_560 : f32 to vector<16xf32>
          %parallel_loop3A_562 = arith.mulf %parallel_loop3A_559, %parallel_loop3A_561 : vector<16xf32>
          %parallel_loop3A_563 = arith.constant -1.270000e+02 : f32
          %parallel_loop3A_564 = vector.broadcast %parallel_loop3A_563 : f32 to vector<16xf32>
          %parallel_loop3A_565 = arith.addf %parallel_loop3A_562, %parallel_loop3A_564 : vector<16xf32>
          %parallel_loop3A_566 = arith.constant 15 : i32
          %parallel_loop3A_567 = vector.broadcast %parallel_loop3A_566 : i32 to vector<16xi32>
          %parallel_loop3A_568 = arith.shrui %parallel_loop3A_558, %parallel_loop3A_567 : vector<16xi32>
          %parallel_loop3A_569 = arith.constant 255 : i32
          %parallel_loop3A_570 = vector.broadcast %parallel_loop3A_569 : i32 to vector<16xi32>
          %parallel_loop3A_571 = arith.andi %parallel_loop3A_568, %parallel_loop3A_570 : vector<16xi32>
          %parallel_loop3A_572 = tpu.vector_load_idx %arg9[%parallel_loop3A_571] : memref<256xf32, #tpu.memory_space<vmem>>[vector<16xi32>], vector<16xf32>,
          %parallel_loop3A_573 = arith.addf %parallel_loop3A_565, %parallel_loop3A_572 : vector<16xf32>
          %parallel_loop3A_574 = arith.mulf %parallel_loop3A_553, %parallel_loop3A_573 : vector<16xf32>
          %parallel_loop3A_575 = arith.addf %parallel_loop3A_496, %parallel_loop3A_574 : vector<16xf32>
          %parallel_loop3A_576 = arith.constant 3 : i32
          %parallel_loop3A_577 = arith.index_cast %parallel_loop3A_576 : i32 to index
          %parallel_loop3A_578 = arith.index_cast %parallel_loop3A_493 : i32 to index
          %parallel_loop3A_579 = tpu.vector_load %arg13[%parallel_loop3A_577, %parallel_loop3A_578] {strides = array<i32>} : memref<4x4096xf32, #tpu.memory_space<vmem>>, vector<16xf32>,
          %parallel_loop3A_580 = arith.constant 3 : i32
          %parallel_loop3A_581 = arith.index_cast %parallel_loop3A_580 : i32 to index
          %parallel_loop3A_582 = arith.index_cast %parallel_loop3A_493 : i32 to index
          %parallel_loop3A_583 = tpu.vector_load %arg10[%parallel_loop3A_581, %parallel_loop3A_582] {strides = array<i32>} : memref<4x4096xf32, #tpu.memory_space<vmem>>, vector<16xf32>,
          %parallel_loop3A_584 = vector.bitcast %parallel_loop3A_583 : vector<16xf32> to vector<16xi32>
          %parallel_loop3A_585 = arith.sitofp %parallel_loop3A_584 : vector<16xi32> to vector<16xf32>
          %parallel_loop3A_586 = arith.constant 1.1920929E-7 : f32
          %parallel_loop3A_587 = vector.broadcast %parallel_loop3A_586 : f32 to vector<16xf32>
          %parallel_loop3A_588 = arith.mulf %parallel_loop3A_585, %parallel_loop3A_587 : vector<16xf32>
          %parallel_loop3A_589 = arith.constant -1.270000e+02 : f32
          %parallel_loop3A_590 = vector.broadcast %parallel_loop3A_589 : f32 to vector<16xf32>
          %parallel_loop3A_591 = arith.addf %parallel_loop3A_588, %parallel_loop3A_590 : vector<16xf32>
          %parallel_loop3A_592 = arith.constant 15 : i32
          %parallel_loop3A_593 = vector.broadcast %parallel_loop3A_592 : i32 to vector<16xi32>
          %parallel_loop3A_594 = arith.shrui %parallel_loop3A_584, %parallel_loop3A_593 : vector<16xi32>
          %parallel_loop3A_595 = arith.constant 255 : i32
          %parallel_loop3A_596 = vector.broadcast %parallel_loop3A_595 : i32 to vector<16xi32>
          %parallel_loop3A_597 = arith.andi %parallel_loop3A_594, %parallel_loop3A_596 : vector<16xi32>
          %parallel_loop3A_598 = tpu.vector_load_idx %arg9[%parallel_loop3A_597] : memref<256xf32, #tpu.memory_space<vmem>>[vector<16xi32>], vector<16xf32>,
          %parallel_loop3A_599 = arith.addf %parallel_loop3A_591, %parallel_loop3A_598 : vector<16xf32>
          %parallel_loop3A_600 = arith.mulf %parallel_loop3A_579, %parallel_loop3A_599 : vector<16xf32>
          %parallel_loop3A_601 = arith.addf %parallel_loop3A_497, %parallel_loop3A_600 : vector<16xf32>
          scf.yield %parallel_loop3A_523, %parallel_loop3A_549, %parallel_loop3A_575, %parallel_loop3A_601 : vector<16xf32>, vector<16xf32>, vector<16xf32>, vector<16xf32>
        } {sc.loop_unroll_factor = 2 : i64, sc.parallel_access}
        %mul3A_465 = arith.constant 4 : i32
        %mul3A_466 = arith.muli %add3A_403, %mul3A_465 : i32
        %add3A_467 = arith.constant 0 : i32
        %add3A_468 = arith.addi %mul3A_466, %add3A_467 : i32
        %lt3A_469 = arith.cmpi slt, %add3A_468, %add3A_316 : i32
        %select_n3A_470 = arith.select %lt3A_469, %parallel_loop3A_464#0, %broadcast_in_dim3A_340 : vector<16xf32>
        %add3A_471 = arith.addf %broadcast_in_dim3A_340, %select_n3A_470 : vector<16xf32>
        %mul3A_472 = arith.constant 4 : i32
        %mul3A_473 = arith.muli %add3A_403, %mul3A_472 : i32
        %add3A_474 = arith.constant 1 : i32
        %add3A_475 = arith.addi %mul3A_473, %add3A_474 : i32
        %lt3A_476 = arith.cmpi slt, %add3A_475, %add3A_316 : i32
        %select_n3A_477 = arith.select %lt3A_476, %parallel_loop3A_464#1, %broadcast_in_dim3A_340 : vector<16xf32>
        %add3A_478 = arith.addf %add3A_471, %select_n3A_477 : vector<16xf32>
        %mul3A_479 = arith.constant 4 : i32
        %mul3A_480 = arith.muli %add3A_403, %mul3A_479 : i32
        %add3A_481 = arith.constant 2 : i32
        %add3A_482 = arith.addi %mul3A_480, %add3A_481 : i32
        %lt3A_483 = arith.cmpi slt, %add3A_482, %add3A_316 : i32
        %select_n3A_484 = arith.select %lt3A_483, %parallel_loop3A_464#2, %broadcast_in_dim3A_340 : vector<16xf32>
        %add3A_485 = arith.addf %add3A_478, %select_n3A_484 : vector<16xf32>
        %mul3A_486 = arith.constant 4 : i32
        %mul3A_487 = arith.muli %add3A_403, %mul3A_486 : i32
        %add3A_488 = arith.constant 3 : i32
        %add3A_489 = arith.addi %mul3A_487, %add3A_488 : i32
        %lt3A_490 = arith.cmpi slt, %add3A_489, %add3A_316 : i32
        %select_n3A_491 = arith.select %lt3A_490, %parallel_loop3A_464#3, %broadcast_in_dim3A_340 : vector<16xf32>
        %add3A_492 = arith.addf %add3A_485, %select_n3A_491 : vector<16xf32>
        scf.yield %add3A_492 : vector<16xf32>
      } else {
        scf.yield %broadcast_in_dim3A_340 : vector<16xf32>
      }
      %add3A_416 = arith.addf %while3A_399, %cond3A_415 : vector<16xf32>
      %mul3A_417 = arith.constant 3 : i32
      %mul3A_418 = arith.muli %while3A_398, %mul3A_417 : i32
      %add3A_419 = arith.constant 1 : i32
      %add3A_420 = arith.addi %mul3A_418, %add3A_419 : i32
      %add3A_421 = arith.constant 3 : i32
      %add3A_422 = arith.addi %add3A_420, %add3A_421 : i32
      %sub3A_423 = arith.constant 1 : i32
      %sub3A_424 = arith.subi %add3A_422, %sub3A_423 : i32
      %lt3A_425 = arith.cmpi slt, %sub3A_424, %select_n3A : i32
      %convert_element_type3A_426 = arith.extui %lt3A_425 : i1 to i32
      %cond3A_427 = arith.constant 0 : i32
      %cond3A_428 = arith.cmpi ne, %convert_element_type3A_426, %cond3A_427 : i32
      scf.if %cond3A_428 {
        %add3A_453 = arith.constant 3 : i32
        %add3A_454 = arith.addi %add3A_420, %add3A_453 : i32
        %sub3A_455 = arith.constant 1 : i32
        %sub3A_456 = arith.subi %add3A_454, %sub3A_455 : i32
        %mul3A_457 = arith.constant 8 : i32
        %mul3A_458 = arith.muli %sub3A_456, %mul3A_457 : i32
        %dma_start3A = tpu.memref_slice %arg8[%mul3A_458] : memref<304xi32, #tpu.memory_space<vmem>> -> memref<4xi32, #tpu.memory_space<vmem>>
        %dma_start3A_459 = arith.constant 0 : i32
        %dma_start3A_460 = arith.constant 0 : i32
        %dma_start3A_461 = tpu.memref_slice %arg2[%dma_start3A_459, %dma_start3A_460] : memref<8192x4096xf32, #tpu.memory_space<hbm>> -> memref<8192x4096xf32, #tpu.memory_space<hbm>>
        tpu.enqueue_indirect_dma source(%dma_start3A_461 : memref<8192x4096xf32, #tpu.memory_space<hbm>>) target(%arg10 : memref<4x4096xf32, #tpu.memory_space<vmem>>) offsets(%dma_start3A : memref<4xi32, #tpu.memory_space<vmem>>) semaphore(%arg17 : memref<!tpu.dma_semaphore, #tpu.memory_space<semaphore_mem>>)
        %dma_start3A_462 = tpu.memref_slice %arg8[%mul3A_458] : memref<304xi32, #tpu.memory_space<vmem>> -> memref<4xi32, #tpu.memory_space<vmem>>
        %dma_start3A_463 = arith.constant 0 : i32
        %dma_start3A_464 = arith.constant 0 : i32
        %dma_start3A_465 = tpu.memref_slice %arg3[%dma_start3A_463, %dma_start3A_464] : memref<8192x4096xf32, #tpu.memory_space<hbm>> -> memref<8192x4096xf32, #tpu.memory_space<hbm>>
        tpu.enqueue_indirect_dma source(%dma_start3A_465 : memref<8192x4096xf32, #tpu.memory_space<hbm>>) target(%arg13 : memref<4x4096xf32, #tpu.memory_space<vmem>>) offsets(%dma_start3A_462 : memref<4xi32, #tpu.memory_space<vmem>>) semaphore(%arg20 : memref<!tpu.dma_semaphore, #tpu.memory_space<semaphore_mem>>)
      } else {
      }
      %lt3A_429 = arith.cmpi slt, %add3A_420, %select_n3A : i32
      %convert_element_type3A_430 = arith.extui %lt3A_429 : i1 to i32
      %cond3A_431 = arith.constant 0 : i32
      %cond3A_432 = arith.cmpi ne, %convert_element_type3A_430, %cond3A_431 : i32
      %cond3A_433 = scf.if %cond3A_432 -> (vector<16xf32>) {
        %mul3A_453 = arith.constant 8 : i32
        %mul3A_454 = arith.muli %add3A_420, %mul3A_453 : i32
        %dma_wait3A = tpu.memref_slice %arg8[%mul3A_454] : memref<304xi32, #tpu.memory_space<vmem>> -> memref<4xi32, #tpu.memory_space<vmem>>
        %dma_wait3A_455 = arith.constant 0 : i32
        %dma_wait3A_456 = arith.constant 0 : i32
        %dma_wait3A_457 = tpu.memref_slice %arg2[%dma_wait3A_455, %dma_wait3A_456] : memref<8192x4096xf32, #tpu.memory_space<hbm>> -> memref<8192x4096xf32, #tpu.memory_space<hbm>>
        tpu.wait_indirect_dma semaphore(%arg18 : memref<!tpu.dma_semaphore, #tpu.memory_space<semaphore_mem>>) src(%dma_wait3A_457 : memref<8192x4096xf32, #tpu.memory_space<hbm>>) dst(%arg11 : memref<4x4096xf32, #tpu.memory_space<vmem>>)
        %dma_wait3A_458 = tpu.memref_slice %arg8[%mul3A_454] : memref<304xi32, #tpu.memory_space<vmem>> -> memref<4xi32, #tpu.memory_space<vmem>>
        %dma_wait3A_459 = arith.constant 0 : i32
        %dma_wait3A_460 = arith.constant 0 : i32
        %dma_wait3A_461 = tpu.memref_slice %arg3[%dma_wait3A_459, %dma_wait3A_460] : memref<8192x4096xf32, #tpu.memory_space<hbm>> -> memref<8192x4096xf32, #tpu.memory_space<hbm>>
        tpu.wait_indirect_dma semaphore(%arg21 : memref<!tpu.dma_semaphore, #tpu.memory_space<semaphore_mem>>) src(%dma_wait3A_461 : memref<8192x4096xf32, #tpu.memory_space<hbm>>) dst(%arg14 : memref<4x4096xf32, #tpu.memory_space<vmem>>)
        %parallel_loop3A = arith.constant 0 : i32
        %parallel_loop3A_462 = arith.constant 4096 : i32
        %parallel_loop3A_463 = arith.constant 16 : i32
        %parallel_loop3A_464:4 = scf.for %parallel_loop3A_493 = %parallel_loop3A to %parallel_loop3A_462 step %parallel_loop3A_463 iter_args(%parallel_loop3A_494 = %broadcast_in_dim3A_340, %parallel_loop3A_495 = %broadcast_in_dim3A_340, %parallel_loop3A_496 = %broadcast_in_dim3A_340, %parallel_loop3A_497 = %broadcast_in_dim3A_340) -> (vector<16xf32>, vector<16xf32>, vector<16xf32>, vector<16xf32>)  : i32 {
          %parallel_loop3A_498 = arith.constant 0 : i32
          %parallel_loop3A_499 = arith.index_cast %parallel_loop3A_498 : i32 to index
          %parallel_loop3A_500 = arith.index_cast %parallel_loop3A_493 : i32 to index
          %parallel_loop3A_501 = tpu.vector_load %arg14[%parallel_loop3A_499, %parallel_loop3A_500] {strides = array<i32>} : memref<4x4096xf32, #tpu.memory_space<vmem>>, vector<16xf32>,
          %parallel_loop3A_502 = arith.constant 0 : i32
          %parallel_loop3A_503 = arith.index_cast %parallel_loop3A_502 : i32 to index
          %parallel_loop3A_504 = arith.index_cast %parallel_loop3A_493 : i32 to index
          %parallel_loop3A_505 = tpu.vector_load %arg11[%parallel_loop3A_503, %parallel_loop3A_504] {strides = array<i32>} : memref<4x4096xf32, #tpu.memory_space<vmem>>, vector<16xf32>,
          %parallel_loop3A_506 = vector.bitcast %parallel_loop3A_505 : vector<16xf32> to vector<16xi32>
          %parallel_loop3A_507 = arith.sitofp %parallel_loop3A_506 : vector<16xi32> to vector<16xf32>
          %parallel_loop3A_508 = arith.constant 1.1920929E-7 : f32
          %parallel_loop3A_509 = vector.broadcast %parallel_loop3A_508 : f32 to vector<16xf32>
          %parallel_loop3A_510 = arith.mulf %parallel_loop3A_507, %parallel_loop3A_509 : vector<16xf32>
          %parallel_loop3A_511 = arith.constant -1.270000e+02 : f32
          %parallel_loop3A_512 = vector.broadcast %parallel_loop3A_511 : f32 to vector<16xf32>
          %parallel_loop3A_513 = arith.addf %parallel_loop3A_510, %parallel_loop3A_512 : vector<16xf32>
          %parallel_loop3A_514 = arith.constant 15 : i32
          %parallel_loop3A_515 = vector.broadcast %parallel_loop3A_514 : i32 to vector<16xi32>
          %parallel_loop3A_516 = arith.shrui %parallel_loop3A_506, %parallel_loop3A_515 : vector<16xi32>
          %parallel_loop3A_517 = arith.constant 255 : i32
          %parallel_loop3A_518 = vector.broadcast %parallel_loop3A_517 : i32 to vector<16xi32>
          %parallel_loop3A_519 = arith.andi %parallel_loop3A_516, %parallel_loop3A_518 : vector<16xi32>
          %parallel_loop3A_520 = tpu.vector_load_idx %arg9[%parallel_loop3A_519] : memref<256xf32, #tpu.memory_space<vmem>>[vector<16xi32>], vector<16xf32>,
          %parallel_loop3A_521 = arith.addf %parallel_loop3A_513, %parallel_loop3A_520 : vector<16xf32>
          %parallel_loop3A_522 = arith.mulf %parallel_loop3A_501, %parallel_loop3A_521 : vector<16xf32>
          %parallel_loop3A_523 = arith.addf %parallel_loop3A_494, %parallel_loop3A_522 : vector<16xf32>
          %parallel_loop3A_524 = arith.constant 1 : i32
          %parallel_loop3A_525 = arith.index_cast %parallel_loop3A_524 : i32 to index
          %parallel_loop3A_526 = arith.index_cast %parallel_loop3A_493 : i32 to index
          %parallel_loop3A_527 = tpu.vector_load %arg14[%parallel_loop3A_525, %parallel_loop3A_526] {strides = array<i32>} : memref<4x4096xf32, #tpu.memory_space<vmem>>, vector<16xf32>,
          %parallel_loop3A_528 = arith.constant 1 : i32
          %parallel_loop3A_529 = arith.index_cast %parallel_loop3A_528 : i32 to index
          %parallel_loop3A_530 = arith.index_cast %parallel_loop3A_493 : i32 to index
          %parallel_loop3A_531 = tpu.vector_load %arg11[%parallel_loop3A_529, %parallel_loop3A_530] {strides = array<i32>} : memref<4x4096xf32, #tpu.memory_space<vmem>>, vector<16xf32>,
          %parallel_loop3A_532 = vector.bitcast %parallel_loop3A_531 : vector<16xf32> to vector<16xi32>
          %parallel_loop3A_533 = arith.sitofp %parallel_loop3A_532 : vector<16xi32> to vector<16xf32>
          %parallel_loop3A_534 = arith.constant 1.1920929E-7 : f32
          %parallel_loop3A_535 = vector.broadcast %parallel_loop3A_534 : f32 to vector<16xf32>
          %parallel_loop3A_536 = arith.mulf %parallel_loop3A_533, %parallel_loop3A_535 : vector<16xf32>
          %parallel_loop3A_537 = arith.constant -1.270000e+02 : f32
          %parallel_loop3A_538 = vector.broadcast %parallel_loop3A_537 : f32 to vector<16xf32>
          %parallel_loop3A_539 = arith.addf %parallel_loop3A_536, %parallel_loop3A_538 : vector<16xf32>
          %parallel_loop3A_540 = arith.constant 15 : i32
          %parallel_loop3A_541 = vector.broadcast %parallel_loop3A_540 : i32 to vector<16xi32>
          %parallel_loop3A_542 = arith.shrui %parallel_loop3A_532, %parallel_loop3A_541 : vector<16xi32>
          %parallel_loop3A_543 = arith.constant 255 : i32
          %parallel_loop3A_544 = vector.broadcast %parallel_loop3A_543 : i32 to vector<16xi32>
          %parallel_loop3A_545 = arith.andi %parallel_loop3A_542, %parallel_loop3A_544 : vector<16xi32>
          %parallel_loop3A_546 = tpu.vector_load_idx %arg9[%parallel_loop3A_545] : memref<256xf32, #tpu.memory_space<vmem>>[vector<16xi32>], vector<16xf32>,
          %parallel_loop3A_547 = arith.addf %parallel_loop3A_539, %parallel_loop3A_546 : vector<16xf32>
          %parallel_loop3A_548 = arith.mulf %parallel_loop3A_527, %parallel_loop3A_547 : vector<16xf32>
          %parallel_loop3A_549 = arith.addf %parallel_loop3A_495, %parallel_loop3A_548 : vector<16xf32>
          %parallel_loop3A_550 = arith.constant 2 : i32
          %parallel_loop3A_551 = arith.index_cast %parallel_loop3A_550 : i32 to index
          %parallel_loop3A_552 = arith.index_cast %parallel_loop3A_493 : i32 to index
          %parallel_loop3A_553 = tpu.vector_load %arg14[%parallel_loop3A_551, %parallel_loop3A_552] {strides = array<i32>} : memref<4x4096xf32, #tpu.memory_space<vmem>>, vector<16xf32>,
          %parallel_loop3A_554 = arith.constant 2 : i32
          %parallel_loop3A_555 = arith.index_cast %parallel_loop3A_554 : i32 to index
          %parallel_loop3A_556 = arith.index_cast %parallel_loop3A_493 : i32 to index
          %parallel_loop3A_557 = tpu.vector_load %arg11[%parallel_loop3A_555, %parallel_loop3A_556] {strides = array<i32>} : memref<4x4096xf32, #tpu.memory_space<vmem>>, vector<16xf32>,
          %parallel_loop3A_558 = vector.bitcast %parallel_loop3A_557 : vector<16xf32> to vector<16xi32>
          %parallel_loop3A_559 = arith.sitofp %parallel_loop3A_558 : vector<16xi32> to vector<16xf32>
          %parallel_loop3A_560 = arith.constant 1.1920929E-7 : f32
          %parallel_loop3A_561 = vector.broadcast %parallel_loop3A_560 : f32 to vector<16xf32>
          %parallel_loop3A_562 = arith.mulf %parallel_loop3A_559, %parallel_loop3A_561 : vector<16xf32>
          %parallel_loop3A_563 = arith.constant -1.270000e+02 : f32
          %parallel_loop3A_564 = vector.broadcast %parallel_loop3A_563 : f32 to vector<16xf32>
          %parallel_loop3A_565 = arith.addf %parallel_loop3A_562, %parallel_loop3A_564 : vector<16xf32>
          %parallel_loop3A_566 = arith.constant 15 : i32
          %parallel_loop3A_567 = vector.broadcast %parallel_loop3A_566 : i32 to vector<16xi32>
          %parallel_loop3A_568 = arith.shrui %parallel_loop3A_558, %parallel_loop3A_567 : vector<16xi32>
          %parallel_loop3A_569 = arith.constant 255 : i32
          %parallel_loop3A_570 = vector.broadcast %parallel_loop3A_569 : i32 to vector<16xi32>
          %parallel_loop3A_571 = arith.andi %parallel_loop3A_568, %parallel_loop3A_570 : vector<16xi32>
          %parallel_loop3A_572 = tpu.vector_load_idx %arg9[%parallel_loop3A_571] : memref<256xf32, #tpu.memory_space<vmem>>[vector<16xi32>], vector<16xf32>,
          %parallel_loop3A_573 = arith.addf %parallel_loop3A_565, %parallel_loop3A_572 : vector<16xf32>
          %parallel_loop3A_574 = arith.mulf %parallel_loop3A_553, %parallel_loop3A_573 : vector<16xf32>
          %parallel_loop3A_575 = arith.addf %parallel_loop3A_496, %parallel_loop3A_574 : vector<16xf32>
          %parallel_loop3A_576 = arith.constant 3 : i32
          %parallel_loop3A_577 = arith.index_cast %parallel_loop3A_576 : i32 to index
          %parallel_loop3A_578 = arith.index_cast %parallel_loop3A_493 : i32 to index
          %parallel_loop3A_579 = tpu.vector_load %arg14[%parallel_loop3A_577, %parallel_loop3A_578] {strides = array<i32>} : memref<4x4096xf32, #tpu.memory_space<vmem>>, vector<16xf32>,
          %parallel_loop3A_580 = arith.constant 3 : i32
          %parallel_loop3A_581 = arith.index_cast %parallel_loop3A_580 : i32 to index
          %parallel_loop3A_582 = arith.index_cast %parallel_loop3A_493 : i32 to index
          %parallel_loop3A_583 = tpu.vector_load %arg11[%parallel_loop3A_581, %parallel_loop3A_582] {strides = array<i32>} : memref<4x4096xf32, #tpu.memory_space<vmem>>, vector<16xf32>,
          %parallel_loop3A_584 = vector.bitcast %parallel_loop3A_583 : vector<16xf32> to vector<16xi32>
          %parallel_loop3A_585 = arith.sitofp %parallel_loop3A_584 : vector<16xi32> to vector<16xf32>
          %parallel_loop3A_586 = arith.constant 1.1920929E-7 : f32
          %parallel_loop3A_587 = vector.broadcast %parallel_loop3A_586 : f32 to vector<16xf32>
          %parallel_loop3A_588 = arith.mulf %parallel_loop3A_585, %parallel_loop3A_587 : vector<16xf32>
          %parallel_loop3A_589 = arith.constant -1.270000e+02 : f32
          %parallel_loop3A_590 = vector.broadcast %parallel_loop3A_589 : f32 to vector<16xf32>
          %parallel_loop3A_591 = arith.addf %parallel_loop3A_588, %parallel_loop3A_590 : vector<16xf32>
          %parallel_loop3A_592 = arith.constant 15 : i32
          %parallel_loop3A_593 = vector.broadcast %parallel_loop3A_592 : i32 to vector<16xi32>
          %parallel_loop3A_594 = arith.shrui %parallel_loop3A_584, %parallel_loop3A_593 : vector<16xi32>
          %parallel_loop3A_595 = arith.constant 255 : i32
          %parallel_loop3A_596 = vector.broadcast %parallel_loop3A_595 : i32 to vector<16xi32>
          %parallel_loop3A_597 = arith.andi %parallel_loop3A_594, %parallel_loop3A_596 : vector<16xi32>
          %parallel_loop3A_598 = tpu.vector_load_idx %arg9[%parallel_loop3A_597] : memref<256xf32, #tpu.memory_space<vmem>>[vector<16xi32>], vector<16xf32>,
          %parallel_loop3A_599 = arith.addf %parallel_loop3A_591, %parallel_loop3A_598 : vector<16xf32>
          %parallel_loop3A_600 = arith.mulf %parallel_loop3A_579, %parallel_loop3A_599 : vector<16xf32>
          %parallel_loop3A_601 = arith.addf %parallel_loop3A_497, %parallel_loop3A_600 : vector<16xf32>
          scf.yield %parallel_loop3A_523, %parallel_loop3A_549, %parallel_loop3A_575, %parallel_loop3A_601 : vector<16xf32>, vector<16xf32>, vector<16xf32>, vector<16xf32>
        } {sc.loop_unroll_factor = 2 : i64, sc.parallel_access}
        %mul3A_465 = arith.constant 4 : i32
        %mul3A_466 = arith.muli %add3A_420, %mul3A_465 : i32
        %add3A_467 = arith.constant 0 : i32
        %add3A_468 = arith.addi %mul3A_466, %add3A_467 : i32
        %lt3A_469 = arith.cmpi slt, %add3A_468, %add3A_316 : i32
        %select_n3A_470 = arith.select %lt3A_469, %parallel_loop3A_464#0, %broadcast_in_dim3A_340 : vector<16xf32>
        %add3A_471 = arith.addf %broadcast_in_dim3A_340, %select_n3A_470 : vector<16xf32>
        %mul3A_472 = arith.constant 4 : i32
        %mul3A_473 = arith.muli %add3A_420, %mul3A_472 : i32
        %add3A_474 = arith.constant 1 : i32
        %add3A_475 = arith.addi %mul3A_473, %add3A_474 : i32
        %lt3A_476 = arith.cmpi slt, %add3A_475, %add3A_316 : i32
        %select_n3A_477 = arith.select %lt3A_476, %parallel_loop3A_464#1, %broadcast_in_dim3A_340 : vector<16xf32>
        %add3A_478 = arith.addf %add3A_471, %select_n3A_477 : vector<16xf32>
        %mul3A_479 = arith.constant 4 : i32
        %mul3A_480 = arith.muli %add3A_420, %mul3A_479 : i32
        %add3A_481 = arith.constant 2 : i32
        %add3A_482 = arith.addi %mul3A_480, %add3A_481 : i32
        %lt3A_483 = arith.cmpi slt, %add3A_482, %add3A_316 : i32
        %select_n3A_484 = arith.select %lt3A_483, %parallel_loop3A_464#2, %broadcast_in_dim3A_340 : vector<16xf32>
        %add3A_485 = arith.addf %add3A_478, %select_n3A_484 : vector<16xf32>
        %mul3A_486 = arith.constant 4 : i32
        %mul3A_487 = arith.muli %add3A_420, %mul3A_486 : i32
        %add3A_488 = arith.constant 3 : i32
        %add3A_489 = arith.addi %mul3A_487, %add3A_488 : i32
        %lt3A_490 = arith.cmpi slt, %add3A_489, %add3A_316 : i32
        %select_n3A_491 = arith.select %lt3A_490, %parallel_loop3A_464#3, %broadcast_in_dim3A_340 : vector<16xf32>
        %add3A_492 = arith.addf %add3A_485, %select_n3A_491 : vector<16xf32>
        scf.yield %add3A_492 : vector<16xf32>
      } else {
        scf.yield %broadcast_in_dim3A_340 : vector<16xf32>
      }
      %add3A_434 = arith.addf %add3A_416, %cond3A_433 : vector<16xf32>
      %mul3A_435 = arith.constant 3 : i32
      %mul3A_436 = arith.muli %while3A_398, %mul3A_435 : i32
      %add3A_437 = arith.constant 2 : i32
      %add3A_438 = arith.addi %mul3A_436, %add3A_437 : i32
      %add3A_439 = arith.constant 3 : i32
      %add3A_440 = arith.addi %add3A_438, %add3A_439 : i32
      %sub3A_441 = arith.constant 1 : i32
      %sub3A_442 = arith.subi %add3A_440, %sub3A_441 : i32
      %lt3A_443 = arith.cmpi slt, %sub3A_442, %select_n3A : i32
      %convert_element_type3A_444 = arith.extui %lt3A_443 : i1 to i32
      %cond3A_445 = arith.constant 0 : i32
      %cond3A_446 = arith.cmpi ne, %convert_element_type3A_444, %cond3A_445 : i32
      scf.if %cond3A_446 {
        %add3A_453 = arith.constant 3 : i32
        %add3A_454 = arith.addi %add3A_438, %add3A_453 : i32
        %sub3A_455 = arith.constant 1 : i32
        %sub3A_456 = arith.subi %add3A_454, %sub3A_455 : i32
        %mul3A_457 = arith.constant 8 : i32
        %mul3A_458 = arith.muli %sub3A_456, %mul3A_457 : i32
        %dma_start3A = tpu.memref_slice %arg8[%mul3A_458] : memref<304xi32, #tpu.memory_space<vmem>> -> memref<4xi32, #tpu.memory_space<vmem>>
        %dma_start3A_459 = arith.constant 0 : i32
        %dma_start3A_460 = arith.constant 0 : i32
        %dma_start3A_461 = tpu.memref_slice %arg2[%dma_start3A_459, %dma_start3A_460] : memref<8192x4096xf32, #tpu.memory_space<hbm>> -> memref<8192x4096xf32, #tpu.memory_space<hbm>>
        tpu.enqueue_indirect_dma source(%dma_start3A_461 : memref<8192x4096xf32, #tpu.memory_space<hbm>>) target(%arg11 : memref<4x4096xf32, #tpu.memory_space<vmem>>) offsets(%dma_start3A : memref<4xi32, #tpu.memory_space<vmem>>) semaphore(%arg18 : memref<!tpu.dma_semaphore, #tpu.memory_space<semaphore_mem>>)
        %dma_start3A_462 = tpu.memref_slice %arg8[%mul3A_458] : memref<304xi32, #tpu.memory_space<vmem>> -> memref<4xi32, #tpu.memory_space<vmem>>
        %dma_start3A_463 = arith.constant 0 : i32
        %dma_start3A_464 = arith.constant 0 : i32
        %dma_start3A_465 = tpu.memref_slice %arg3[%dma_start3A_463, %dma_start3A_464] : memref<8192x4096xf32, #tpu.memory_space<hbm>> -> memref<8192x4096xf32, #tpu.memory_space<hbm>>
        tpu.enqueue_indirect_dma source(%dma_start3A_465 : memref<8192x4096xf32, #tpu.memory_space<hbm>>) target(%arg14 : memref<4x4096xf32, #tpu.memory_space<vmem>>) offsets(%dma_start3A_462 : memref<4xi32, #tpu.memory_space<vmem>>) semaphore(%arg21 : memref<!tpu.dma_semaphore, #tpu.memory_space<semaphore_mem>>)
      } else {
      }
      %lt3A_447 = arith.cmpi slt, %add3A_438, %select_n3A : i32
      %convert_element_type3A_448 = arith.extui %lt3A_447 : i1 to i32
      %cond3A_449 = arith.constant 0 : i32
      %cond3A_450 = arith.cmpi ne, %convert_element_type3A_448, %cond3A_449 : i32
      %cond3A_451 = scf.if %cond3A_450 -> (vector<16xf32>) {
        %mul3A_453 = arith.constant 8 : i32
        %mul3A_454 = arith.muli %add3A_438, %mul3A_453 : i32
        %dma_wait3A = tpu.memref_slice %arg8[%mul3A_454] : memref<304xi32, #tpu.memory_space<vmem>> -> memref<4xi32, #tpu.memory_space<vmem>>
        %dma_wait3A_455 = arith.constant 0 : i32
        %dma_wait3A_456 = arith.constant 0 : i32
        %dma_wait3A_457 = tpu.memref_slice %arg2[%dma_wait3A_455, %dma_wait3A_456] : memref<8192x4096xf32, #tpu.memory_space<hbm>> -> memref<8192x4096xf32, #tpu.memory_space<hbm>>
        tpu.wait_indirect_dma semaphore(%arg19 : memref<!tpu.dma_semaphore, #tpu.memory_space<semaphore_mem>>) src(%dma_wait3A_457 : memref<8192x4096xf32, #tpu.memory_space<hbm>>) dst(%arg12 : memref<4x4096xf32, #tpu.memory_space<vmem>>)
        %dma_wait3A_458 = tpu.memref_slice %arg8[%mul3A_454] : memref<304xi32, #tpu.memory_space<vmem>> -> memref<4xi32, #tpu.memory_space<vmem>>
        %dma_wait3A_459 = arith.constant 0 : i32
        %dma_wait3A_460 = arith.constant 0 : i32
        %dma_wait3A_461 = tpu.memref_slice %arg3[%dma_wait3A_459, %dma_wait3A_460] : memref<8192x4096xf32, #tpu.memory_space<hbm>> -> memref<8192x4096xf32, #tpu.memory_space<hbm>>
        tpu.wait_indirect_dma semaphore(%arg22 : memref<!tpu.dma_semaphore, #tpu.memory_space<semaphore_mem>>) src(%dma_wait3A_461 : memref<8192x4096xf32, #tpu.memory_space<hbm>>) dst(%arg15 : memref<4x4096xf32, #tpu.memory_space<vmem>>)
        %parallel_loop3A = arith.constant 0 : i32
        %parallel_loop3A_462 = arith.constant 4096 : i32
        %parallel_loop3A_463 = arith.constant 16 : i32
        %parallel_loop3A_464:4 = scf.for %parallel_loop3A_493 = %parallel_loop3A to %parallel_loop3A_462 step %parallel_loop3A_463 iter_args(%parallel_loop3A_494 = %broadcast_in_dim3A_340, %parallel_loop3A_495 = %broadcast_in_dim3A_340, %parallel_loop3A_496 = %broadcast_in_dim3A_340, %parallel_loop3A_497 = %broadcast_in_dim3A_340) -> (vector<16xf32>, vector<16xf32>, vector<16xf32>, vector<16xf32>)  : i32 {
          %parallel_loop3A_498 = arith.constant 0 : i32
          %parallel_loop3A_499 = arith.index_cast %parallel_loop3A_498 : i32 to index
          %parallel_loop3A_500 = arith.index_cast %parallel_loop3A_493 : i32 to index
          %parallel_loop3A_501 = tpu.vector_load %arg15[%parallel_loop3A_499, %parallel_loop3A_500] {strides = array<i32>} : memref<4x4096xf32, #tpu.memory_space<vmem>>, vector<16xf32>,
          %parallel_loop3A_502 = arith.constant 0 : i32
          %parallel_loop3A_503 = arith.index_cast %parallel_loop3A_502 : i32 to index
          %parallel_loop3A_504 = arith.index_cast %parallel_loop3A_493 : i32 to index
          %parallel_loop3A_505 = tpu.vector_load %arg12[%parallel_loop3A_503, %parallel_loop3A_504] {strides = array<i32>} : memref<4x4096xf32, #tpu.memory_space<vmem>>, vector<16xf32>,
          %parallel_loop3A_506 = vector.bitcast %parallel_loop3A_505 : vector<16xf32> to vector<16xi32>
          %parallel_loop3A_507 = arith.sitofp %parallel_loop3A_506 : vector<16xi32> to vector<16xf32>
          %parallel_loop3A_508 = arith.constant 1.1920929E-7 : f32
          %parallel_loop3A_509 = vector.broadcast %parallel_loop3A_508 : f32 to vector<16xf32>
          %parallel_loop3A_510 = arith.mulf %parallel_loop3A_507, %parallel_loop3A_509 : vector<16xf32>
          %parallel_loop3A_511 = arith.constant -1.270000e+02 : f32
          %parallel_loop3A_512 = vector.broadcast %parallel_loop3A_511 : f32 to vector<16xf32>
          %parallel_loop3A_513 = arith.addf %parallel_loop3A_510, %parallel_loop3A_512 : vector<16xf32>
          %parallel_loop3A_514 = arith.constant 15 : i32
          %parallel_loop3A_515 = vector.broadcast %parallel_loop3A_514 : i32 to vector<16xi32>
          %parallel_loop3A_516 = arith.shrui %parallel_loop3A_506, %parallel_loop3A_515 : vector<16xi32>
          %parallel_loop3A_517 = arith.constant 255 : i32
          %parallel_loop3A_518 = vector.broadcast %parallel_loop3A_517 : i32 to vector<16xi32>
          %parallel_loop3A_519 = arith.andi %parallel_loop3A_516, %parallel_loop3A_518 : vector<16xi32>
          %parallel_loop3A_520 = tpu.vector_load_idx %arg9[%parallel_loop3A_519] : memref<256xf32, #tpu.memory_space<vmem>>[vector<16xi32>], vector<16xf32>,
          %parallel_loop3A_521 = arith.addf %parallel_loop3A_513, %parallel_loop3A_520 : vector<16xf32>
          %parallel_loop3A_522 = arith.mulf %parallel_loop3A_501, %parallel_loop3A_521 : vector<16xf32>
          %parallel_loop3A_523 = arith.addf %parallel_loop3A_494, %parallel_loop3A_522 : vector<16xf32>
          %parallel_loop3A_524 = arith.constant 1 : i32
          %parallel_loop3A_525 = arith.index_cast %parallel_loop3A_524 : i32 to index
          %parallel_loop3A_526 = arith.index_cast %parallel_loop3A_493 : i32 to index
          %parallel_loop3A_527 = tpu.vector_load %arg15[%parallel_loop3A_525, %parallel_loop3A_526] {strides = array<i32>} : memref<4x4096xf32, #tpu.memory_space<vmem>>, vector<16xf32>,
          %parallel_loop3A_528 = arith.constant 1 : i32
          %parallel_loop3A_529 = arith.index_cast %parallel_loop3A_528 : i32 to index
          %parallel_loop3A_530 = arith.index_cast %parallel_loop3A_493 : i32 to index
          %parallel_loop3A_531 = tpu.vector_load %arg12[%parallel_loop3A_529, %parallel_loop3A_530] {strides = array<i32>} : memref<4x4096xf32, #tpu.memory_space<vmem>>, vector<16xf32>,
          %parallel_loop3A_532 = vector.bitcast %parallel_loop3A_531 : vector<16xf32> to vector<16xi32>
          %parallel_loop3A_533 = arith.sitofp %parallel_loop3A_532 : vector<16xi32> to vector<16xf32>
          %parallel_loop3A_534 = arith.constant 1.1920929E-7 : f32
          %parallel_loop3A_535 = vector.broadcast %parallel_loop3A_534 : f32 to vector<16xf32>
          %parallel_loop3A_536 = arith.mulf %parallel_loop3A_533, %parallel_loop3A_535 : vector<16xf32>
          %parallel_loop3A_537 = arith.constant -1.270000e+02 : f32
          %parallel_loop3A_538 = vector.broadcast %parallel_loop3A_537 : f32 to vector<16xf32>
          %parallel_loop3A_539 = arith.addf %parallel_loop3A_536, %parallel_loop3A_538 : vector<16xf32>
          %parallel_loop3A_540 = arith.constant 15 : i32
          %parallel_loop3A_541 = vector.broadcast %parallel_loop3A_540 : i32 to vector<16xi32>
          %parallel_loop3A_542 = arith.shrui %parallel_loop3A_532, %parallel_loop3A_541 : vector<16xi32>
          %parallel_loop3A_543 = arith.constant 255 : i32
          %parallel_loop3A_544 = vector.broadcast %parallel_loop3A_543 : i32 to vector<16xi32>
          %parallel_loop3A_545 = arith.andi %parallel_loop3A_542, %parallel_loop3A_544 : vector<16xi32>
          %parallel_loop3A_546 = tpu.vector_load_idx %arg9[%parallel_loop3A_545] : memref<256xf32, #tpu.memory_space<vmem>>[vector<16xi32>], vector<16xf32>,
          %parallel_loop3A_547 = arith.addf %parallel_loop3A_539, %parallel_loop3A_546 : vector<16xf32>
          %parallel_loop3A_548 = arith.mulf %parallel_loop3A_527, %parallel_loop3A_547 : vector<16xf32>
          %parallel_loop3A_549 = arith.addf %parallel_loop3A_495, %parallel_loop3A_548 : vector<16xf32>
          %parallel_loop3A_550 = arith.constant 2 : i32
          %parallel_loop3A_551 = arith.index_cast %parallel_loop3A_550 : i32 to index
          %parallel_loop3A_552 = arith.index_cast %parallel_loop3A_493 : i32 to index
          %parallel_loop3A_553 = tpu.vector_load %arg15[%parallel_loop3A_551, %parallel_loop3A_552] {strides = array<i32>} : memref<4x4096xf32, #tpu.memory_space<vmem>>, vector<16xf32>,
          %parallel_loop3A_554 = arith.constant 2 : i32
          %parallel_loop3A_555 = arith.index_cast %parallel_loop3A_554 : i32 to index
          %parallel_loop3A_556 = arith.index_cast %parallel_loop3A_493 : i32 to index
          %parallel_loop3A_557 = tpu.vector_load %arg12[%parallel_loop3A_555, %parallel_loop3A_556] {strides = array<i32>} : memref<4x4096xf32, #tpu.memory_space<vmem>>, vector<16xf32>,
          %parallel_loop3A_558 = vector.bitcast %parallel_loop3A_557 : vector<16xf32> to vector<16xi32>
          %parallel_loop3A_559 = arith.sitofp %parallel_loop3A_558 : vector<16xi32> to vector<16xf32>
          %parallel_loop3A_560 = arith.constant 1.1920929E-7 : f32
          %parallel_loop3A_561 = vector.broadcast %parallel_loop3A_560 : f32 to vector<16xf32>
          %parallel_loop3A_562 = arith.mulf %parallel_loop3A_559, %parallel_loop3A_561 : vector<16xf32>
          %parallel_loop3A_563 = arith.constant -1.270000e+02 : f32
          %parallel_loop3A_564 = vector.broadcast %parallel_loop3A_563 : f32 to vector<16xf32>
          %parallel_loop3A_565 = arith.addf %parallel_loop3A_562, %parallel_loop3A_564 : vector<16xf32>
          %parallel_loop3A_566 = arith.constant 15 : i32
          %parallel_loop3A_567 = vector.broadcast %parallel_loop3A_566 : i32 to vector<16xi32>
          %parallel_loop3A_568 = arith.shrui %parallel_loop3A_558, %parallel_loop3A_567 : vector<16xi32>
          %parallel_loop3A_569 = arith.constant 255 : i32
          %parallel_loop3A_570 = vector.broadcast %parallel_loop3A_569 : i32 to vector<16xi32>
          %parallel_loop3A_571 = arith.andi %parallel_loop3A_568, %parallel_loop3A_570 : vector<16xi32>
          %parallel_loop3A_572 = tpu.vector_load_idx %arg9[%parallel_loop3A_571] : memref<256xf32, #tpu.memory_space<vmem>>[vector<16xi32>], vector<16xf32>,
          %parallel_loop3A_573 = arith.addf %parallel_loop3A_565, %parallel_loop3A_572 : vector<16xf32>
          %parallel_loop3A_574 = arith.mulf %parallel_loop3A_553, %parallel_loop3A_573 : vector<16xf32>
          %parallel_loop3A_575 = arith.addf %parallel_loop3A_496, %parallel_loop3A_574 : vector<16xf32>
          %parallel_loop3A_576 = arith.constant 3 : i32
          %parallel_loop3A_577 = arith.index_cast %parallel_loop3A_576 : i32 to index
          %parallel_loop3A_578 = arith.index_cast %parallel_loop3A_493 : i32 to index
          %parallel_loop3A_579 = tpu.vector_load %arg15[%parallel_loop3A_577, %parallel_loop3A_578] {strides = array<i32>} : memref<4x4096xf32, #tpu.memory_space<vmem>>, vector<16xf32>,
          %parallel_loop3A_580 = arith.constant 3 : i32
          %parallel_loop3A_581 = arith.index_cast %parallel_loop3A_580 : i32 to index
          %parallel_loop3A_582 = arith.index_cast %parallel_loop3A_493 : i32 to index
          %parallel_loop3A_583 = tpu.vector_load %arg12[%parallel_loop3A_581, %parallel_loop3A_582] {strides = array<i32>} : memref<4x4096xf32, #tpu.memory_space<vmem>>, vector<16xf32>,
          %parallel_loop3A_584 = vector.bitcast %parallel_loop3A_583 : vector<16xf32> to vector<16xi32>
          %parallel_loop3A_585 = arith.sitofp %parallel_loop3A_584 : vector<16xi32> to vector<16xf32>
          %parallel_loop3A_586 = arith.constant 1.1920929E-7 : f32
          %parallel_loop3A_587 = vector.broadcast %parallel_loop3A_586 : f32 to vector<16xf32>
          %parallel_loop3A_588 = arith.mulf %parallel_loop3A_585, %parallel_loop3A_587 : vector<16xf32>
          %parallel_loop3A_589 = arith.constant -1.270000e+02 : f32
          %parallel_loop3A_590 = vector.broadcast %parallel_loop3A_589 : f32 to vector<16xf32>
          %parallel_loop3A_591 = arith.addf %parallel_loop3A_588, %parallel_loop3A_590 : vector<16xf32>
          %parallel_loop3A_592 = arith.constant 15 : i32
          %parallel_loop3A_593 = vector.broadcast %parallel_loop3A_592 : i32 to vector<16xi32>
          %parallel_loop3A_594 = arith.shrui %parallel_loop3A_584, %parallel_loop3A_593 : vector<16xi32>
          %parallel_loop3A_595 = arith.constant 255 : i32
          %parallel_loop3A_596 = vector.broadcast %parallel_loop3A_595 : i32 to vector<16xi32>
          %parallel_loop3A_597 = arith.andi %parallel_loop3A_594, %parallel_loop3A_596 : vector<16xi32>
          %parallel_loop3A_598 = tpu.vector_load_idx %arg9[%parallel_loop3A_597] : memref<256xf32, #tpu.memory_space<vmem>>[vector<16xi32>], vector<16xf32>,
          %parallel_loop3A_599 = arith.addf %parallel_loop3A_591, %parallel_loop3A_598 : vector<16xf32>
          %parallel_loop3A_600 = arith.mulf %parallel_loop3A_579, %parallel_loop3A_599 : vector<16xf32>
          %parallel_loop3A_601 = arith.addf %parallel_loop3A_497, %parallel_loop3A_600 : vector<16xf32>
          scf.yield %parallel_loop3A_523, %parallel_loop3A_549, %parallel_loop3A_575, %parallel_loop3A_601 : vector<16xf32>, vector<16xf32>, vector<16xf32>, vector<16xf32>
        } {sc.loop_unroll_factor = 2 : i64, sc.parallel_access}
        %mul3A_465 = arith.constant 4 : i32
        %mul3A_466 = arith.muli %add3A_438, %mul3A_465 : i32
        %add3A_467 = arith.constant 0 : i32
        %add3A_468 = arith.addi %mul3A_466, %add3A_467 : i32
        %lt3A_469 = arith.cmpi slt, %add3A_468, %add3A_316 : i32
        %select_n3A_470 = arith.select %lt3A_469, %parallel_loop3A_464#0, %broadcast_in_dim3A_340 : vector<16xf32>
        %add3A_471 = arith.addf %broadcast_in_dim3A_340, %select_n3A_470 : vector<16xf32>
        %mul3A_472 = arith.constant 4 : i32
        %mul3A_473 = arith.muli %add3A_438, %mul3A_472 : i32
        %add3A_474 = arith.constant 1 : i32
        %add3A_475 = arith.addi %mul3A_473, %add3A_474 : i32
        %lt3A_476 = arith.cmpi slt, %add3A_475, %add3A_316 : i32
        %select_n3A_477 = arith.select %lt3A_476, %parallel_loop3A_464#1, %broadcast_in_dim3A_340 : vector<16xf32>
        %add3A_478 = arith.addf %add3A_471, %select_n3A_477 : vector<16xf32>
        %mul3A_479 = arith.constant 4 : i32
        %mul3A_480 = arith.muli %add3A_438, %mul3A_479 : i32
        %add3A_481 = arith.constant 2 : i32
        %add3A_482 = arith.addi %mul3A_480, %add3A_481 : i32
        %lt3A_483 = arith.cmpi slt, %add3A_482, %add3A_316 : i32
        %select_n3A_484 = arith.select %lt3A_483, %parallel_loop3A_464#2, %broadcast_in_dim3A_340 : vector<16xf32>
        %add3A_485 = arith.addf %add3A_478, %select_n3A_484 : vector<16xf32>
        %mul3A_486 = arith.constant 4 : i32
        %mul3A_487 = arith.muli %add3A_438, %mul3A_486 : i32
        %add3A_488 = arith.constant 3 : i32
        %add3A_489 = arith.addi %mul3A_487, %add3A_488 : i32
        %lt3A_490 = arith.cmpi slt, %add3A_489, %add3A_316 : i32
        %select_n3A_491 = arith.select %lt3A_490, %parallel_loop3A_464#3, %broadcast_in_dim3A_340 : vector<16xf32>
        %add3A_492 = arith.addf %add3A_485, %select_n3A_491 : vector<16xf32>
        scf.yield %add3A_492 : vector<16xf32>
      } else {
        scf.yield %broadcast_in_dim3A_340 : vector<16xf32>
      }
      %add3A_452 = arith.addf %add3A_434, %cond3A_451 : vector<16xf32>
      scf.yield %add3A_452 : vector<16xf32>
    }
    %swap3A_387 = arith.constant 0 : index
    %swap3A_388 = tpu.vector_load %arg16[%swap3A_387] {strides = array<i32>} : memref<32xf32, #tpu.memory_space<vmem>>, vector<16xf32>,
    tpu.vector_store %arg16[%swap3A_387], %while3A_386 {strides = array<i32>} : memref<32xf32, #tpu.memory_space<vmem>>, vector<16xf32>,
    %convert_element_type3A_389 = arith.sitofp %add3A_316 : i32 to f32
    %eq3A = arith.constant 0 : i32
    %eq3A_390 = vector.broadcast %eq3A : i32 to vector<16xi32>
    %eq3A_391 = arith.cmpi eq, %iota3A, %eq3A_390 : vector<16xi32>
    %jit3A_392 = arith.constant 0.000000e+00 : f32
    %broadcast_in_dim3A_393 = vector.broadcast %convert_element_type3A_389 : f32 to vector<16xf32>
    %broadcast_in_dim3A_394 = vector.broadcast %jit3A_392 : f32 to vector<16xf32>
    %select_n3A_395 = arith.select %eq3A_391, %broadcast_in_dim3A_393, %broadcast_in_dim3A_394 : vector<16xi1>, vector<16xf32>
    %swap3A_396 = arith.constant 16 : index
    %swap3A_397 = tpu.vector_load %arg16[%swap3A_396] {strides = array<i32>} : memref<32xf32, #tpu.memory_space<vmem>>, vector<16xf32>,
    tpu.vector_store %arg16[%swap3A_396], %select_n3A_395 {strides = array<i32>} : memref<32xf32, #tpu.memory_space<vmem>>, vector<16xf32>,
    "tpu.region"() ({
      %run_scoped3A = tpu.sem_alloc : memref<!tpu.dma_semaphore, #tpu.memory_space<semaphore_mem>>
      %dma_start3A = arith.constant 0 : i32
      %dma_start3A_398 = tpu.memref_slice %arg6[%add3A, %dma_start3A] : memref<32x32xf32, #tpu.memory_space<hbm>> -> memref<1x32xf32, #tpu.memory_space<hbm>>
      %dma_start3A_399 = tpu.memref_squeeze %dma_start3A_398 : memref<1x32xf32, #tpu.memory_space<hbm>> -> memref<32xf32, #tpu.memory_space<hbm>>
      %dma_start3A_400 = arith.constant 0 : i32
      %dma_start3A_401 = tpu.memref_slice %arg6[%add3A, %dma_start3A_400] : memref<32x32xf32, #tpu.memory_space<hbm>> -> memref<1x32xf32, #tpu.memory_space<hbm>>
      %dma_start3A_402 = tpu.memref_squeeze %dma_start3A_401 : memref<1x32xf32, #tpu.memory_space<hbm>> -> memref<32xf32, #tpu.memory_space<hbm>>
      tpu.enqueue_dma source(%arg16 : memref<32xf32, #tpu.memory_space<vmem>>) target(%dma_start3A_402 : memref<32xf32, #tpu.memory_space<hbm>>) target_semaphore(%run_scoped3A : memref<!tpu.dma_semaphore, #tpu.memory_space<semaphore_mem>>)
      %dma_wait3A = arith.constant 0 : i32
      %dma_wait3A_403 = tpu.memref_slice %arg6[%add3A, %dma_wait3A] : memref<32x32xf32, #tpu.memory_space<hbm>> -> memref<1x32xf32, #tpu.memory_space<hbm>>
      %dma_wait3A_404 = tpu.memref_squeeze %dma_wait3A_403 : memref<1x32xf32, #tpu.memory_space<hbm>> -> memref<32xf32, #tpu.memory_space<hbm>>
      %dma_wait3A_405 = arith.constant 0 : i32
      %dma_wait3A_406 = tpu.memref_slice %arg6[%add3A, %dma_wait3A_405] : memref<32x32xf32, #tpu.memory_space<hbm>> -> memref<1x32xf32, #tpu.memory_space<hbm>>
      %dma_wait3A_407 = tpu.memref_squeeze %dma_wait3A_406 : memref<1x32xf32, #tpu.memory_space<hbm>> -> memref<32xf32, #tpu.memory_space<hbm>>
      tpu.wait_dma2 semaphore(%run_scoped3A : memref<!tpu.dma_semaphore, #tpu.memory_space<semaphore_mem>>) src(%arg16 : memref<32xf32, #tpu.memory_space<vmem>>) dst(%dma_wait3A_407 : memref<32xf32, #tpu.memory_space<hbm>>)
      tpu.yield
    }) : () -> ()
    return
  }
}

module attributes {stable_mosaic.version = 14 : i64} {
  func.func @_tc_dense_body(%arg0: i32, %arg1: memref<256x4096xf32, #tpu.memory_space<vmem>>, %arg2: memref<256x4096xf32, #tpu.memory_space<vmem>>, %arg3: memref<256xi32, #tpu.memory_space<vmem>>, %arg4: memref<1x2xf32, #tpu.memory_space<smem>>, %arg5: memref<1xf32, #tpu.memory_space<smem>>, %arg6: memref<1xf32, #tpu.memory_space<smem>>) attributes {dimension_semantics = [#tpu.dimension_semantics<arbitrary>], iteration_bounds = array<i64: 14>, scalar_prefetch = 0 : i64, scratch_operands = 2 : i64, tpu.core_type = #tpu.core_type<tc>, window_params = [{transform_indices = @transform_0, window_bounds = array<i64: 256, 4096>}, {transform_indices = @transform_1, window_bounds = array<i64: 256, 4096>}, {transform_indices = @transform_2, window_bounds = array<i64: 256>}, {transform_indices = @transform_3, window_bounds = array<i64: 1, 2>}]} {
    %eq3A = arith.constant 0 : i32
    %eq3A_0 = arith.cmpi eq, %arg0, %eq3A : i32
    %convert_element_type3A = arith.extui %eq3A_0 : i1 to i32
    %cond3A = arith.constant 0 : i32
    %cond3A_1 = arith.cmpi ne, %convert_element_type3A, %cond3A : i32
    scf.if %cond3A_1 {
      %swap3A_40 = arith.constant 0.000000e+00 : f32
      %swap3A_41 = arith.constant 0 : index
      %swap3A_42 = memref.load %arg5[%swap3A_41] : memref<1xf32, #tpu.memory_space<smem>>
      memref.store %swap3A_40, %arg5[%swap3A_41] : memref<1xf32, #tpu.memory_space<smem>>
      %swap3A_43 = arith.constant 0.000000e+00 : f32
      %swap3A_44 = arith.constant 0 : index
      %swap3A_45 = memref.load %arg6[%swap3A_44] : memref<1xf32, #tpu.memory_space<smem>>
      memref.store %swap3A_43, %arg6[%swap3A_44] : memref<1xf32, #tpu.memory_space<smem>>
    } else {
    }
    %get3A = arith.constant 0 : index
    %get3A_2 = arith.constant 0 : index
    %get3A_3 = vector.load %arg1[%get3A, %get3A_2] : memref<256x4096xf32, #tpu.memory_space<vmem>>, vector<256x4096xf32>
    %get3A_4 = arith.constant 0 : index
    %get3A_5 = arith.constant 0 : index
    %get3A_6 = vector.load %arg2[%get3A_4, %get3A_5] : memref<256x4096xf32, #tpu.memory_space<vmem>>, vector<256x4096xf32>
    %get3A_7 = arith.constant 0 : index
    %get3A_8 = vector.load %arg3[%get3A_7] : memref<256xi32, #tpu.memory_space<vmem>>, vector<256xi32>
    %get3A_9 = arith.constant dense<0> : vector<256xi32>
    %get3A_10 = arith.cmpi ne, %get3A_8, %get3A_9 : vector<256xi32>
    %convert_element_type3A_11 = arith.extui %get3A_10 : vector<256xi1> to vector<256xi32>
    %convert_element_type3A_12 = arith.sitofp %convert_element_type3A_11 : vector<256xi32> to vector<256xf32>
    %log3A = math.log %get3A_3 : vector<256x4096xf32>
    %mul3A = arith.mulf %get3A_6, %log3A : vector<256x4096xf32>
    %reduce_sum3A = arith.constant dense<0.000000e+00> : vector<256xf32>
    %reduce_sum3A_13 = vector.multi_reduction <add>, %mul3A, %reduce_sum3A [1] : vector<256x4096xf32> to vector<256xf32>
    %neg3A = arith.constant 0.000000e+00 : f32
    %neg3A_14 = vector.broadcast %neg3A : f32 to vector<256xf32>
    %neg3A_15 = arith.subf %neg3A_14, %reduce_sum3A_13 : vector<256xf32>
    %get3A_16 = arith.constant 0 : index
    %get3A_17 = memref.load %arg5[%get3A_16] : memref<1xf32, #tpu.memory_space<smem>>
    %mul3A_18 = arith.mulf %neg3A_15, %convert_element_type3A_12 : vector<256xf32>
    %reduce_sum3A_19 = vector.shape_cast %mul3A_18 : vector<256xf32> to vector<1x256xf32>
    %reduce_sum3A_20 = arith.constant dense<0.000000e+00> : vector<1xf32>
    %reduce_sum3A_21 = vector.multi_reduction <add>, %reduce_sum3A_19, %reduce_sum3A_20 [1] : vector<1x256xf32> to vector<1xf32>
    %reduce_sum3A_22 = vector.shape_cast %reduce_sum3A_21 : vector<1xf32> to vector<1x1xf32>
    %reduce_sum3A_23 = vector.extract %reduce_sum3A_22[0, 0] : f32 from vector<1x1xf32>
    %add3A = arith.addf %get3A_17, %reduce_sum3A_23 : f32
    %swap3A = arith.constant 0 : index
    %swap3A_24 = memref.load %arg5[%swap3A] : memref<1xf32, #tpu.memory_space<smem>>
    memref.store %add3A, %arg5[%swap3A] : memref<1xf32, #tpu.memory_space<smem>>
    %get3A_25 = arith.constant 0 : index
    %get3A_26 = memref.load %arg6[%get3A_25] : memref<1xf32, #tpu.memory_space<smem>>
    %reduce_sum3A_27 = vector.shape_cast %convert_element_type3A_12 : vector<256xf32> to vector<1x256xf32>
    %reduce_sum3A_28 = arith.constant dense<0.000000e+00> : vector<1xf32>
    %reduce_sum3A_29 = vector.multi_reduction <add>, %reduce_sum3A_27, %reduce_sum3A_28 [1] : vector<1x256xf32> to vector<1xf32>
    %reduce_sum3A_30 = vector.shape_cast %reduce_sum3A_29 : vector<1xf32> to vector<1x1xf32>
    %reduce_sum3A_31 = vector.extract %reduce_sum3A_30[0, 0] : f32 from vector<1x1xf32>
    %add3A_32 = arith.addf %get3A_26, %reduce_sum3A_31 : f32
    %swap3A_33 = arith.constant 0 : index
    %swap3A_34 = memref.load %arg6[%swap3A_33] : memref<1xf32, #tpu.memory_space<smem>>
    memref.store %add3A_32, %arg6[%swap3A_33] : memref<1xf32, #tpu.memory_space<smem>>
    %eq3A_35 = arith.constant 13 : i32
    %eq3A_36 = arith.cmpi eq, %arg0, %eq3A_35 : i32
    %convert_element_type3A_37 = arith.extui %eq3A_36 : i1 to i32
    %cond3A_38 = arith.constant 0 : i32
    %cond3A_39 = arith.cmpi ne, %convert_element_type3A_37, %cond3A_38 : i32
    scf.if %cond3A_39 {
      %get3A_40 = arith.constant 0 : index
      %get3A_41 = memref.load %arg5[%get3A_40] : memref<1xf32, #tpu.memory_space<smem>>
      %swap3A_42 = arith.constant 0 : index
      %swap3A_43 = arith.constant 0 : index
      %swap3A_44 = memref.load %arg4[%swap3A_42, %swap3A_43] : memref<1x2xf32, #tpu.memory_space<smem>>
      memref.store %get3A_41, %arg4[%swap3A_42, %swap3A_43] : memref<1x2xf32, #tpu.memory_space<smem>>
      %get3A_45 = arith.constant 0 : index
      %get3A_46 = memref.load %arg6[%get3A_45] : memref<1xf32, #tpu.memory_space<smem>>
      %swap3A_47 = arith.constant 0 : index
      %swap3A_48 = arith.constant 1 : index
      %swap3A_49 = memref.load %arg4[%swap3A_47, %swap3A_48] : memref<1x2xf32, #tpu.memory_space<smem>>
      memref.store %get3A_46, %arg4[%swap3A_47, %swap3A_48] : memref<1x2xf32, #tpu.memory_space<smem>>
    } else {
    }
    return
  }
  func.func @transform_0(%arg0: i32) -> (i32, i32) {
    %c0_i32 = arith.constant 0 : i32
    %c0_i32_0 = arith.constant 0 : i32
    return %arg0, %c0_i32 : i32, i32
  }
  func.func @transform_1(%arg0: i32) -> (i32, i32) {
    %c0_i32 = arith.constant 0 : i32
    %c0_i32_0 = arith.constant 0 : i32
    return %arg0, %c0_i32 : i32, i32
  }
  func.func @transform_2(%arg0: i32) -> i32 {
    %c0_i32 = arith.constant 0 : i32
    return %arg0 : i32
  }
  func.func @transform_3(%arg0: i32) -> (i32, i32) {
    %c0_i32 = arith.constant 0 : i32
    %c0_i32_0 = arith.constant 0 : i32
    %c0_i32_1 = arith.constant 0 : i32
    return %c0_i32, %c0_i32_0 : i32, i32
  }
}

module attributes {stable_mosaic.version = 14 : i64} {
  func.func @_combine_body(%arg0: memref<32x32xf32, #tpu.memory_space<vmem>>, %arg1: memref<1x2xf32, #tpu.memory_space<smem>>, %arg2: memref<1x1xf32, #tpu.memory_space<smem>>) attributes {dimension_semantics = [], scalar_prefetch = 0 : i64, scratch_operands = 0 : i64, tpu.core_type = #tpu.core_type<tc>} {
    %get3A = arith.constant 0 : index
    %get3A_0 = arith.constant 0 : index
    %get3A_1 = vector.load %arg0[%get3A, %get3A_0] : memref<32x32xf32, #tpu.memory_space<vmem>>, vector<32x32xf32>
    %slice3A = vector.extract_strided_slice %get3A_1 {offsets = [0, 0], sizes = [32, 16], strides = [1, 1]} : vector<32x32xf32> to vector<32x16xf32>
    %reduce_sum3A = vector.shape_cast %slice3A : vector<32x16xf32> to vector<1x32x16xf32>
    %reduce_sum3A_2 = arith.constant dense<0.000000e+00> : vector<1xf32>
    %reduce_sum3A_3 = vector.multi_reduction <add>, %reduce_sum3A, %reduce_sum3A_2 [1, 2] : vector<1x32x16xf32> to vector<1xf32>
    %reduce_sum3A_4 = vector.shape_cast %reduce_sum3A_3 : vector<1xf32> to vector<1x1x1xf32>
    %reduce_sum3A_5 = vector.extract %reduce_sum3A_4[0, 0, 0] : f32 from vector<1x1x1xf32>
    %mul3A = arith.constant -0.693147182 : f32
    %mul3A_6 = arith.mulf %mul3A, %reduce_sum3A_5 : f32
    %get3A_7 = arith.constant 0 : index
    %get3A_8 = arith.constant 0 : index
    %get3A_9 = memref.load %arg1[%get3A_7, %get3A_8] : memref<1x2xf32, #tpu.memory_space<smem>>
    %add3A = arith.addf %mul3A_6, %get3A_9 : f32
    %slice3A_10 = vector.extract_strided_slice %get3A_1 {offsets = [0, 16], sizes = [32, 16], strides = [1, 1]} : vector<32x32xf32> to vector<32x16xf32>
    %reduce_sum3A_11 = vector.shape_cast %slice3A_10 : vector<32x16xf32> to vector<1x32x16xf32>
    %reduce_sum3A_12 = arith.constant dense<0.000000e+00> : vector<1xf32>
    %reduce_sum3A_13 = vector.multi_reduction <add>, %reduce_sum3A_11, %reduce_sum3A_12 [1, 2] : vector<1x32x16xf32> to vector<1xf32>
    %reduce_sum3A_14 = vector.shape_cast %reduce_sum3A_13 : vector<1xf32> to vector<1x1x1xf32>
    %reduce_sum3A_15 = vector.extract %reduce_sum3A_14[0, 0, 0] : f32 from vector<1x1x1xf32>
    %get3A_16 = arith.constant 0 : index
    %get3A_17 = arith.constant 1 : index
    %get3A_18 = memref.load %arg1[%get3A_16, %get3A_17] : memref<1x2xf32, #tpu.memory_space<smem>>
    %add3A_19 = arith.addf %reduce_sum3A_15, %get3A_18 : f32
    %max3A = arith.constant 1.000000e+00 : f32
    %max3A_20 = arith.maximumf %add3A_19, %max3A : f32
    %div3A = arith.divf %add3A, %max3A_20 : f32
    %swap3A = arith.constant 0 : index
    %swap3A_21 = arith.constant 0 : index
    %swap3A_22 = memref.load %arg2[%swap3A, %swap3A_21] : memref<1x1xf32, #tpu.memory_space<smem>>
    memref.store %div3A, %arg2[%swap3A, %swap3A_21] : memref<1x1xf32, #tpu.memory_space<smem>>
    return
  }
}

</mosaic_0001>

<sc_bundles>
// kernel: kernel.5.cloned.1.call-start
scs
__scs_entry_jumppad:
0x0: {  	(pc) =	sbr.rel $0x88, $3  }
0x1: {  	(tag) =	ssettag $0x0;
	lr =	simm.s32 $0x1  }
0x2: {  	[smem:$0x3F9E] =	sst lr;
	_ =	strace $0xD0000000  }
0x3: {  	_ = 	snop  }
0x4: {  	_ = 	snop  }
0x5: {  	_ = 	snop  }
0x6: {  	_ = 	snop  }
0x7: {  	_ = 	snop  }
__scs_overlays_trampoline_lowered:
0x8: {  	[smem:$0x3FAD] =	sst s0  }
0x9: {  	[smem:$0x3FAE] =	sst s1  }
0xa: {  	[smem:$0x3FAF] =	sst s2  }
0xb: {  	[smem:$0x3FB0] =	sst s3  }
0xc: {  	[smem:$0x3FB1] =	sst s4  }
0xd: {  	[smem:$0x3FB2] =	sst s5  }
0xe: {  	[smem:$0x3FB3] =	sst s6  }
0xf: {  	[smem:$0x3FB4] =	sst s7  }
0x10: {  	[smem:$0x3FB5] =	sst s8  }
0x11: {  	[smem:$0x3FB6] =	sst s9;
	s0 =	simm.s32 @!p0 $0x0  }
0x12: {  	s1 =	sld [smem:$0x3F9C];
	s0 =	simm.s32 @p0 $0x1  }
0x13: {  	[smem:$0x3FB7] =	sst s0;
	s0 =	simm.s32 @!p1 $0x0  }
0x14: {  	s2 =	sld [smem:$0x3F9B];
	s0 =	simm.s32 @p1 $0x1  }
0x15: {  	[smem:$0x3FB8] =	sst s0;
	s0 =	simm.s32 @!p2 $0x0  }
0x16: {  	s3 =	sld [smem:$0x3FDB];
	s0 =	simm.s32 @p2 $0x1  }
0x17: {  	s4 =	simm.s32 $0x1BF5;
	[smem:$0x3FBA] =	sst s0  }
0x18: {  	s0 =	sld [smem:$0x3F9D];
	_ =	swait.ge [sflag:s4], $0x0  }
0x19: {  	s7 =	sld [smem:$0x3F9E]  }
0x1a: {  	s8 =	sadd.s32 $0xFFFFE003, lr  }
0x1b: {  	s9 =	sadd.s32 $0xFFFFFEF7, lr;
	s5 =	simm.s32 $0xFFFFFFFF;
	p2 =	slt.u32 s8, $0xFFFFF086  }
0x1c: {  	p1 =	slt.u32 s9, $0xF7A;
	s5 =	simm.s32 @!p2 $0x0  }
0x1d: {  	s5 =	simm.s32 @p1 $0x1;
	p0 =	seq.s32 s7, s2  }
0x1e: {  	s7 =	smul.u32 @!p0 $0xF7A, s2;
	p2 =	seq.s32 @!p0 s5, $0x0  }
0x1f: {  	s9 =	smul.u32 $0xF7A, s1;
	s8 =	simm.s32 @!p0 $0x1BF5;
	p2 =	por !p2, p0  }
0x20: {  	[sflag:s8] =	ssyncset.s32 @!p0 $0xFFFFF086;
	s6 =	sadd.s32 @!p0 s3, s7;
	s7 =	simm.s32 @!p0 $0x108  }
0x21: {  	s3 =	sadd.s32 s3, s9;
	s6 =	sadd.s32 @!p0 $0x88, s6;
	s7 =	simm.s32 @p2 $0x1082  }
0x22: {  	[simem:s7], [sflag:s8] =	dma.local @!p0 [hbm:s6], $0xF7A  }
0x23: {  	s9 =	sor.u32 $0xD0000000, s2;
	s6 =	simm.s32 $0x108;
	_ =	swait.ge @!p0 [sflag:s8], $0x0  }
0x24: {  	s3 =	sadd.s32 $0x88, s3;
	s6 =	simm.s32 @!p1 $0x1082;
	[sflag:s4] =	ssyncset.s32 $0xFFFFF086  }
0x25: {  	[simem:s6], [sflag:s4] =	dma.local [hbm:s3], $0xF7A  }
0x26: {  	[smem:$0x3F9E] =	sst s1;
	(tag) =	ssettag s2;
	_ =	strace s9  }
0x27: {  	s1 =	sld [smem:$0x3FAE]  }
0x28: {  	s2 =	sld [smem:$0x3FAF]  }
0x29: {  	s4 =	sld [smem:$0x3FB1]  }
0x2a: {  	p0 =	seq.s32 s5, $0x0;
	s5 =	sld [smem:$0x3FB2]  }
0x2b: {  	s6 =	sld [smem:$0x3FB3]  }
0x2c: {  	s7 =	sld [smem:$0x3FB4]  }
0x2d: {  	s3 =	simm.s32 $0x108;
	s8 =	sld [smem:$0x3FB5]  }
0x2e: {  	s3 =	simm.s32 @!p0 $0x1082;
	s9 =	sld [smem:$0x3FB6]  }
0x2f: {  	lr =	sadd.s32 s0, s3;
	s0 =	sld [smem:$0x3FAD]  }
0x30: {  	s3 =	sld [smem:$0x3FB0]  }
0x31: {  	[smem:$0x3FB9] =	sst s10  }
0x32: {  	s10 =	sld [smem:$0x3FB7];
	_ =	sdelay $0x3  }
0x33: {  	p0 =	seq.s32 s10, $0x1;
	s10 =	sld [smem:$0x3FB9];
	_ =	sdelay $0x3  }
0x34: {  	[smem:$0x3FB9] =	sst s10  }
0x35: {  	s10 =	sld [smem:$0x3FB8];
	_ =	sdelay $0x3  }
0x36: {  	p1 =	seq.s32 s10, $0x1;
	s10 =	sld [smem:$0x3FB9];
	_ =	sdelay $0x3  }
0x37: {  	[smem:$0x3FB9] =	sst s10  }
0x38: {  	s10 =	sld [smem:$0x3FBA]  }
0x39: {  	_ = 	snop;
	(pc) =	sbr.ind lr, $3  }
0x3a: {  	_ = 	snop  }
0x3b: {  	_ = 	snop  }
0x3c: {  	p2 =	seq.s32 s10, $0x1;
	s10 =	sld [smem:$0x3FB9]  }
0x3d: {  	_ =	shalt  }
0x3e: {  	_ =	shalt  }
0x3f: {  	_ =	shalt  }
0x40: {  	_ =	shalt  }
0x41: {  	_ =	shalt  }
0x42: {  	_ =	shalt  }
0x43: {  	_ =	shalt  }
0x44: {  	_ =	shalt  }
0x45: {  	_ =	shalt  }
0x46: {  	_ =	shalt  }
0x47: {  	_ =	shalt  }
0x48: {  	_ =	shalt  }
0x49: {  	_ =	shalt  }
0x4a: {  	_ =	shalt  }
0x4b: {  	_ =	shalt  }
0x4c: {  	_ =	shalt  }
0x4d: {  	_ =	shalt  }
0x4e: {  	_ =	shalt  }
0x4f: {  	_ =	shalt  }
0x50: {  	_ =	shalt  }
0x51: {  	_ =	shalt  }
0x52: {  	_ =	shalt  }
0x53: {  	_ =	shalt  }
0x54: {  	_ =	shalt  }
0x55: {  	_ =	shalt  }
0x56: {  	_ =	shalt  }
0x57: {  	_ =	shalt  }
0x58: {  	_ =	shalt  }
0x59: {  	_ =	shalt  }
0x5a: {  	_ =	shalt  }
0x5b: {  	_ =	shalt  }
0x5c: {  	_ =	shalt  }
0x5d: {  	_ =	shalt  }
0x5e: {  	_ =	shalt  }
0x5f: {  	_ =	shalt  }
0x60: {  	_ =	shalt  }
0x61: {  	_ =	shalt  }
0x62: {  	_ =	shalt  }
0x63: {  	_ =	shalt  }
0x64: {  	_ =	shalt  }
0x65: {  	_ =	shalt  }
0x66: {  	_ =	shalt  }
0x67: {  	_ =	shalt  }
0x68: {  	_ =	shalt  }
0x69: {  	_ =	shalt  }
0x6a: {  	_ =	shalt  }
0x6b: {  	_ =	shalt  }
0x6c: {  	_ =	shalt  }
0x6d: {  	_ =	shalt  }
0x6e: {  	_ =	shalt  }
0x6f: {  	_ =	shalt  }
0x70: {  	_ =	shalt  }
0x71: {  	_ =	shalt  }
0x72: {  	_ =	shalt  }
0x73: {  	_ =	shalt  }
0x74: {  	_ =	shalt  }
0x75: {  	_ =	shalt  }
0x76: {  	_ =	shalt  }
0x77: {  	_ =	shalt  }
0x78: {  	_ =	shalt  }
0x79: {  	_ =	shalt  }
0x7a: {  	_ =	shalt  }
0x7b: {  	_ =	shalt  }
0x7c: {  	_ =	shalt  }
0x7d: {  	_ =	shalt  }
0x7e: {  	_ =	shalt  }
0x7f: {  	_ =	shalt  }
0x80: {  	_ =	shalt  }
0x81: {  	_ =	shalt  }
0x82: {  	_ =	shalt  }
0x83: {  	_ =	shalt  }
0x84: {  	_ =	shalt  }
0x85: {  	_ =	shalt  }
0x86: {  	_ =	shalt  }
0x87: {  	_ =	shalt  }
.Lfunc_end0:
.L_simem_size_0:
called_computation_lowered:
.L_overlay_start_0:
0x88: {  	s2 =	sld [smem:$0x3FD9]  }
0x89: {  	s3 =	sld [smem:$0x3FFE];
	_ =	sdelay $0x1  }
0x8a: {  	s1 =	srdreg.scid  }
0x8b: {  	s0 =	sand.u32 $0x1, s1  }
0x8c: {  	s17 =	sshll.u32 s0, $0xA;
	s2 =	sadd.s32 s3, s2  }
0x8d: {  	s2 =	sadd.s32 s2, s17  }
0x8e: {  	[smem:$0x3FC5] =	sst s2  }
0x8f: {  	_ = 	snop  }
0x90: {  	s2 =	sld [smem:$0x3FC9]  }
0x91: {  	s18 =	sld [smem:$0x3FC8];
	(tm) =	ssettm $0x1  }
0x92: {  	s4 =	sld [smem:$0x3FFB];
	_ =	sdelay $0x3  }
0x93: {  	_ =	strace s4  }
0x94: {  	s4 =	sld [smem:$0x3FFC];
	_ =	sdelay $0x3  }
0x95: {  	_ =	strace s4  }
0x96: {  	s4 =	sld [smem:$0x3FFD];
	_ =	sdelay $0x3  }
0x97: {  	_ =	strace s4  }
0x98: {  	_ =	strace $0x8FFFFFFF  }
0x99: {  	s19 =	sld [smem:$0x3FDB];
	_ =	sdelay $0x1  }
0x9a: {  	s5 =	simm.s32 $_scs_section_size  }
0x9b: {  	s6 =	simm.s32 $_size__tile_overlayer_lowered;
	s7 =	simm.s32 $_tile_overlayer_lowered  }
0x9c: {  	s22 =	simm.s32 $0x1BFF;
	s21 =	sshll.u32 s7, $0x1;
	s4 =	sadd.s32 s5, s19  }
0x9d: {  	s8 =	simm.s32 $0x0;
	s20 =	sshll.u32 s6, $0x1;
	s6 =	sadd.s32 s21, s4  }
0x9e: {  	[timem:s8], [sflag:s22] =	dma.local [hbm:s6], s20  }
0x9f: {  	_ =	swait.ge [sflag:s22], s20  }
0xa0: {  	s5 =	ssub.s32 $0x0, s20;
	[sflag:s22] =	ssyncset.done $0x0  }
0xa1: {  	[sflag:s22] =	ssyncadd.s32 s5;
	_ =	sdelay $0x1  }
0xa2: {  	s23 =	simm.s32 $0x1B8B  }
0xa3: {  	_ =	swait.ge [sflag:s23], $0x1  }
0xa4: {  	[sflag:s23] =	ssyncset.done $0x0  }
0xa5: {  	s25 =	simm.s32 $0x1B8E;
	s24 =	sld [smem:$0x3FFE];
	[sflag:s23] =	ssyncadd.s32 $0xFFFFFFFF  }
0xa6: {  	s26 =	simm.s32 $execute0_lowered;
	[smem:$0x3FD2] =	sst s25  }
0xa7: {  	s6 =	sshll.u32 s26, $0x1;
	_ =	strace $0x80000046;
	[dreg:$0x1] =	wrdreg $0xFFFFFFFF  }
0xa8: {  	s28 =	simm.s32 $_size_execute0_lowered;
	s4 =	sadd.s32 s4, s6;
	[dreg:$0x0] =	wrdreg $0x0  }
0xa9: {  	s6 =	sshll.u32 s28, $0x1;
	[dreg:$0x2] =	wrdreg s4  }
0xaa: {  	[dreg:$0x3] =	wrdreg s6  }
0xab: {  	[dreg:$0x4] =	wrdreg $0xC0  }
0xac: {  	_ =	task [dreg:s8], $0x5FFFF  }
0xad: {  	[dreg:$0x1] =	wrdreg $0xFFFFFFFF  }
0xae: {  	[dreg:$0x0] =	wrdreg $0x60  }
0xaf: {  	[dreg:$0x2] =	wrdreg s2  }
0xb0: {  	[dreg:$0x3] =	wrdreg s18  }
0xb1: {  	[dreg:$0x4] =	wrdreg s24  }
0xb2: {  	[dreg:$0x5] =	wrdreg $0x9  }
0xb3: {  	_ =	task.clear_ibuf [dreg:s8], $0x6FFFF;
	_ =	strace $0x90000046  }
0xb4: {  	s29 =	simm.s32 $0x9;
	_ =	strace $0x80000048  }
0xb5: {  	_ =	swait.ge [sflag:s29], $0x1  }
0xb6: {  	[sflag:s29] =	ssyncadd.s32 $0xFFFFFFFF  }
0xb7: {  	_ =	strace $0x90000048  }
0xb8: {  	_ =	sfence  }
0xb9: {  	s30 =	sld [smem:$0x0];
	_ =	sdelay $0x2  }
0xba: {  	s31 =	sshll.u32 s1, $0xD;
	s1 =	sshrl.u32 s1, $0x2  }
0xbb: {  	s3 =	sand.u32 $0x4000, s31;
	s1 =	sadd.s32 s1, s30  }
0xbc: {  	s0 =	sor.u32 s3, s0;
	s1 =	sshll.u32 s1, $0x11  }
0xbd: {  	s0 =	sor.u32 s1, s0  }
0xbe: {  	s0 =	sadd.s32 $0x8F2B, s0  }
0xbf: {  	[sflag:s0] =	ssyncadd.remote.s32 $0x1  }
0xc0: {  	_ =	sfence.sel $0xFFFF  }
0xc1: {  	[dreg:$0x0] =	wrdreg $0xFFFFFFFF;
	(pc) =	sbr.abs _section_cstart, $3  }
0xc2: {  	[dreg:$0x1] =	wrdreg $0xFFFFFFFF  }
0xc3: {  	_ =	task.clear_ibuf [dreg:s8], $0x2FFFF;
	_ =	strace $0x9FFFFFFF  }
0xc4: {  	(tm) =	ssettm $0x7FFFFFFF  }
0xc5: {  	_ =	shalt  }
tec
execute0_lowered:
.L_overlay_start_1:
0x0: {  	(tag) =	ssettag $0x1  }
0x1: {  	s0 =	srdreg.scid;
	s1 =	rddreg [dreg:$0x0]  }
0x2: {  	s3 =	stileid.u32;
	s5 =	rddreg [dreg:$0x2]  }
0x3: {  	s21 =	simm.s32 $0x0;
	s29 =	sshll.u32 s3, $0x1;
	s3 =	rddreg [dreg:$0x1]  }
0x4: {  	s24 =	simm.s32 $0x280;
	s2 =	sand.u32 $0x1, s0;
	[smem:$0x7FF] =	sst s21  }
0x5: {  	s7 =	sadd.s32 $0xC00, s5;
	s8 =	sadd.s32 $0x400, s1;
	s9 =	sadd.s32 $0x600, s1  }
0x6: {  	s10 =	sadd.s32 $0x800, s1;
	s11 =	sadd.s32 $0xA00, s1;
	s12 =	sadd.s32 $0xC00, s1  }
0x7: {  	s13 =	sadd.s32 $0xE00, s1;
	s4 =	sor.u32 s2, s29;
	_ =	strace $0x80000047  }
0x8: {  	s2 =	ssub.s32 $0x2, s2;
	[dreg:$0x4] =	wrdreg s7;
	s7 =	sadd.s32 $0x200, s1  }
0x9: {  	v11 =	vlaneseq.u32;
	vm0 =	vmmov $0xffff;
	vm1 =	vcmask $0x300;
	s14 =	sadd.s32 $0x200, s3;
	s15 =	sadd.s32 $0x400, s3;
	s16 =	sadd.s32 $0x600, s3  }
0xa: {  	v2 =	vor.u32 $0x10, v11;
	v3 =	vor.u32 $0x20, v11;
	v4 =	vor.u32 $0x30, v11;
	s17 =	sadd.s32 $0x800, s3;
	s18 =	sadd.s32 $0xA00, s3;
	s0 =	smul.u32 $0x90, s4  }
0xb: {  	v5 =	vor.u32 $0x40, v11;
	v6 =	vor.u32 $0x50, v11;
	v7 =	vor.u32 $0x60, v11;
	s19 =	sadd.s32 $0xC00, s3;
	s4 =	sshll.u32 s4, $0x4;
	s30 =	sshrl.u32 s2, $0x1  }
.Ltmp0:
0xc: {  	v8 =	vor.u32 $0x70, v11;
	v9 =	vor.u32 $0x80, v11;
	v10 =	vand.u32 $0x3, v11;
	s4 =	sadd.s32 s4, s5;
	s0 =	sadd.s32 $0xE00, s0;
	(pc) =	sbr.rel .LBB2_1-.Ltmp0, $4  }
0xd: {  	s2 =	ssub.s32 s2, s30;
	s4 =	sadd.s32 $0xE00, s4;
	s6 =	sshrl.u32 s0, $0x3;
	v0 =	vmov s0;
	v1 =	vor.u32 s0, v11;
	v2 =	vadd.s32 s0, v2  }
0xe: {  	s2 =	smax.u32 s2, $0x1;
	[dreg:$0x6] =	wrdreg s4;
	v3 =	vadd.s32 s0, v3;
	v4 =	vadd.s32 s0, v4;
	v5 =	vadd.s32 s0, v5;
	s6 =	sadd.s32 s6, s5  }
0xf: {  	s20 =	sadd.s32 $0xE00, s3;
	[dreg:$0x7] =	wrdreg s2;
	v6 =	vadd.s32 s0, v6;
	v7 =	vadd.s32 s0, v7;
	v11 =	vshrl.u32 v11, $0x2;
	s31 =	sadd.s32 $0x800, s6  }
0x10: {  	s2 =	simm.s32 $0x7;
	v8 =	vadd.s32 s0, v8;
	v9 =	vadd.s32 s0, v9;
	s4 =	simm.s32 $0x0;
	v11 =	vmul.u32 $0x8, v11;
	[dreg:$0x5] =	wrdreg s31  }
.LBB2_17:
0x11: {  	s0 =	scvt.s32.f32 s5;
	_ =	sdelay $0x1  }
0x12: {  	v13 =	vmov s0  }
0x13: {  	[tilespmem:$0x18380] =	vst v12;
	v63 =	vnsel vm1, $0x0, v13  }
0x14: {  	s21 =	simm.s32 $0x0;
	s30 =	rddreg [dreg:$0x6];
	s2 =	simm.s32 $0x18380;
	[tilespmem:$0x18390] =	vst v63  }
0x15: {  	[hbm4b:s30+s21] =	stream.linear.scatter [tilespmem:s2], [sflag:$0x7], $0x80, $0x38;
	[tilespmem:$0x18400] =	vst v63  }
0x16: {  	s2 =	simm.s32 $0x7  }
0x17: {  	_ =	swait.ge [sflag:s2], $0x80  }
0x18: {  	s4 =	rddreg [dreg:$0x8]  }
0x19: {  	s31 =	rddreg [dreg:$0x7];
	s4 =	sadd.s32 $0x1, s4  }
0x1a: {  	p0 =	sne.s32 s4, s31  }
.Ltmp1:
0x1b: {  	_ = 	snop;
	(pc) =	sbr.rel @!p0 .LBB2_18-.Ltmp1, $3  }
0x1c: {  	_ =	sdelay $0x1  }
0x1d: {  	[sflag:s2] =	ssyncset.done $0x0  }
0x1e: {  	[sflag:s2] =	ssyncadd.s32 $0xFFFFFF80  }
.LBB2_1:
0x1f: {  	[dreg:$0x8] =	wrdreg s4  }
0x20: {  	s0 =	rddreg [dreg:$0x5]  }
0x21: {  	[tilespmem:s21], [sflag:$0x7] =	stream.linear.gather [hbm4b:s0+s21], $0x90, $0x38;
	[tilespmem:$0x18400] =	vst v63  }
0x22: {  	_ =	swait.ge [sflag:s2], $0x90  }
0x23: {  	[sflag:s2] =	ssyncset.done $0x0  }
0x24: {  	s28 =	rddreg [dreg:$0x4];
	[sflag:s2] =	ssyncadd.s32 $0xFFFFFF70  }
0x25: {  	[tilespmem:s24], [sflag:$0x7] =	stream.linear.gather [hbm4b:s28+s21], $0x100, $0x38;
	[tilespmem:$0x18400] =	vst v63  }
0x26: {  	_ =	swait.ge [sflag:s2], $0x100  }
0x27: {  	[sflag:s2] =	ssyncset.done $0x0  }
0x28: {  	[sflag:s2] =	ssyncadd.s32 $0xFFFFFF00  }
0x29: {  	v12 =	vld [tilespmem:$0x0]  }
0x2a: {  	[tilespmem:$0x100] =	vst v0  }
0x2b: {  	[tilespmem:$0x110] =	vst v0  }
0x2c: {  	[tilespmem:$0x120] =	vst v0  }
0x2d: {  	[tilespmem:$0x130] =	vst v0  }
0x2e: {  	[tilespmem:$0x140] =	vst v0;
	(xrf0) =	vadd.scan.msk.s32 $0xffff, v12  }
0x2f: {  	[tilespmem:$0x150] =	vst v0  }
0x30: {  	[tilespmem:$0x160] =	vst v0  }
0x31: {  	[tilespmem:$0x170] =	vst v0  }
0x32: {  	[tilespmem:$0x180] =	vst v0  }
0x33: {  	[tilespmem:$0x190] =	vst v0  }
0x34: {  	[tilespmem:$0x1A0] =	vst v0;
	v13, _, _ =	vpop (xrf0)  }
0x35: {  	[tilespmem:$0x1B0] =	vst v0;
	v14 =	vadd.s32 $0xFFFFFFFF, v13  }
0x36: {  	[tilespmem:$0x1C0] =	vst v0;
	v15 =	vshll.u32 v14, $0x1  }
0x37: {  	[tilespmem:$0x1D0] =	vst v0;
	vm2 =	vgt.s32 v12, $0x0;
	v14 =	vand.u32 $0x3, v14;
	v32 =	vand.u32 $0xFFFFFFF8, v15  }
0x38: {  	[tilespmem:$0x1E0] =	vst v0;
	v12 =	vor.u32 v14, v32  }
0x39: {  	[tilespmem:$0x1F0] =	vst v0;
	(v2sf) =	vpush v13, $0xF  }
0x3a: {  	[tilespmem:$0x200] =	vst v0  }
0x3b: {  	[tilespmem:$0x210] =	vst v0  }
0x3c: {  	s22 =	simm.s32 $0x100;
	[tilespmem:$0x220] =	vst v0  }
0x3d: {  	[tilespmem:v12+s22+$0x0] =	vst.idx.msk vm2, v1  }
0x3e: {  	v12 =	vld [tilespmem:$0x10];
	_ =	sdelay $0x4  }
0x3f: {  	(xrf0) =	vadd.scan.msk.s32 $0xffff, v12;
	_ =	sdelay $0x4  }
0x40: {  	s29 =	spop (v2sf)  }
0x41: {  	s30 =	sadd.s32 $0xFFFFFFFF, s29;
	v33, _, _ =	vpop (xrf0)  }
0x42: {  	v34 =	vadd.s32 s30, v33  }
0x43: {  	v35 =	vshll.u32 v34, $0x1  }
0x44: {  	vm2 =	vgt.s32 v12, $0x0;
	v14 =	vand.u32 $0x3, v34;
	v36 =	vand.u32 $0xFFFFFFF8, v35  }
0x45: {  	(v2sf) =	vpush v33, $0xF;
	v12 =	vor.u32 v14, v36;
	_ =	sdelay $0x4  }
0x46: {  	[tilespmem:v12+s22+$0x0] =	vst.idx.msk vm2, v2  }
0x47: {  	v12 =	vld [tilespmem:$0x20];
	_ =	sdelay $0x4  }
0x48: {  	(xrf0) =	vadd.scan.msk.s32 $0xffff, v12;
	_ =	sdelay $0x3  }
0x49: {  	s31 =	spop (v2sf)  }
0x4a: {  	s0 =	sadd.s32 s29, s31  }
0x4b: {  	s2 =	sadd.s32 $0xFFFFFFFF, s0;
	v37, _, _ =	vpop (xrf0)  }
0x4c: {  	v38 =	vadd.s32 s2, v37  }
0x4d: {  	v39 =	vshll.u32 v38, $0x1  }
0x4e: {  	vm2 =	vgt.s32 v12, $0x0;
	v14 =	vand.u32 $0x3, v38;
	v40 =	vand.u32 $0xFFFFFFF8, v39  }
0x4f: {  	(v2sf) =	vpush v37, $0xF;
	v12 =	vor.u32 v14, v40;
	_ =	sdelay $0x4  }
0x50: {  	[tilespmem:v12+s22+$0x0] =	vst.idx.msk vm2, v3  }
0x51: {  	v12 =	vld [tilespmem:$0x30];
	_ =	sdelay $0x4  }
0x52: {  	(xrf0) =	vadd.scan.msk.s32 $0xffff, v12;
	_ =	sdelay $0x3  }
0x53: {  	s4 =	spop (v2sf)  }
0x54: {  	s0 =	sadd.s32 s0, s4  }
0x55: {  	s2 =	sadd.s32 $0xFFFFFFFF, s0;
	v41, _, _ =	vpop (xrf0)  }
0x56: {  	v42 =	vadd.s32 s2, v41  }
0x57: {  	v43 =	vshll.u32 v42, $0x1  }
0x58: {  	vm2 =	vgt.s32 v12, $0x0;
	v14 =	vand.u32 $0x3, v42;
	v44 =	vand.u32 $0xFFFFFFF8, v43  }
0x59: {  	(v2sf) =	vpush v41, $0xF;
	v12 =	vor.u32 v14, v44;
	_ =	sdelay $0x4  }
0x5a: {  	[tilespmem:v12+s22+$0x0] =	vst.idx.msk vm2, v4  }
0x5b: {  	v12 =	vld [tilespmem:$0x40];
	_ =	sdelay $0x4  }
0x5c: {  	(xrf0) =	vadd.scan.msk.s32 $0xffff, v12;
	_ =	sdelay $0x3  }
0x5d: {  	s5 =	spop (v2sf)  }
0x5e: {  	s0 =	sadd.s32 s0, s5  }
0x5f: {  	s2 =	sadd.s32 $0xFFFFFFFF, s0;
	v45, _, _ =	vpop (xrf0)  }
0x60: {  	v46 =	vadd.s32 s2, v45  }
0x61: {  	v47 =	vshll.u32 v46, $0x1  }
0x62: {  	vm2 =	vgt.s32 v12, $0x0;
	v14 =	vand.u32 $0x3, v46;
	v48 =	vand.u32 $0xFFFFFFF8, v47  }
0x63: {  	(v2sf) =	vpush v45, $0xF;
	v12 =	vor.u32 v14, v48;
	_ =	sdelay $0x4  }
0x64: {  	[tilespmem:v12+s22+$0x0] =	vst.idx.msk vm2, v5  }
0x65: {  	v12 =	vld [tilespmem:$0x50];
	_ =	sdelay $0x4  }
0x66: {  	(xrf0) =	vadd.scan.msk.s32 $0xffff, v12;
	_ =	sdelay $0x3  }
0x67: {  	s6 =	spop (v2sf)  }
0x68: {  	s0 =	sadd.s32 s0, s6  }
0x69: {  	s2 =	sadd.s32 $0xFFFFFFFF, s0;
	v49, _, _ =	vpop (xrf0)  }
0x6a: {  	v50 =	vadd.s32 s2, v49  }
0x6b: {  	v51 =	vshll.u32 v50, $0x1  }
0x6c: {  	vm2 =	vgt.s32 v12, $0x0;
	v14 =	vand.u32 $0x3, v50;
	v52 =	vand.u32 $0xFFFFFFF8, v51  }
0x6d: {  	(v2sf) =	vpush v49, $0xF;
	v12 =	vor.u32 v14, v52;
	_ =	sdelay $0x4  }
0x6e: {  	[tilespmem:v12+s22+$0x0] =	vst.idx.msk vm2, v6  }
0x6f: {  	v12 =	vld [tilespmem:$0x60];
	_ =	sdelay $0x4  }
0x70: {  	(xrf0) =	vadd.scan.msk.s32 $0xffff, v12;
	_ =	sdelay $0x3  }
0x71: {  	s23 =	spop (v2sf)  }
0x72: {  	s0 =	sadd.s32 s0, s23  }
0x73: {  	s2 =	sadd.s32 $0xFFFFFFFF, s0;
	v53, _, _ =	vpop (xrf0)  }
0x74: {  	v54 =	vadd.s32 s2, v53  }
0x75: {  	v55 =	vshll.u32 v54, $0x1  }
0x76: {  	vm2 =	vgt.s32 v12, $0x0;
	v14 =	vand.u32 $0x3, v54;
	v56 =	vand.u32 $0xFFFFFFF8, v55  }
0x77: {  	(v2sf) =	vpush v53, $0xF;
	v12 =	vor.u32 v14, v56;
	_ =	sdelay $0x4  }
0x78: {  	[tilespmem:v12+s22+$0x0] =	vst.idx.msk vm2, v7  }
0x79: {  	v12 =	vld [tilespmem:$0x70];
	_ =	sdelay $0x4  }
0x7a: {  	(xrf0) =	vadd.scan.msk.s32 $0xffff, v12;
	_ =	sdelay $0x3  }
0x7b: {  	s25 =	spop (v2sf)  }
0x7c: {  	s0 =	sadd.s32 s0, s25  }
0x7d: {  	s2 =	sadd.s32 $0xFFFFFFFF, s0;
	v57, _, _ =	vpop (xrf0)  }
0x7e: {  	v58 =	vadd.s32 s2, v57  }
0x7f: {  	v59 =	vshll.u32 v58, $0x1  }
0x80: {  	vm2 =	vgt.s32 v12, $0x0;
	v14 =	vand.u32 $0x3, v58;
	v60 =	vand.u32 $0xFFFFFFF8, v59  }
0x81: {  	v12 =	vor.u32 v14, v60;
	_ =	sdelay $0x4  }
0x82: {  	[tilespmem:v12+s22+$0x0] =	vst.idx.msk vm2, v8  }
0x83: {  	v12 =	vld [tilespmem:$0x80];
	_ =	sdelay $0x4  }
0x84: {  	(xrf0) =	vadd.scan.msk.s32 $0xffff, v12;
	_ =	sdelay $0x5  }
0x85: {  	(v2sf) =	vpush v57, $0xF;
	v61, _, _ =	vpop (xrf0)  }
0x86: {  	(v2sf) =	vpush v61, $0xF;
	_ =	sdelay $0xd  }
0x87: {  	s26 =	spop (v2sf)  }
0x88: {  	s0 =	sadd.s32 s0, s26;
	s28 =	spop (v2sf)  }
0x89: {  	s5 =	sadd.s32 s0, s28  }
0x8a: {  	s29 =	sadd.s32 $0xFFFFFFFF, s0;
	s0 =	sadd.s32 $0x3, s5  }
0x8b: {  	s30 =	sand.u32 $0x3, s0  }
0x8c: {  	s31 =	sshra.s32 s0, $0x1F;
	p1 =	slt.s32 s0, $0x1;
	p0 =	sne.s32 s30, $0x0  }
0x8d: {  	s2 =	sshrl.u32 s31, $0x1E;
	p0 =	por !p1, !p0  }
0x8e: {  	v13 =	vadd.s32 s29, v61;
	s0 =	sadd.s32 s2, s0;
	s2 =	simm.s32 $0x1;
	p0 =	por !p0, !p0  }
0x8f: {  	v62 =	vshll.u32 v13, $0x1;
	s0 =	sshra.s32 s0, $0x2;
	s2 =	simm.s32 @!p0 $0x0  }
0x90: {  	vm2 =	vgt.s32 v12, $0x0;
	v13 =	vand.u32 $0x3, v13;
	v63 =	vand.u32 $0xFFFFFFF8, v62;
	s6 =	ssub.s32 s0, s2  }
0x91: {  	v12 =	vor.u32 v13, v63;
	p0 =	slt.s32 s6, $0x1  }
.Ltmp2:
0x92: {  	_ = 	snop;
	(pc) =	sbr.rel @p0 .LBB2_3-.Ltmp2, $2  }
0x93: {  	_ =	sdelay $0x2  }
0x94: {  	[tilespmem:v12+s22+$0x0] =	vst.idx.msk vm2, v9  }
0x95: {  	v12 =	vld.msk [tilespmem:$0x100], $0xf;
	_ =	sdelay $0x4  }
0x96: {  	v13 =	vshll.u32 v12, $0x5  }
0x97: {  	v12 =	vand.u32 $0x7, v12;
	v13 =	vand.u32 $0xFFFFFF00, v13  }
0x98: {  	v12 =	vor.u32 v12, v13  }
0x99: {  	v12 =	vperm.xlane v12, v10;
	_ =	sdelay $0x1  }
0x9a: {  	v12 =	vadd.s32 v11, v12;
	_ =	sdelay $0x3  }
0x9b: {  	s0 =	simm.s32 $0x380  }
0x9c: {  	[tilespmem:s0], [sflag:$0x1] =	stream.indirect_vreg.gather [hbm4b:s1+s21], $0x80, v12, vm0, $0xb8;
	[tilespmem:$0x18400] =	vst v63  }
0x9d: {  	s26 =	simm.s32 $0xB80  }
0x9e: {  	[tilespmem:s26], [sflag:$0x1] =	stream.indirect_vreg.gather [hbm4b:s7+s21], $0x80, v12, vm0, $0xb8;
	[tilespmem:$0x18400] =	vst v63  }
0x9f: {  	s28 =	simm.s32 $0x1380  }
0xa0: {  	[tilespmem:s28], [sflag:$0x1] =	stream.indirect_vreg.gather [hbm4b:s8+s21], $0x80, v12, vm0, $0xb8;
	[tilespmem:$0x18400] =	vst v63  }
0xa1: {  	s29 =	simm.s32 $0x1B80  }
0xa2: {  	[tilespmem:s29], [sflag:$0x1] =	stream.indirect_vreg.gather [hbm4b:s9+s21], $0x80, v12, vm0, $0xb8;
	[tilespmem:$0x18400] =	vst v63  }
0xa3: {  	s30 =	simm.s32 $0x2380  }
0xa4: {  	[tilespmem:s30], [sflag:$0x1] =	stream.indirect_vreg.gather [hbm4b:s10+s21], $0x80, v12, vm0, $0xb8;
	[tilespmem:$0x18400] =	vst v63  }
0xa5: {  	s31 =	simm.s32 $0x2B80  }
0xa6: {  	[tilespmem:s31], [sflag:$0x1] =	stream.indirect_vreg.gather [hbm4b:s11+s21], $0x80, v12, vm0, $0xb8;
	[tilespmem:$0x18400] =	vst v63  }
0xa7: {  	s2 =	simm.s32 $0x3380  }
0xa8: {  	[tilespmem:s2], [sflag:$0x1] =	stream.indirect_vreg.gather [hbm4b:s12+s21], $0x80, v12, vm0, $0xb8;
	[tilespmem:$0x18400] =	vst v63  }
0xa9: {  	s4 =	simm.s32 $0x3B80  }
0xaa: {  	[tilespmem:s4], [sflag:$0x1] =	stream.indirect_vreg.gather [hbm4b:s13+s21], $0x80, v12, vm0, $0xb8;
	[tilespmem:$0x18400] =	vst v63  }
0xab: {  	v12 =	vld.msk [tilespmem:$0x100], $0xf;
	_ =	sdelay $0x4  }
0xac: {  	v63 =	vshll.u32 v12, $0x5  }
0xad: {  	v12 =	vand.u32 $0x7, v12;
	v13 =	vand.u32 $0xFFFFFF00, v63  }
0xae: {  	v12 =	vor.u32 v12, v13  }
0xaf: {  	v12 =	vperm.xlane v12, v10;
	_ =	sdelay $0x1  }
0xb0: {  	v12 =	vadd.s32 v11, v12;
	_ =	sdelay $0x3  }
0xb1: {  	s22 =	simm.s32 $0xC380  }
0xb2: {  	[tilespmem:s22], [sflag:$0x4] =	stream.indirect_vreg.gather [hbm4b:s3+s21], $0x80, v12, vm0, $0xb8;
	[tilespmem:$0x18400] =	vst v63  }
0xb3: {  	s23 =	simm.s32 $0xCB80  }
0xb4: {  	[tilespmem:s23], [sflag:$0x4] =	stream.indirect_vreg.gather [hbm4b:s14+s21], $0x80, v12, vm0, $0xb8;
	[tilespmem:$0x18400] =	vst v63  }
0xb5: {  	s25 =	simm.s32 $0xD380  }
0xb6: {  	[tilespmem:s25], [sflag:$0x4] =	stream.indirect_vreg.gather [hbm4b:s15+s21], $0x80, v12, vm0, $0xb8;
	[tilespmem:$0x18400] =	vst v63  }
0xb7: {  	s26 =	simm.s32 $0xDB80  }
0xb8: {  	[tilespmem:s26], [sflag:$0x4] =	stream.indirect_vreg.gather [hbm4b:s16+s21], $0x80, v12, vm0, $0xb8;
	[tilespmem:$0x18400] =	vst v63  }
0xb9: {  	s28 =	simm.s32 $0xE380  }
0xba: {  	[tilespmem:s28], [sflag:$0x4] =	stream.indirect_vreg.gather [hbm4b:s17+s21], $0x80, v12, vm0, $0xb8;
	[tilespmem:$0x18400] =	vst v63  }
0xbb: {  	s29 =	simm.s32 $0xEB80  }
0xbc: {  	[tilespmem:s29], [sflag:$0x4] =	stream.indirect_vreg.gather [hbm4b:s18+s21], $0x80, v12, vm0, $0xb8;
	[tilespmem:$0x18400] =	vst v63  }
0xbd: {  	s30 =	simm.s32 $0xF380  }
0xbe: {  	[tilespmem:s30], [sflag:$0x4] =	stream.indirect_vreg.gather [hbm4b:s19+s21], $0x80, v12, vm0, $0xb8;
	[tilespmem:$0x18400] =	vst v63  }
0xbf: {  	p0 =	seq.s32 s6, $0x1;
	s31 =	simm.s32 $0xFB80  }
0xc0: {  	[tilespmem:s31], [sflag:$0x4] =	stream.indirect_vreg.gather [hbm4b:s20+s21], $0x80, v12, vm0, $0xb8;
	[tilespmem:$0x18400] =	vst v63  }
0xc1: {  	v12 =	vld.msk @!p0 [tilespmem:$0x108], $0xf;
	_ =	sdelay $0x4  }
0xc2: {  	v13 =	vshll.u32 @!p0 v12, $0x5  }
0xc3: {  	v14 =	vlaneseq.u32 @!p0;
	v12 =	vand.u32 @!p0 $0x7, v12;
	v13 =	vand.u32 @!p0 $0xFFFFFF00, v13  }
0xc4: {  	v12 =	vor.u32 @!p0 v12, v13;
	v13 =	vand.u32 @!p0 $0x3, v14;
	v14 =	vshrl.u32 @!p0 v14, $0x2  }
0xc5: {  	v12 =	vperm.xlane @!p0 v12, v13;
	v14 =	vmul.u32 @!p0 $0x8, v14;
	_ =	sdelay $0x1  }
0xc6: {  	v12 =	vadd.s32 @!p0 v14, v12;
	_ =	sdelay $0x3  }
0xc7: {  	vm2 =	vmmov @!p0 $0xffff;
	s0 =	simm.s32 @!p0 $0x0;
	s2 =	simm.s32 @!p0 $0x4380  }
0xc8: {  	[tilespmem:s2], [sflag:$0x2] =	stream.indirect_vreg.gather @!p0 [hbm4b:s1+s0], $0x80, v12, vm2, $0xb8;
	[tilespmem:$0x18400] =	vst v63  }
0xc9: {  	s2 =	simm.s32 @!p0 $0x4B80  }
0xca: {  	[tilespmem:s2], [sflag:$0x2] =	stream.indirect_vreg.gather @!p0 [hbm4b:s7+s0], $0x80, v12, vm2, $0xb8;
	[tilespmem:$0x18400] =	vst v63  }
0xcb: {  	s2 =	simm.s32 @!p0 $0x5380  }
0xcc: {  	[tilespmem:s2], [sflag:$0x2] =	stream.indirect_vreg.gather @!p0 [hbm4b:s8+s0], $0x80, v12, vm2, $0xb8;
	[tilespmem:$0x18400] =	vst v63  }
0xcd: {  	s2 =	simm.s32 @!p0 $0x5B80  }
0xce: {  	[tilespmem:s2], [sflag:$0x2] =	stream.indirect_vreg.gather @!p0 [hbm4b:s9+s0], $0x80, v12, vm2, $0xb8;
	[tilespmem:$0x18400] =	vst v63  }
0xcf: {  	s2 =	simm.s32 @!p0 $0x6380  }
0xd0: {  	[tilespmem:s2], [sflag:$0x2] =	stream.indirect_vreg.gather @!p0 [hbm4b:s10+s0], $0x80, v12, vm2, $0xb8;
	[tilespmem:$0x18400] =	vst v63  }
0xd1: {  	s2 =	simm.s32 @!p0 $0x6B80  }
0xd2: {  	[tilespmem:s2], [sflag:$0x2] =	stream.indirect_vreg.gather @!p0 [hbm4b:s11+s0], $0x80, v12, vm2, $0xb8;
	[tilespmem:$0x18400] =	vst v63  }
0xd3: {  	s2 =	simm.s32 @!p0 $0x7380  }
0xd4: {  	[tilespmem:s2], [sflag:$0x2] =	stream.indirect_vreg.gather @!p0 [hbm4b:s12+s0], $0x80, v12, vm2, $0xb8;
	[tilespmem:$0x18400] =	vst v63  }
0xd5: {  	s2 =	simm.s32 @!p0 $0x7B80  }
0xd6: {  	[tilespmem:s2], [sflag:$0x2] =	stream.indirect_vreg.gather @!p0 [hbm4b:s13+s0], $0x80, v12, vm2, $0xb8;
	[tilespmem:$0x18400] =	vst v63  }
0xd7: {  	v12 =	vld.msk @!p0 [tilespmem:$0x108], $0xf;
	_ =	sdelay $0x4  }
0xd8: {  	v15 =	vshll.u32 @!p0 v12, $0x5  }
0xd9: {  	v12 =	vand.u32 @!p0 $0x7, v12;
	v15 =	vand.u32 @!p0 $0xFFFFFF00, v15  }
0xda: {  	v12 =	vor.u32 @!p0 v12, v15  }
0xdb: {  	v12 =	vperm.xlane @!p0 v12, v13;
	_ =	sdelay $0x1  }
0xdc: {  	v12 =	vadd.s32 @!p0 v14, v12;
	_ =	sdelay $0x3  }
0xdd: {  	s2 =	simm.s32 @!p0 $0x10380  }
0xde: {  	[tilespmem:s2], [sflag:$0x5] =	stream.indirect_vreg.gather @!p0 [hbm4b:s3+s0], $0x80, v12, vm2, $0xb8;
	[tilespmem:$0x18400] =	vst v63  }
0xdf: {  	s2 =	simm.s32 @!p0 $0x10B80  }
0xe0: {  	[tilespmem:s2], [sflag:$0x5] =	stream.indirect_vreg.gather @!p0 [hbm4b:s14+s0], $0x80, v12, vm2, $0xb8;
	[tilespmem:$0x18400] =	vst v63  }
0xe1: {  	s2 =	simm.s32 @!p0 $0x11380  }
0xe2: {  	[tilespmem:s2], [sflag:$0x5] =	stream.indirect_vreg.gather @!p0 [hbm4b:s15+s0], $0x80, v12, vm2, $0xb8;
	[tilespmem:$0x18400] =	vst v63  }
0xe3: {  	s2 =	simm.s32 @!p0 $0x11B80  }
0xe4: {  	[tilespmem:s2], [sflag:$0x5] =	stream.indirect_vreg.gather @!p0 [hbm4b:s16+s0], $0x80, v12, vm2, $0xb8;
	[tilespmem:$0x18400] =	vst v63  }
0xe5: {  	s2 =	simm.s32 @!p0 $0x12380  }
0xe6: {  	[tilespmem:s2], [sflag:$0x5] =	stream.indirect_vreg.gather @!p0 [hbm4b:s17+s0], $0x80, v12, vm2, $0xb8;
	[tilespmem:$0x18400] =	vst v63  }
0xe7: {  	s2 =	simm.s32 @!p0 $0x12B80  }
0xe8: {  	[tilespmem:s2], [sflag:$0x5] =	stream.indirect_vreg.gather @!p0 [hbm4b:s18+s0], $0x80, v12, vm2, $0xb8;
	[tilespmem:$0x18400] =	vst v63  }
0xe9: {  	s2 =	simm.s32 @!p0 $0x13380  }
0xea: {  	[tilespmem:s2], [sflag:$0x5] =	stream.indirect_vreg.gather @!p0 [hbm4b:s19+s0], $0x80, v12, vm2, $0xb8;
	[tilespmem:$0x18400] =	vst v63  }
0xeb: {  	s2 =	simm.s32 @!p0 $0x13B80  }
0xec: {  	[tilespmem:s2], [sflag:$0x5] =	stream.indirect_vreg.gather @!p0 [hbm4b:s20+s0], $0x80, v12, vm2, $0xb8;
	[tilespmem:$0x18400] =	vst v63  }
.LBB2_3:
0xed: {  	s0 =	sadd.s32 $0x2, s6  }
0xee: {  	s2 =	smulhi.u32 $0x55555556, s0;
	s0 =	sshra.s32 s0, $0x1F  }
0xef: {  	s0 =	smul.u32 $0x55555556, s0;
	_ =	sdelay $0x1  }
0xf0: {  	s0 =	sadd.s32 s0, s2  }
0xf1: {  	s2 =	sshrl.u32 s0, $0x1F  }
0xf2: {  	s0 =	sadd.s32 s2, s0  }
0xf3: {  	s2 =	smul.u32 $0xFFFFFFFD, s0  }
0xf4: {  	s4 =	ssub.s32 $0xFFFFFFFE, s6  }
0xf5: {  	p0 =	slt.s32 s6, $0xFFFFFFFF;
	p1 =	sne.s32 s2, s4  }
0xf6: {  	p0 =	por !p0, !p1  }
0xf7: {  	s2 =	simm.s32 $0x1;
	p0 =	por !p0, !p0  }
0xf8: {  	s2 =	simm.s32 @!p0 $0x0  }
0xf9: {  	s21 =	ssub.s32 s0, s2  }
0xfa: {  	p0 =	slt.s32 s21, $0x1  }
.Ltmp3:
0xfb: {  	_ = 	snop;
	(pc) =	sbr.rel @!p0 .LBB2_4-.Ltmp3, $4  }
.Ltmp4:
0xfc: {  	_ = 	snop;
	(pc) =	sbr.rel @p0 .LBB2_17-.Ltmp4, $4  }
0xfd: {  	_ = 	snop  }
0xfe: {  	_ = 	snop  }
0xff: {  	s22 =	simm.s32 $0x0;
	v12 =	vimm.f32 $0.0e+00  }
0x100: {  	_ = 	snop  }
.LBB2_16:
0x101: {  	s22 =	sadd.s32 $0x1, s22  }
0x102: {  	p0 =	sne.s32 s22, s21  }
.Ltmp5:
0x103: {  	v12 =	vadd.f32 v13, v12;
	(pc) =	sbr.rel @!p0 .LBB2_17-.Ltmp5, $3  }
0x104: {  	_ = 	snop  }
0x105: {  	v12 =	vadd.f32 v15, v12;
	_ =	sdelay $0x1  }
0x106: {  	v12 =	vadd.f32 v14, v12  }
.LBB2_4:
0x107: {  	s25 =	smul.u32 $0x3, s22;
	_ =	sdelay $0x1  }
0x108: {  	s23 =	sadd.s32 $0x2, s25  }
0x109: {  	p0 =	sge.s32 s23, s6  }
0x10a: {  	s0 =	sshll.u32 @!p0 s23, $0x5  }
0x10b: {  	s0 =	sshra.s32 @!p0 s0, $0x2  }
0x10c: {  	v13 =	vld.msk @!p0 [tilespmem:s0+$0x100], $0xf;
	_ =	sdelay $0x4  }
0x10d: {  	v14 =	vshll.u32 @!p0 v13, $0x5  }
0x10e: {  	v15 =	vlaneseq.u32 @!p0;
	v13 =	vand.u32 @!p0 $0x7, v13;
	v14 =	vand.u32 @!p0 $0xFFFFFF00, v14  }
0x10f: {  	v13 =	vor.u32 @!p0 v13, v14;
	v14 =	vand.u32 @!p0 $0x3, v15;
	v15 =	vshrl.u32 @!p0 v15, $0x2  }
0x110: {  	v13 =	vperm.xlane @!p0 v13, v14;
	v15 =	vmul.u32 @!p0 $0x8, v15;
	_ =	sdelay $0x1  }
0x111: {  	v13 =	vadd.s32 @!p0 v15, v13;
	_ =	sdelay $0x3  }
0x112: {  	vm2 =	vmmov @!p0 $0xffff;
	s2 =	simm.s32 @!p0 $0x0;
	s4 =	simm.s32 @!p0 $0x8380  }
0x113: {  	[tilespmem:s4], [sflag:$0x3] =	stream.indirect_vreg.gather @!p0 [hbm4b:s1+s2], $0x80, v13, vm2, $0xb8;
	[tilespmem:$0x18400] =	vst v63  }
0x114: {  	s4 =	simm.s32 @!p0 $0x8B80  }
0x115: {  	[tilespmem:s4], [sflag:$0x3] =	stream.indirect_vreg.gather @!p0 [hbm4b:s7+s2], $0x80, v13, vm2, $0xb8;
	[tilespmem:$0x18400] =	vst v63  }
0x116: {  	s4 =	simm.s32 @!p0 $0x9380  }
0x117: {  	[tilespmem:s4], [sflag:$0x3] =	stream.indirect_vreg.gather @!p0 [hbm4b:s8+s2], $0x80, v13, vm2, $0xb8;
	[tilespmem:$0x18400] =	vst v63  }
0x118: {  	s4 =	simm.s32 @!p0 $0x9B80  }
0x119: {  	[tilespmem:s4], [sflag:$0x3] =	stream.indirect_vreg.gather @!p0 [hbm4b:s9+s2], $0x80, v13, vm2, $0xb8;
	[tilespmem:$0x18400] =	vst v63  }
0x11a: {  	s4 =	simm.s32 @!p0 $0xA380  }
0x11b: {  	[tilespmem:s4], [sflag:$0x3] =	stream.indirect_vreg.gather @!p0 [hbm4b:s10+s2], $0x80, v13, vm2, $0xb8;
	[tilespmem:$0x18400] =	vst v63  }
0x11c: {  	s4 =	simm.s32 @!p0 $0xAB80  }
0x11d: {  	[tilespmem:s4], [sflag:$0x3] =	stream.indirect_vreg.gather @!p0 [hbm4b:s11+s2], $0x80, v13, vm2, $0xb8;
	[tilespmem:$0x18400] =	vst v63  }
0x11e: {  	s4 =	simm.s32 @!p0 $0xB380  }
0x11f: {  	[tilespmem:s4], [sflag:$0x3] =	stream.indirect_vreg.gather @!p0 [hbm4b:s12+s2], $0x80, v13, vm2, $0xb8;
	[tilespmem:$0x18400] =	vst v63  }
0x120: {  	s4 =	simm.s32 @!p0 $0xBB80  }
0x121: {  	[tilespmem:s4], [sflag:$0x3] =	stream.indirect_vreg.gather @!p0 [hbm4b:s13+s2], $0x80, v13, vm2, $0xb8;
	[tilespmem:$0x18400] =	vst v63  }
0x122: {  	v13 =	vld.msk @!p0 [tilespmem:s0+$0x100], $0xf;
	_ =	sdelay $0x4  }
0x123: {  	v16 =	vshll.u32 @!p0 v13, $0x5  }
0x124: {  	v13 =	vand.u32 @!p0 $0x7, v13;
	v16 =	vand.u32 @!p0 $0xFFFFFF00, v16  }
0x125: {  	v13 =	vor.u32 @!p0 v13, v16  }
0x126: {  	v13 =	vperm.xlane @!p0 v13, v14;
	_ =	sdelay $0x1  }
0x127: {  	v13 =	vadd.s32 @!p0 v15, v13;
	_ =	sdelay $0x3  }
0x128: {  	s0 =	simm.s32 @!p0 $0x14380  }
0x129: {  	[tilespmem:s0], [sflag:$0x6] =	stream.indirect_vreg.gather @!p0 [hbm4b:s3+s2], $0x80, v13, vm2, $0xb8;
	[tilespmem:$0x18400] =	vst v63  }
0x12a: {  	s0 =	simm.s32 @!p0 $0x14B80  }
0x12b: {  	[tilespmem:s0], [sflag:$0x6] =	stream.indirect_vreg.gather @!p0 [hbm4b:s14+s2], $0x80, v13, vm2, $0xb8;
	[tilespmem:$0x18400] =	vst v63  }
0x12c: {  	s0 =	simm.s32 @!p0 $0x15380  }
0x12d: {  	[tilespmem:s0], [sflag:$0x6] =	stream.indirect_vreg.gather @!p0 [hbm4b:s15+s2], $0x80, v13, vm2, $0xb8;
	[tilespmem:$0x18400] =	vst v63  }
0x12e: {  	s0 =	simm.s32 @!p0 $0x15B80  }
0x12f: {  	[tilespmem:s0], [sflag:$0x6] =	stream.indirect_vreg.gather @!p0 [hbm4b:s16+s2], $0x80, v13, vm2, $0xb8;
	[tilespmem:$0x18400] =	vst v63  }
0x130: {  	s0 =	simm.s32 @!p0 $0x16380  }
0x131: {  	[tilespmem:s0], [sflag:$0x6] =	stream.indirect_vreg.gather @!p0 [hbm4b:s17+s2], $0x80, v13, vm2, $0xb8;
	[tilespmem:$0x18400] =	vst v63  }
0x132: {  	p1 =	sge.s32 s25, s6;
	s0 =	simm.s32 @!p0 $0x16B80  }
0x133: {  	[tilespmem:s0], [sflag:$0x6] =	stream.indirect_vreg.gather @!p0 [hbm4b:s18+s2], $0x80, v13, vm2, $0xb8;
	[tilespmem:$0x18400] =	vst v63  }
.Ltmp6:
0x134: {  	_ = 	snop;
	(pc) =	sbr.rel @p1 .LBB2_8-.Ltmp6, $4  }
0x135: {  	s0 =	simm.s32 @!p0 $0x17380  }
0x136: {  	[tilespmem:s0], [sflag:$0x6] =	stream.indirect_vreg.gather @!p0 [hbm4b:s19+s2], $0x80, v13, vm2, $0xb8;
	[tilespmem:$0x18400] =	vst v63  }
0x137: {  	s0 =	simm.s32 @!p0 $0x17B80  }
0x138: {  	[tilespmem:s0], [sflag:$0x6] =	stream.indirect_vreg.gather @!p0 [hbm4b:s20+s2], $0x80, v13, vm2, $0xb8;
	v13 =	vimm.f32 $0.0e+00;
	[tilespmem:$0x18400] =	vst v63  }
0x139: {  	s0 =	simm.s32 $0x1  }
0x13a: {  	_ =	swait.ge [sflag:s0], $0x4000  }
0x13b: {  	[sflag:s0] =	ssyncset.done $0x0  }
0x13c: {  	s28 =	simm.s32 $0x4;
	[sflag:s0] =	ssyncadd.s32 $0xFFFFC000  }
0x13d: {  	s4 =	simm.s32 $0x0;
	s26 =	simm.s32 $0x0;
	_ =	swait.ge [sflag:s28], $0x4000  }
0x13e: {  	s29 =	sand.u32 $0x60, s26;
	s2 =	sand.u32 $0x3E00, s4;
	[sflag:s28] =	ssyncset.done $0x0  }
0x13f: {  	s31 =	sor.u32 s29, s2;
	[sflag:s28] =	ssyncadd.s32 $0xFFFFC000  }
0x140: {  	v14 =	vld [tilespmem:s31+$0x390]  }
0x141: {  	s30 =	sand.u32 $0x3, s4;
	v15 =	vld [tilespmem:s31+$0x410]  }
0x142: {  	s0 =	sshll.u32 s30, $0x5;
	v16 =	vld [tilespmem:s31+$0x490]  }
0x143: {  	s0 =	sadd.s32 $0x0, s0;
	v17 =	vld [tilespmem:s31+$0x380]  }
0x144: {  	s2 =	sor.u32 $0x180, s0;
	v22 =	vld [tilespmem:s31+$0x480]  }
0x145: {  	v24 =	vld [tilespmem:s2+$0x380];
	_ =	sdelay $0x1  }
0x146: {  	s0 =	sadd.s32 $0x10, s0;
	v18 =	vld [tilespmem:s31+$0x400];
	v19 =	vshrl.u32 v14, $0xF  }
0x147: {  	s0 =	sor.u32 $0x180, s0;
	v13 =	vld [tilespmem:s31+$0xC390];
	v25 =	vcvt.s32.f32 v14;
	v20 =	vshrl.u32 v17, $0xF;
	v27 =	vcvt.s32.f32 v16  }
0x148: {  	v28 =	vld [tilespmem:s0+$0x380];
	v17 =	vcvt.s32.f32 v17;
	v23 =	vand.u32 $0xFF, v19;
	v19 =	vshrl.u32 v15, $0xF  }
0x149: {  	v21 =	vld [tilespmem:s31+$0xC380];
	v30 =	vshrl.u32 v22, $0xF;
	v32 =	vshrl.u32 v24, $0xF;
	v26 =	vand.u32 $0xFF, v19  }
0x14a: {  	v14 =	vld [tilespmem:s31+$0xC410];
	v16 =	vshrl.u32 v16, $0xF;
	v33 =	vcvt.s32.f32 v22;
	v29 =	vand.u32 $0xFF, v20  }
0x14b: {  	v24 =	vcvt.s32.f32 v24;
	v20 =	vld [tilespmem:s31+$0xC400];
	v30 =	vand.u32 $0xFF, v30;
	v19 =	vshrl.u32 v18, $0xF  }
0x14c: {  	v15 =	vcvt.s32.f32 v15;
	v34 =	vand.u32 $0xFF, v32;
	v31 =	vand.u32 $0xFF, v19;
	v19 =	vld [tilespmem:s31+$0xC480]  }
0x14d: {  	v16 =	vand.u32 $0xFF, v16;
	v18 =	vcvt.s32.f32 v18;
	v63 =	vmul.f32 $1.192092900e-07, v25;
	v23 =	vld.idx.msk [tilespmem:v23+s24+$0x0], $0xffff  }
0x14e: {  	v35 =	vmul.f32 $1.192092900e-07, v17;
	v17 =	vmul.f32 $1.192092900e-07, v27;
	v22 =	vld.idx.msk [tilespmem:v26+s24+$0x0], $0xffff;
	v26 =	vshrl.u32 v28, $0xF  }
0x14f: {  	v33 =	vmul.f32 $1.192092900e-07, v33;
	v39 =	vmul.f32 $1.192092900e-07, v24;
	v25 =	vld.idx.msk [tilespmem:v29+s24+$0x0], $0xffff;
	v38 =	vand.u32 $0xFF, v26  }
0x150: {  	v15 =	vmul.f32 $1.192092900e-07, v15;
	v18 =	vmul.f32 $1.192092900e-07, v18;
	v32 =	vadd.f32 $-1.270000000e+02, v63;
	v27 =	vld.idx.msk [tilespmem:v30+s24+$0x0], $0xffff  }
0x151: {  	v24 =	vadd.f32 $-1.270000000e+02, v17;
	v36 =	vadd.f32 $-1.270000000e+02, v35;
	v30 =	vld.idx.msk [tilespmem:v34+s24+$0x0], $0xffff;
	v28 =	vcvt.s32.f32 v28  }
0x152: {  	v17 =	vimm.f32 $0.0e+00;
	v35 =	vadd.f32 $-1.270000000e+02, v33;
	v33 =	vadd.f32 $-1.270000000e+02, v39;
	v26 =	vld.idx.msk [tilespmem:v31+s24+$0x0], $0xffff  }
0x153: {  	v34 =	vadd.f32 $-1.270000000e+02, v18;
	v29 =	vld.idx.msk [tilespmem:v16+s24+$0x0], $0xffff;
	v18 =	vimm.f32 $0.0e+00;
	v37 =	vmul.f32 $1.192092900e-07, v28  }
0x154: {  	s28 =	simm.s32 $0x0;
	v16 =	vimm.f32 $0.0e+00;
	v31 =	vadd.f32 $-1.270000000e+02, v15;
	v15 =	vimm.f32 $0.0e+00;
	v28 =	vld.idx.msk [tilespmem:v38+s24+$0x0], $0xffff  }
.LBB2_6:
0x155: {  	s26 =	sadd.s32 $0x20, s26;
	v38 =	vld [tilespmem:s2+$0xC380];
	v23 =	vadd.f32 v32, v23;
	v32 =	vadd.f32 $-1.270000000e+02, v37;
	s4 =	sadd.s32 $0x80, s4  }
0x156: {  	v25 =	vadd.f32 v36, v25;
	v22 =	vadd.f32 v31, v22;
	s2 =	sand.u32 $0x60, s26;
	s29 =	sand.u32 $0x3E00, s4;
	v31 =	vld [tilespmem:s31+$0xC490]  }
0x157: {  	v26 =	vadd.f32 v34, v26;
	v27 =	vadd.f32 v35, v27;
	s31 =	sor.u32 s2, s29;
	v34 =	vld [tilespmem:s0+$0xC380]  }
0x158: {  	v30 =	vadd.f32 v33, v30;
	v23 =	vmul.f32 v23, v13;
	v14 =	vmul.f32 v22, v14;
	v13 =	vld [tilespmem:s31+$0xC390]  }
0x159: {  	v21 =	vmul.f32 v25, v21;
	v20 =	vmul.f32 v26, v20;
	v24 =	vadd.f32 v24, v29;
	v22 =	vld [tilespmem:s31+$0x390]  }
0x15a: {  	s28 =	sadd.s32 $0x1, s28;
	v19 =	vmul.f32 v27, v19;
	v27 =	vadd.f32 v32, v28;
	v25 =	vld [tilespmem:s31+$0x410];
	v26 =	vmul.f32 v30, v38  }
0x15b: {  	p1 =	slt.u32 s26, $0xFE0;
	s0 =	sand.u32 $0x3, s28;
	v17 =	vadd.f32 v21, v17;
	v18 =	vadd.f32 v20, v18;
	v28 =	vld [tilespmem:s31+$0x490];
	v20 =	vmul.f32 v24, v31  }
0x15c: {  	s0 =	sshll.u32 s0, $0x5;
	v16 =	vadd.f32 v19, v16;
	v24 =	vld [tilespmem:s31+$0x380];
	v15 =	vadd.f32 v26, v15;
	v19 =	vmul.f32 v27, v34  }
0x15d: {  	s0 =	sadd.s32 s0, s4;
	v17 =	vadd.f32 v23, v17;
	v18 =	vadd.f32 v14, v18;
	v26 =	vld [tilespmem:s31+$0x400]  }
0x15e: {  	s2 =	sor.u32 $0x180, s0;
	v16 =	vadd.f32 v20, v16;
	v23 =	vld [tilespmem:s31+$0x480];
	v15 =	vadd.f32 v19, v15  }
0x15f: {  	s0 =	sadd.s32 $0x10, s0;
	v29 =	vcvt.s32.f32 v22;
	v14 =	vshrl.u32 v22, $0xF;
	v27 =	vld [tilespmem:s2+$0x380]  }
0x160: {  	s0 =	sor.u32 $0x180, s0;
	v22 =	vand.u32 $0xFF, v14;
	v30 =	vcvt.s32.f32 v25;
	v19 =	vshrl.u32 v25, $0xF;
	v14 =	vld [tilespmem:s31+$0xC410]  }
0x161: {  	v25 =	vand.u32 $0xFF, v19;
	v31 =	vcvt.s32.f32 v28;
	v20 =	vshrl.u32 v24, $0xF;
	v33 =	vld [tilespmem:s0+$0x380]  }
0x162: {  	v24 =	vcvt.s32.f32 v24;
	v21 =	vld [tilespmem:s31+$0xC380];
	v32 =	vand.u32 $0xFF, v20;
	v19 =	vshrl.u32 v26, $0xF  }
0x163: {  	v26 =	vcvt.s32.f32 v26;
	v20 =	vld [tilespmem:s31+$0xC400];
	v34 =	vand.u32 $0xFF, v19;
	v35 =	vshrl.u32 v23, $0xF  }
0x164: {  	v28 =	vshrl.u32 v28, $0xF;
	v19 =	vld [tilespmem:s31+$0xC480];
	v35 =	vand.u32 $0xFF, v35;
	v36 =	vshrl.u32 v27, $0xF  }
0x165: {  	v28 =	vand.u32 $0xFF, v28;
	v37 =	vcvt.s32.f32 v23;
	v36 =	vand.u32 $0xFF, v36;
	v23 =	vld.idx.msk [tilespmem:v22+s24+$0x0], $0xffff  }
0x166: {  	v29 =	vmul.f32 $1.192092900e-07, v29;
	v38 =	vmul.f32 $1.192092900e-07, v30;
	v22 =	vld.idx.msk [tilespmem:v25+s24+$0x0], $0xffff;
	v30 =	vshrl.u32 v33, $0xF  }
0x167: {  	v39 =	vmul.f32 $1.192092900e-07, v24;
	v24 =	vmul.f32 $1.192092900e-07, v31;
	v25 =	vld.idx.msk [tilespmem:v32+s24+$0x0], $0xffff;
	v40 =	vand.u32 $0xFF, v30  }
.Ltmp7:
0x168: {  	v41 =	vmul.f32 $1.192092900e-07, v26;
	v30 =	vcvt.s32.f32 v27;
	v26 =	vld.idx.msk [tilespmem:v34+s24+$0x0], $0xffff;
	(pc) =	sbr.rel @p1 .LBB2_6-.Ltmp7, $4  }
0x169: {  	v42 =	vmul.f32 $1.192092900e-07, v37;
	v33 =	vcvt.s32.f32 v33;
	v32 =	vadd.f32 $-1.270000000e+02, v29;
	v27 =	vld.idx.msk [tilespmem:v35+s24+$0x0], $0xffff  }
0x16a: {  	v31 =	vadd.f32 $-1.270000000e+02, v38;
	v24 =	vadd.f32 $-1.270000000e+02, v24;
	v43 =	vmul.f32 $1.192092900e-07, v30;
	v30 =	vld.idx.msk [tilespmem:v36+s24+$0x0], $0xffff  }
0x16b: {  	v34 =	vadd.f32 $-1.270000000e+02, v41;
	v37 =	vmul.f32 $1.192092900e-07, v33;
	v36 =	vadd.f32 $-1.270000000e+02, v39;
	v29 =	vld.idx.msk [tilespmem:v28+s24+$0x0], $0xffff  }
0x16c: {  	v35 =	vadd.f32 $-1.270000000e+02, v42;
	v33 =	vadd.f32 $-1.270000000e+02, v43;
	v28 =	vld.idx.msk [tilespmem:v40+s24+$0x0], $0xffff  }
0x16d: {  	v25 =	vadd.f32 v36, v25  }
0x16e: {  	v23 =	vadd.f32 v32, v23  }
0x16f: {  	v55 =	vld [tilespmem:s2+$0xC380];
	v26 =	vadd.f32 v34, v26;
	v22 =	vadd.f32 v31, v22;
	v21 =	vmul.f32 v25, v21  }
0x170: {  	v56 =	vld [tilespmem:s31+$0xC490];
	v57 =	vadd.f32 $-1.270000000e+02, v37;
	v58 =	vadd.f32 v35, v27  }
0x171: {  	v59 =	vld [tilespmem:s0+$0xC380];
	v13 =	vmul.f32 v23, v13;
	v20 =	vmul.f32 v26, v20;
	v17 =	vadd.f32 v21, v17  }
0x172: {  	v60 =	vadd.f32 v33, v30;
	v61 =	vadd.f32 v24, v29;
	v19 =	vmul.f32 v58, v19  }
0x173: {  	s29 =	smul.u32 $0xC, s22;
	v14 =	vmul.f32 v22, v14;
	v18 =	vadd.f32 v20, v18;
	v13 =	vadd.f32 v13, v17  }
0x174: {  	v21 =	vadd.f32 v57, v28;
	v62 =	vmul.f32 v60, v55;
	v16 =	vadd.f32 v19, v16  }
0x175: {  	s30 =	sor.u32 $0x1, s29;
	v17 =	vmul.f32 v61, v56;
	v14 =	vadd.f32 v14, v18;
	v13 =	vadd.f32 $0.0e+00, v13  }
0x176: {  	p1 =	slt.s32 s29, s5;
	p4 =	slt.s32 s30, s5;
	v63 =	vmul.f32 v21, v59;
	v15 =	vadd.f32 v62, v15  }
0x177: {  	s31 =	sor.u32 $0x2, s29;
	v16 =	vadd.f32 v17, v16;
	v14 =	vpsel !p4, $0x0, v14;
	v13 =	vpsel !p1, $0x0, v13  }
0x178: {  	p5 =	slt.s32 s31, s5;
	v13 =	vadd.f32 v14, v13  }
0x179: {  	s0 =	sor.u32 $0x3, s29;
	v14 =	vadd.f32 v63, v15;
	v15 =	vpsel !p5, $0x0, v16  }
0x17a: {  	p6 =	slt.s32 s0, s5;
	v13 =	vadd.f32 v15, v13  }
0x17b: {  	v14 =	vpsel !p6, $0x0, v14  }
0x17c: {  	v13 =	vadd.f32 v14, v13  }
.LBB2_8:
0x17d: {  	s0 =	sadd.s32 $0x3, s25  }
0x17e: {  	p1 =	sge.s32 s0, s6  }
0x17f: {  	s0 =	sshll.u32 @!p1 s0, $0x5  }
0x180: {  	s0 =	sshra.s32 @!p1 s0, $0x2  }
0x181: {  	v14 =	vld.msk @!p1 [tilespmem:s0+$0x100], $0xf;
	_ =	sdelay $0x4  }
0x182: {  	v15 =	vshll.u32 @!p1 v14, $0x5  }
0x183: {  	v16 =	vlaneseq.u32 @!p1;
	v14 =	vand.u32 @!p1 $0x7, v14;
	v15 =	vand.u32 @!p1 $0xFFFFFF00, v15  }
0x184: {  	v14 =	vor.u32 @!p1 v14, v15;
	v15 =	vand.u32 @!p1 $0x3, v16;
	v16 =	vshrl.u32 @!p1 v16, $0x2  }
0x185: {  	v14 =	vperm.xlane @!p1 v14, v15;
	v16 =	vmul.u32 @!p1 $0x8, v16;
	_ =	sdelay $0x1  }
0x186: {  	v14 =	vadd.s32 @!p1 v16, v14;
	_ =	sdelay $0x3  }
0x187: {  	vm2 =	vmmov @!p1 $0xffff;
	s2 =	simm.s32 @!p1 $0x0;
	s4 =	simm.s32 @!p1 $0x380  }
0x188: {  	[tilespmem:s4], [sflag:$0x1] =	stream.indirect_vreg.gather @!p1 [hbm4b:s1+s2], $0x80, v14, vm2, $0xb8;
	[tilespmem:$0x18400] =	vst v63  }
0x189: {  	s4 =	simm.s32 @!p1 $0xB80  }
0x18a: {  	[tilespmem:s4], [sflag:$0x1] =	stream.indirect_vreg.gather @!p1 [hbm4b:s7+s2], $0x80, v14, vm2, $0xb8;
	[tilespmem:$0x18400] =	vst v63  }
0x18b: {  	s4 =	simm.s32 @!p1 $0x1380  }
0x18c: {  	[tilespmem:s4], [sflag:$0x1] =	stream.indirect_vreg.gather @!p1 [hbm4b:s8+s2], $0x80, v14, vm2, $0xb8;
	[tilespmem:$0x18400] =	vst v63  }
0x18d: {  	s4 =	simm.s32 @!p1 $0x1B80  }
0x18e: {  	[tilespmem:s4], [sflag:$0x1] =	stream.indirect_vreg.gather @!p1 [hbm4b:s9+s2], $0x80, v14, vm2, $0xb8;
	[tilespmem:$0x18400] =	vst v63  }
0x18f: {  	s4 =	simm.s32 @!p1 $0x2380  }
0x190: {  	[tilespmem:s4], [sflag:$0x1] =	stream.indirect_vreg.gather @!p1 [hbm4b:s10+s2], $0x80, v14, vm2, $0xb8;
	[tilespmem:$0x18400] =	vst v63  }
0x191: {  	s4 =	simm.s32 @!p1 $0x2B80  }
0x192: {  	[tilespmem:s4], [sflag:$0x1] =	stream.indirect_vreg.gather @!p1 [hbm4b:s11+s2], $0x80, v14, vm2, $0xb8;
	[tilespmem:$0x18400] =	vst v63  }
0x193: {  	s4 =	simm.s32 @!p1 $0x3380  }
0x194: {  	[tilespmem:s4], [sflag:$0x1] =	stream.indirect_vreg.gather @!p1 [hbm4b:s12+s2], $0x80, v14, vm2, $0xb8;
	[tilespmem:$0x18400] =	vst v63  }
0x195: {  	s4 =	simm.s32 @!p1 $0x3B80  }
0x196: {  	[tilespmem:s4], [sflag:$0x1] =	stream.indirect_vreg.gather @!p1 [hbm4b:s13+s2], $0x80, v14, vm2, $0xb8;
	[tilespmem:$0x18400] =	vst v63  }
0x197: {  	v14 =	vld.msk @!p1 [tilespmem:s0+$0x100], $0xf;
	_ =	sdelay $0x4  }
0x198: {  	v17 =	vshll.u32 @!p1 v14, $0x5  }
0x199: {  	v14 =	vand.u32 @!p1 $0x7, v14;
	v17 =	vand.u32 @!p1 $0xFFFFFF00, v17  }
0x19a: {  	v14 =	vor.u32 @!p1 v14, v17  }
0x19b: {  	v14 =	vperm.xlane @!p1 v14, v15;
	_ =	sdelay $0x1  }
0x19c: {  	v14 =	vadd.s32 @!p1 v16, v14;
	_ =	sdelay $0x3  }
0x19d: {  	s0 =	simm.s32 @!p1 $0xC380  }
0x19e: {  	[tilespmem:s0], [sflag:$0x4] =	stream.indirect_vreg.gather @!p1 [hbm4b:s3+s2], $0x80, v14, vm2, $0xb8;
	[tilespmem:$0x18400] =	vst v63  }
0x19f: {  	s0 =	simm.s32 @!p1 $0xCB80  }
0x1a0: {  	[tilespmem:s0], [sflag:$0x4] =	stream.indirect_vreg.gather @!p1 [hbm4b:s14+s2], $0x80, v14, vm2, $0xb8;
	[tilespmem:$0x18400] =	vst v63  }
0x1a1: {  	s0 =	simm.s32 @!p1 $0xD380  }
0x1a2: {  	[tilespmem:s0], [sflag:$0x4] =	stream.indirect_vreg.gather @!p1 [hbm4b:s15+s2], $0x80, v14, vm2, $0xb8;
	[tilespmem:$0x18400] =	vst v63  }
0x1a3: {  	s0 =	simm.s32 @!p1 $0xDB80  }
0x1a4: {  	[tilespmem:s0], [sflag:$0x4] =	stream.indirect_vreg.gather @!p1 [hbm4b:s16+s2], $0x80, v14, vm2, $0xb8;
	[tilespmem:$0x18400] =	vst v63  }
0x1a5: {  	s0 =	simm.s32 @!p1 $0xE380  }
0x1a6: {  	[tilespmem:s0], [sflag:$0x4] =	stream.indirect_vreg.gather @!p1 [hbm4b:s17+s2], $0x80, v14, vm2, $0xb8;
	[tilespmem:$0x18400] =	vst v63  }
0x1a7: {  	s0 =	simm.s32 @!p1 $0xEB80  }
0x1a8: {  	[tilespmem:s0], [sflag:$0x4] =	stream.indirect_vreg.gather @!p1 [hbm4b:s18+s2], $0x80, v14, vm2, $0xb8;
	[tilespmem:$0x18400] =	vst v63  }
0x1a9: {  	s0 =	simm.s32 @!p1 $0xF380  }
0x1aa: {  	[tilespmem:s0], [sflag:$0x4] =	stream.indirect_vreg.gather @!p1 [hbm4b:s19+s2], $0x80, v14, vm2, $0xb8;
	[tilespmem:$0x18400] =	vst v63  }
0x1ab: {  	s4 =	sadd.s32 $0x1, s25;
	s0 =	simm.s32 @!p1 $0xFB80  }
0x1ac: {  	[tilespmem:s0], [sflag:$0x4] =	stream.indirect_vreg.gather @!p1 [hbm4b:s20+s2], $0x80, v14, vm2, $0xb8;
	[tilespmem:$0x18400] =	vst v63  }
0x1ad: {  	p1 =	sge.s32 s4, s6  }
.Ltmp8:
0x1ae: {  	_ = 	snop;
	(pc) =	sbr.rel @p1 .LBB2_12-.Ltmp8, $2  }
0x1af: {  	_ =	sdelay $0x2  }
0x1b0: {  	v15 =	vimm.f32 $0.0e+00;
	v14 =	vimm.f32 $0.0e+00  }
0x1b1: {  	s0 =	simm.s32 $0x2  }
0x1b2: {  	_ =	swait.ge [sflag:s0], $0x4000  }
0x1b3: {  	[sflag:s0] =	ssyncset.done $0x0  }
0x1b4: {  	s28 =	simm.s32 $0x5;
	[sflag:s0] =	ssyncadd.s32 $0xFFFFC000  }
0x1b5: {  	s31 =	simm.s32 $0x0;
	s2 =	simm.s32 $0x0;
	_ =	swait.ge [sflag:s28], $0x4000  }
0x1b6: {  	s30 =	sand.u32 $0x60, s2;
	s26 =	sand.u32 $0x3E00, s31;
	[sflag:s28] =	ssyncset.done $0x0  }
0x1b7: {  	s26 =	sor.u32 s30, s26;
	[sflag:s28] =	ssyncadd.s32 $0xFFFFC000  }
0x1b8: {  	v16 =	vld [tilespmem:s26+$0x4390]  }
0x1b9: {  	v17 =	vld [tilespmem:s26+$0x4410]  }
0x1ba: {  	v18 =	vld [tilespmem:s26+$0x4490]  }
0x1bb: {  	s30 =	sand.u32 $0x3, s31;
	v19 =	vld [tilespmem:s26+$0x4380]  }
0x1bc: {  	s0 =	sshll.u32 s30, $0x5;
	v24 =	vld [tilespmem:s26+$0x4480]  }
0x1bd: {  	s28 =	sadd.s32 $0x0, s0  }
0x1be: {  	v20 =	vld [tilespmem:s26+$0x4400];
	s0 =	sor.u32 $0x180, s28  }
0x1bf: {  	v26 =	vld [tilespmem:s0+$0x4380];
	v21 =	vshrl.u32 v16, $0xF;
	v27 =	vcvt.s32.f32 v16  }
0x1c0: {  	v15 =	vld [tilespmem:s26+$0x10390];
	s28 =	sadd.s32 $0x10, s28;
	v22 =	vshrl.u32 v19, $0xF;
	v29 =	vcvt.s32.f32 v18;
	v19 =	vcvt.s32.f32 v19  }
0x1c1: {  	v23 =	vld [tilespmem:s26+$0x10380];
	s28 =	sor.u32 $0x180, s28;
	v32 =	vshrl.u32 v24, $0xF;
	v25 =	vand.u32 $0xFF, v21;
	v21 =	vshrl.u32 v17, $0xF  }
0x1c2: {  	v30 =	vld [tilespmem:s28+$0x4380];
	v18 =	vshrl.u32 v18, $0xF;
	v35 =	vcvt.s32.f32 v24;
	v28 =	vand.u32 $0xFF, v21  }
0x1c3: {  	v16 =	vld [tilespmem:s26+$0x10410];
	v17 =	vcvt.s32.f32 v17;
	v31 =	vand.u32 $0xFF, v22;
	v32 =	vand.u32 $0xFF, v32  }
0x1c4: {  	v22 =	vld [tilespmem:s26+$0x10400];
	v34 =	vshrl.u32 v26, $0xF;
	v26 =	vcvt.s32.f32 v26;
	v21 =	vshrl.u32 v20, $0xF  }
0x1c5: {  	v20 =	vcvt.s32.f32 v20;
	v36 =	vand.u32 $0xFF, v34;
	v33 =	vand.u32 $0xFF, v21;
	v21 =	vld [tilespmem:s26+$0x10480]  }
0x1c6: {  	v18 =	vand.u32 $0xFF, v18;
	v63 =	vmul.f32 $1.192092900e-07, v27;
	v37 =	vmul.f32 $1.192092900e-07, v19;
	v25 =	vld.idx.msk [tilespmem:v25+s24+$0x0], $0xffff  }
0x1c7: {  	v19 =	vmul.f32 $1.192092900e-07, v29;
	v35 =	vmul.f32 $1.192092900e-07, v35;
	v24 =	vld.idx.msk [tilespmem:v28+s24+$0x0], $0xffff;
	v28 =	vshrl.u32 v30, $0xF  }
0x1c8: {  	v39 =	vcvt.s32.f32 v30;
	v17 =	vmul.f32 $1.192092900e-07, v17;
	v27 =	vld.idx.msk [tilespmem:v31+s24+$0x0], $0xffff;
	v31 =	vand.u32 $0xFF, v28  }
0x1c9: {  	v40 =	vmul.f32 $1.192092900e-07, v26;
	v20 =	vmul.f32 $1.192092900e-07, v20;
	v29 =	vld.idx.msk [tilespmem:v32+s24+$0x0], $0xffff  }
0x1ca: {  	v34 =	vadd.f32 $-1.270000000e+02, v63;
	v26 =	vadd.f32 $-1.270000000e+02, v19;
	v19 =	vimm.f32 $0.0e+00;
	v32 =	vld.idx.msk [tilespmem:v36+s24+$0x0], $0xffff  }
0x1cb: {  	v38 =	vadd.f32 $-1.270000000e+02, v37;
	v39 =	vmul.f32 $1.192092900e-07, v39;
	v37 =	vadd.f32 $-1.270000000e+02, v35;
	v28 =	vld.idx.msk [tilespmem:v33+s24+$0x0], $0xffff  }
0x1cc: {  	v35 =	vadd.f32 $-1.270000000e+02, v40;
	v36 =	vadd.f32 $-1.270000000e+02, v20;
	v30 =	vld.idx.msk [tilespmem:v18+s24+$0x0], $0xffff;
	v20 =	vimm.f32 $0.0e+00  }
0x1cd: {  	s29 =	simm.s32 $0x0;
	v18 =	vimm.f32 $0.0e+00;
	v33 =	vadd.f32 $-1.270000000e+02, v17;
	v17 =	vimm.f32 $0.0e+00;
	v31 =	vld.idx.msk [tilespmem:v31+s24+$0x0], $0xffff  }
.LBB2_10:
0x1ce: {  	s2 =	sadd.s32 $0x20, s2;
	v40 =	vld [tilespmem:s0+$0x10380];
	v25 =	vadd.f32 v34, v25;
	v34 =	vadd.f32 $-1.270000000e+02, v39;
	s31 =	sadd.s32 $0x80, s31  }
0x1cf: {  	v27 =	vadd.f32 v38, v27;
	v24 =	vadd.f32 v33, v24;
	s0 =	sand.u32 $0x60, s2;
	s30 =	sand.u32 $0x3E00, s31;
	v33 =	vld [tilespmem:s26+$0x10490]  }
0x1d0: {  	v28 =	vadd.f32 v36, v28;
	v29 =	vadd.f32 v37, v29;
	s26 =	sor.u32 s0, s30;
	v36 =	vld [tilespmem:s28+$0x10380]  }
0x1d1: {  	v32 =	vadd.f32 v35, v32;
	v25 =	vmul.f32 v25, v15;
	v16 =	vmul.f32 v24, v16;
	v15 =	vld [tilespmem:s26+$0x10390]  }
0x1d2: {  	v23 =	vmul.f32 v27, v23;
	v22 =	vmul.f32 v28, v22;
	v26 =	vadd.f32 v26, v30;
	v24 =	vld [tilespmem:s26+$0x4390]  }
0x1d3: {  	s29 =	sadd.s32 $0x1, s29;
	v21 =	vmul.f32 v29, v21;
	v29 =	vadd.f32 v34, v31;
	v27 =	vld [tilespmem:s26+$0x4410];
	v28 =	vmul.f32 v32, v40  }
0x1d4: {  	p1 =	slt.u32 s2, $0xFE0;
	s0 =	sand.u32 $0x3, s29;
	v19 =	vadd.f32 v23, v19;
	v20 =	vadd.f32 v22, v20;
	v30 =	vld [tilespmem:s26+$0x4490];
	v22 =	vmul.f32 v26, v33  }
0x1d5: {  	s0 =	sshll.u32 s0, $0x5;
	v18 =	vadd.f32 v21, v18;
	v26 =	vld [tilespmem:s26+$0x4380];
	v17 =	vadd.f32 v28, v17;
	v21 =	vmul.f32 v29, v36  }
0x1d6: {  	s28 =	sadd.s32 s0, s31;
	v19 =	vadd.f32 v25, v19;
	v20 =	vadd.f32 v16, v20;
	v28 =	vld [tilespmem:s26+$0x4400]  }
0x1d7: {  	s0 =	sor.u32 $0x180, s28;
	v18 =	vadd.f32 v22, v18;
	v25 =	vld [tilespmem:s26+$0x4480];
	v17 =	vadd.f32 v21, v17  }
0x1d8: {  	s28 =	sadd.s32 $0x10, s28;
	v31 =	vcvt.s32.f32 v24;
	v16 =	vshrl.u32 v24, $0xF;
	v29 =	vld [tilespmem:s0+$0x4380]  }
0x1d9: {  	s28 =	sor.u32 $0x180, s28;
	v24 =	vand.u32 $0xFF, v16;
	v32 =	vcvt.s32.f32 v27;
	v21 =	vshrl.u32 v27, $0xF;
	v16 =	vld [tilespmem:s26+$0x10410]  }
0x1da: {  	v27 =	vand.u32 $0xFF, v21;
	v33 =	vcvt.s32.f32 v30;
	v22 =	vshrl.u32 v26, $0xF;
	v35 =	vld [tilespmem:s28+$0x4380]  }
0x1db: {  	v26 =	vcvt.s32.f32 v26;
	v23 =	vld [tilespmem:s26+$0x10380];
	v34 =	vand.u32 $0xFF, v22;
	v21 =	vshrl.u32 v28, $0xF  }
0x1dc: {  	v28 =	vcvt.s32.f32 v28;
	v22 =	vld [tilespmem:s26+$0x10400];
	v36 =	vand.u32 $0xFF, v21;
	v37 =	vshrl.u32 v25, $0xF  }
0x1dd: {  	v30 =	vshrl.u32 v30, $0xF;
	v21 =	vld [tilespmem:s26+$0x10480];
	v37 =	vand.u32 $0xFF, v37;
	v38 =	vshrl.u32 v29, $0xF  }
0x1de: {  	v30 =	vand.u32 $0xFF, v30;
	v39 =	vcvt.s32.f32 v25;
	v38 =	vand.u32 $0xFF, v38;
	v25 =	vld.idx.msk [tilespmem:v24+s24+$0x0], $0xffff  }
0x1df: {  	v31 =	vmul.f32 $1.192092900e-07, v31;
	v40 =	vmul.f32 $1.192092900e-07, v32;
	v24 =	vld.idx.msk [tilespmem:v27+s24+$0x0], $0xffff;
	v32 =	vshrl.u32 v35, $0xF  }
0x1e0: {  	v41 =	vmul.f32 $1.192092900e-07, v26;
	v26 =	vmul.f32 $1.192092900e-07, v33;
	v27 =	vld.idx.msk [tilespmem:v34+s24+$0x0], $0xffff;
	v42 =	vand.u32 $0xFF, v32  }
.Ltmp9:
0x1e1: {  	v43 =	vmul.f32 $1.192092900e-07, v28;
	v32 =	vcvt.s32.f32 v29;
	v28 =	vld.idx.msk [tilespmem:v36+s24+$0x0], $0xffff;
	(pc) =	sbr.rel @p1 .LBB2_10-.Ltmp9, $4  }
0x1e2: {  	v44 =	vmul.f32 $1.192092900e-07, v39;
	v34 =	vadd.f32 $-1.270000000e+02, v31;
	v31 =	vcvt.s32.f32 v35;
	v29 =	vld.idx.msk [tilespmem:v37+s24+$0x0], $0xffff  }
0x1e3: {  	v33 =	vadd.f32 $-1.270000000e+02, v40;
	v26 =	vadd.f32 $-1.270000000e+02, v26;
	v35 =	vmul.f32 $1.192092900e-07, v32;
	v32 =	vld.idx.msk [tilespmem:v38+s24+$0x0], $0xffff  }
0x1e4: {  	v36 =	vadd.f32 $-1.270000000e+02, v43;
	v39 =	vmul.f32 $1.192092900e-07, v31;
	v38 =	vadd.f32 $-1.270000000e+02, v41;
	v30 =	vld.idx.msk [tilespmem:v30+s24+$0x0], $0xffff  }
0x1e5: {  	v37 =	vadd.f32 $-1.270000000e+02, v44;
	v35 =	vadd.f32 $-1.270000000e+02, v35;
	v31 =	vld.idx.msk [tilespmem:v42+s24+$0x0], $0xffff  }
0x1e6: {  	v27 =	vadd.f32 v38, v27  }
0x1e7: {  	v25 =	vadd.f32 v34, v25  }
0x1e8: {  	v55 =	vld [tilespmem:s0+$0x10380];
	v28 =	vadd.f32 v36, v28;
	v24 =	vadd.f32 v33, v24;
	v23 =	vmul.f32 v27, v23  }
0x1e9: {  	v56 =	vld [tilespmem:s26+$0x10490];
	v57 =	vadd.f32 $-1.270000000e+02, v39;
	v58 =	vadd.f32 v37, v29  }
0x1ea: {  	v59 =	vld [tilespmem:s28+$0x10380];
	v15 =	vmul.f32 v25, v15;
	v22 =	vmul.f32 v28, v22;
	v19 =	vadd.f32 v23, v19  }
0x1eb: {  	v60 =	vadd.f32 v35, v32;
	v61 =	vadd.f32 v26, v30;
	v21 =	vmul.f32 v58, v21  }
0x1ec: {  	v16 =	vmul.f32 v24, v16;
	v20 =	vadd.f32 v22, v20;
	v15 =	vadd.f32 v15, v19  }
0x1ed: {  	s30 =	sshll.u32 s4, $0x2;
	v23 =	vadd.f32 v57, v31;
	v62 =	vmul.f32 v60, v55;
	v18 =	vadd.f32 v21, v18  }
0x1ee: {  	s2 =	sor.u32 $0x1, s30;
	v19 =	vmul.f32 v61, v56;
	v16 =	vadd.f32 v16, v20;
	v15 =	vadd.f32 $0.0e+00, v15  }
0x1ef: {  	p1 =	slt.s32 s30, s5;
	p4 =	slt.s32 s2, s5;
	v63 =	vmul.f32 v23, v59;
	v17 =	vadd.f32 v62, v17  }
0x1f0: {  	s0 =	sor.u32 $0x2, s30;
	v18 =	vadd.f32 v19, v18;
	v16 =	vpsel !p4, $0x0, v16;
	v15 =	vpsel !p1, $0x0, v15  }
0x1f1: {  	p5 =	slt.s32 s0, s5;
	v15 =	vadd.f32 v16, v15  }
0x1f2: {  	s31 =	sshllo.u32 s4, $0x2;
	v16 =	vadd.f32 v63, v17;
	v17 =	vpsel !p5, $0x0, v18  }
0x1f3: {  	p6 =	slt.s32 s31, s5;
	v15 =	vadd.f32 v17, v15  }
0x1f4: {  	v16 =	vpsel !p6, $0x0, v16  }
0x1f5: {  	v15 =	vadd.f32 v16, v15  }
.LBB2_12:
0x1f6: {  	s0 =	sadd.s32 $0x4, s25  }
0x1f7: {  	p1 =	sge.s32 s0, s6  }
0x1f8: {  	s0 =	sshll.u32 @!p1 s0, $0x5  }
0x1f9: {  	s0 =	sshra.s32 @!p1 s0, $0x2  }
0x1fa: {  	v16 =	vld.msk @!p1 [tilespmem:s0+$0x100], $0xf;
	_ =	sdelay $0x4  }
0x1fb: {  	v17 =	vshll.u32 @!p1 v16, $0x5  }
0x1fc: {  	v18 =	vlaneseq.u32 @!p1;
	v16 =	vand.u32 @!p1 $0x7, v16;
	v17 =	vand.u32 @!p1 $0xFFFFFF00, v17  }
0x1fd: {  	v16 =	vor.u32 @!p1 v16, v17;
	v17 =	vand.u32 @!p1 $0x3, v18;
	v18 =	vshrl.u32 @!p1 v18, $0x2  }
0x1fe: {  	v16 =	vperm.xlane @!p1 v16, v17;
	v18 =	vmul.u32 @!p1 $0x8, v18;
	_ =	sdelay $0x1  }
0x1ff: {  	v16 =	vadd.s32 @!p1 v18, v16;
	_ =	sdelay $0x3  }
0x200: {  	vm2 =	vmmov @!p1 $0xffff;
	s2 =	simm.s32 @!p1 $0x0;
	s4 =	simm.s32 @!p1 $0x4380  }
0x201: {  	[tilespmem:s4], [sflag:$0x2] =	stream.indirect_vreg.gather @!p1 [hbm4b:s1+s2], $0x80, v16, vm2, $0xb8;
	[tilespmem:$0x18400] =	vst v63  }
0x202: {  	s4 =	simm.s32 @!p1 $0x4B80  }
0x203: {  	[tilespmem:s4], [sflag:$0x2] =	stream.indirect_vreg.gather @!p1 [hbm4b:s7+s2], $0x80, v16, vm2, $0xb8;
	[tilespmem:$0x18400] =	vst v63  }
0x204: {  	s4 =	simm.s32 @!p1 $0x5380  }
0x205: {  	[tilespmem:s4], [sflag:$0x2] =	stream.indirect_vreg.gather @!p1 [hbm4b:s8+s2], $0x80, v16, vm2, $0xb8;
	[tilespmem:$0x18400] =	vst v63  }
0x206: {  	s4 =	simm.s32 @!p1 $0x5B80  }
0x207: {  	[tilespmem:s4], [sflag:$0x2] =	stream.indirect_vreg.gather @!p1 [hbm4b:s9+s2], $0x80, v16, vm2, $0xb8;
	[tilespmem:$0x18400] =	vst v63  }
0x208: {  	s4 =	simm.s32 @!p1 $0x6380  }
0x209: {  	[tilespmem:s4], [sflag:$0x2] =	stream.indirect_vreg.gather @!p1 [hbm4b:s10+s2], $0x80, v16, vm2, $0xb8;
	[tilespmem:$0x18400] =	vst v63  }
0x20a: {  	s4 =	simm.s32 @!p1 $0x6B80  }
0x20b: {  	[tilespmem:s4], [sflag:$0x2] =	stream.indirect_vreg.gather @!p1 [hbm4b:s11+s2], $0x80, v16, vm2, $0xb8;
	[tilespmem:$0x18400] =	vst v63  }
0x20c: {  	s4 =	simm.s32 @!p1 $0x7380  }
0x20d: {  	[tilespmem:s4], [sflag:$0x2] =	stream.indirect_vreg.gather @!p1 [hbm4b:s12+s2], $0x80, v16, vm2, $0xb8;
	[tilespmem:$0x18400] =	vst v63  }
0x20e: {  	s4 =	simm.s32 @!p1 $0x7B80  }
0x20f: {  	[tilespmem:s4], [sflag:$0x2] =	stream.indirect_vreg.gather @!p1 [hbm4b:s13+s2], $0x80, v16, vm2, $0xb8;
	[tilespmem:$0x18400] =	vst v63  }
0x210: {  	v16 =	vld.msk @!p1 [tilespmem:s0+$0x100], $0xf;
	_ =	sdelay $0x4  }
0x211: {  	v19 =	vshll.u32 @!p1 v16, $0x5  }
0x212: {  	v16 =	vand.u32 @!p1 $0x7, v16;
	v19 =	vand.u32 @!p1 $0xFFFFFF00, v19  }
0x213: {  	v16 =	vor.u32 @!p1 v16, v19  }
0x214: {  	v16 =	vperm.xlane @!p1 v16, v17;
	_ =	sdelay $0x1  }
0x215: {  	v16 =	vadd.s32 @!p1 v18, v16;
	_ =	sdelay $0x3  }
0x216: {  	s0 =	simm.s32 @!p1 $0x10380  }
0x217: {  	[tilespmem:s0], [sflag:$0x5] =	stream.indirect_vreg.gather @!p1 [hbm4b:s3+s2], $0x80, v16, vm2, $0xb8;
	[tilespmem:$0x18400] =	vst v63  }
0x218: {  	s0 =	simm.s32 @!p1 $0x10B80  }
0x219: {  	[tilespmem:s0], [sflag:$0x5] =	stream.indirect_vreg.gather @!p1 [hbm4b:s14+s2], $0x80, v16, vm2, $0xb8;
	[tilespmem:$0x18400] =	vst v63  }
0x21a: {  	s0 =	simm.s32 @!p1 $0x11380  }
0x21b: {  	[tilespmem:s0], [sflag:$0x5] =	stream.indirect_vreg.gather @!p1 [hbm4b:s15+s2], $0x80, v16, vm2, $0xb8;
	[tilespmem:$0x18400] =	vst v63  }
0x21c: {  	s0 =	simm.s32 @!p1 $0x11B80  }
0x21d: {  	[tilespmem:s0], [sflag:$0x5] =	stream.indirect_vreg.gather @!p1 [hbm4b:s16+s2], $0x80, v16, vm2, $0xb8;
	[tilespmem:$0x18400] =	vst v63  }
0x21e: {  	s0 =	simm.s32 @!p1 $0x12380  }
0x21f: {  	[tilespmem:s0], [sflag:$0x5] =	stream.indirect_vreg.gather @!p1 [hbm4b:s17+s2], $0x80, v16, vm2, $0xb8;
	[tilespmem:$0x18400] =	vst v63  }
0x220: {  	s0 =	simm.s32 @!p1 $0x12B80  }
0x221: {  	[tilespmem:s0], [sflag:$0x5] =	stream.indirect_vreg.gather @!p1 [hbm4b:s18+s2], $0x80, v16, vm2, $0xb8;
	[tilespmem:$0x18400] =	vst v63  }
.Ltmp10:
0x222: {  	_ = 	snop;
	(pc) =	sbr.rel @p0 .LBB2_16-.Ltmp10, $4  }
0x223: {  	s0 =	simm.s32 @!p1 $0x13380  }
0x224: {  	[tilespmem:s0], [sflag:$0x5] =	stream.indirect_vreg.gather @!p1 [hbm4b:s19+s2], $0x80, v16, vm2, $0xb8;
	[tilespmem:$0x18400] =	vst v63  }
0x225: {  	s0 =	simm.s32 @!p1 $0x13B80  }
0x226: {  	[tilespmem:s0], [sflag:$0x5] =	stream.indirect_vreg.gather @!p1 [hbm4b:s20+s2], $0x80, v16, vm2, $0xb8;
	[tilespmem:$0x18400] =	vst v63  }
0x227: {  	s0 =	simm.s32 $0x3  }
0x228: {  	_ =	swait.ge [sflag:s0], $0x4000  }
0x229: {  	[sflag:s0] =	ssyncset.done $0x0  }
0x22a: {  	s26 =	simm.s32 $0x6;
	[sflag:s0] =	ssyncadd.s32 $0xFFFFC000  }
0x22b: {  	s4 =	simm.s32 $0x0;
	s2 =	simm.s32 $0x0;
	_ =	swait.ge [sflag:s26], $0x4000  }
0x22c: {  	s29 =	sand.u32 $0x60, s2;
	s25 =	sand.u32 $0x3E00, s4;
	[sflag:s26] =	ssyncset.done $0x0  }
0x22d: {  	s25 =	sor.u32 s29, s25;
	[sflag:s26] =	ssyncadd.s32 $0xFFFFC000  }
0x22e: {  	v16 =	vld [tilespmem:s25+$0x8390]  }
0x22f: {  	s30 =	sand.u32 $0x3, s4;
	v17 =	vld [tilespmem:s25+$0x8410]  }
0x230: {  	s0 =	sshll.u32 s30, $0x5;
	v18 =	vld [tilespmem:s25+$0x8490]  }
0x231: {  	s31 =	sadd.s32 $0x0, s0;
	v19 =	vld [tilespmem:s25+$0x8380]  }
0x232: {  	s0 =	sor.u32 $0x180, s31;
	v24 =	vld [tilespmem:s25+$0x8480]  }
0x233: {  	v26 =	vld [tilespmem:s0+$0x8380]  }
0x234: {  	s26 =	sadd.s32 $0x10, s31  }
0x235: {  	v20 =	vld [tilespmem:s25+$0x8400];
	s26 =	sor.u32 $0x180, s26;
	v21 =	vshrl.u32 v16, $0xF;
	v27 =	vcvt.s32.f32 v16  }
0x236: {  	v30 =	vld [tilespmem:s26+$0x8380];
	v22 =	vshrl.u32 v19, $0xF;
	v29 =	vcvt.s32.f32 v18;
	v19 =	vcvt.s32.f32 v19  }
0x237: {  	v14 =	vld [tilespmem:s25+$0x14390];
	v32 =	vshrl.u32 v24, $0xF;
	v25 =	vand.u32 $0xFF, v21;
	v21 =	vshrl.u32 v17, $0xF  }
0x238: {  	v23 =	vld [tilespmem:s25+$0x14380];
	v34 =	vshrl.u32 v26, $0xF;
	v18 =	vshrl.u32 v18, $0xF;
	v28 =	vand.u32 $0xFF, v21  }
0x239: {  	v16 =	vld [tilespmem:s25+$0x14410];
	v35 =	vcvt.s32.f32 v24;
	v26 =	vcvt.s32.f32 v26;
	v31 =	vand.u32 $0xFF, v22  }
0x23a: {  	v17 =	vcvt.s32.f32 v17;
	v22 =	vld [tilespmem:s25+$0x14400];
	v32 =	vand.u32 $0xFF, v32;
	v21 =	vshrl.u32 v20, $0xF  }
0x23b: {  	v36 =	vand.u32 $0xFF, v34;
	v39 =	vcvt.s32.f32 v30;
	v33 =	vand.u32 $0xFF, v21;
	v21 =	vld [tilespmem:s25+$0x14480]  }
0x23c: {  	v18 =	vand.u32 $0xFF, v18;
	v20 =	vcvt.s32.f32 v20;
	v63 =	vmul.f32 $1.192092900e-07, v27;
	v25 =	vld.idx.msk [tilespmem:v25+s24+$0x0], $0xffff  }
0x23d: {  	v37 =	vmul.f32 $1.192092900e-07, v19;
	v19 =	vmul.f32 $1.192092900e-07, v29;
	v24 =	vld.idx.msk [tilespmem:v28+s24+$0x0], $0xffff;
	v28 =	vshrl.u32 v30, $0xF  }
0x23e: {  	v35 =	vmul.f32 $1.192092900e-07, v35;
	v40 =	vmul.f32 $1.192092900e-07, v26;
	v27 =	vld.idx.msk [tilespmem:v31+s24+$0x0], $0xffff;
	v31 =	vand.u32 $0xFF, v28  }
0x23f: {  	v17 =	vmul.f32 $1.192092900e-07, v17;
	v39 =	vmul.f32 $1.192092900e-07, v39;
	v29 =	vld.idx.msk [tilespmem:v32+s24+$0x0], $0xffff  }
0x240: {  	v20 =	vmul.f32 $1.192092900e-07, v20;
	v34 =	vadd.f32 $-1.270000000e+02, v63;
	v26 =	vadd.f32 $-1.270000000e+02, v19;
	v32 =	vld.idx.msk [tilespmem:v36+s24+$0x0], $0xffff  }
0x241: {  	v19 =	vimm.f32 $0.0e+00;
	v38 =	vadd.f32 $-1.270000000e+02, v37;
	v37 =	vadd.f32 $-1.270000000e+02, v35;
	v28 =	vld.idx.msk [tilespmem:v33+s24+$0x0], $0xffff  }
0x242: {  	v35 =	vadd.f32 $-1.270000000e+02, v40;
	v36 =	vadd.f32 $-1.270000000e+02, v20;
	v20 =	vimm.f32 $0.0e+00;
	v30 =	vld.idx.msk [tilespmem:v18+s24+$0x0], $0xffff  }
0x243: {  	s28 =	simm.s32 $0x0;
	v18 =	vimm.f32 $0.0e+00;
	v33 =	vadd.f32 $-1.270000000e+02, v17;
	v17 =	vimm.f32 $0.0e+00;
	v31 =	vld.idx.msk [tilespmem:v31+s24+$0x0], $0xffff  }
.LBB2_14:
0x244: {  	s2 =	sadd.s32 $0x20, s2;
	v40 =	vld [tilespmem:s0+$0x14380];
	v25 =	vadd.f32 v34, v25;
	v34 =	vadd.f32 $-1.270000000e+02, v39;
	s4 =	sadd.s32 $0x80, s4  }
0x245: {  	v27 =	vadd.f32 v38, v27;
	v24 =	vadd.f32 v33, v24;
	s0 =	sand.u32 $0x60, s2;
	s29 =	sand.u32 $0x3E00, s4;
	v33 =	vld [tilespmem:s25+$0x14490]  }
0x246: {  	v28 =	vadd.f32 v36, v28;
	v29 =	vadd.f32 v37, v29;
	s25 =	sor.u32 s0, s29;
	v36 =	vld [tilespmem:s26+$0x14380]  }
0x247: {  	v32 =	vadd.f32 v35, v32;
	v25 =	vmul.f32 v25, v14;
	v16 =	vmul.f32 v24, v16;
	v14 =	vld [tilespmem:s25+$0x14390]  }
0x248: {  	v23 =	vmul.f32 v27, v23;
	v22 =	vmul.f32 v28, v22;
	v26 =	vadd.f32 v26, v30;
	v24 =	vld [tilespmem:s25+$0x8390]  }
0x249: {  	s28 =	sadd.s32 $0x1, s28;
	v21 =	vmul.f32 v29, v21;
	v29 =	vadd.f32 v34, v31;
	v27 =	vld [tilespmem:s25+$0x8410];
	v28 =	vmul.f32 v32, v40  }
0x24a: {  	p0 =	slt.u32 s2, $0xFE0;
	s0 =	sand.u32 $0x3, s28;
	v19 =	vadd.f32 v23, v19;
	v20 =	vadd.f32 v22, v20;
	v30 =	vld [tilespmem:s25+$0x8490];
	v22 =	vmul.f32 v26, v33  }
0x24b: {  	s0 =	sshll.u32 s0, $0x5;
	v18 =	vadd.f32 v21, v18;
	v26 =	vld [tilespmem:s25+$0x8380];
	v17 =	vadd.f32 v28, v17;
	v21 =	vmul.f32 v29, v36  }
0x24c: {  	s26 =	sadd.s32 s0, s4;
	v19 =	vadd.f32 v25, v19;
	v20 =	vadd.f32 v16, v20;
	v28 =	vld [tilespmem:s25+$0x8400]  }
0x24d: {  	s0 =	sor.u32 $0x180, s26;
	v18 =	vadd.f32 v22, v18;
	v25 =	vld [tilespmem:s25+$0x8480];
	v17 =	vadd.f32 v21, v17  }
0x24e: {  	s26 =	sadd.s32 $0x10, s26;
	v31 =	vcvt.s32.f32 v24;
	v16 =	vshrl.u32 v24, $0xF;
	v29 =	vld [tilespmem:s0+$0x8380]  }
0x24f: {  	s26 =	sor.u32 $0x180, s26;
	v24 =	vand.u32 $0xFF, v16;
	v32 =	vcvt.s32.f32 v27;
	v21 =	vshrl.u32 v27, $0xF;
	v16 =	vld [tilespmem:s25+$0x14410]  }
0x250: {  	v27 =	vand.u32 $0xFF, v21;
	v33 =	vcvt.s32.f32 v30;
	v22 =	vshrl.u32 v26, $0xF;
	v35 =	vld [tilespmem:s26+$0x8380]  }
0x251: {  	v26 =	vcvt.s32.f32 v26;
	v23 =	vld [tilespmem:s25+$0x14380];
	v34 =	vand.u32 $0xFF, v22;
	v21 =	vshrl.u32 v28, $0xF  }
0x252: {  	v28 =	vcvt.s32.f32 v28;
	v22 =	vld [tilespmem:s25+$0x14400];
	v36 =	vand.u32 $0xFF, v21;
	v37 =	vshrl.u32 v25, $0xF  }
0x253: {  	v30 =	vshrl.u32 v30, $0xF;
	v21 =	vld [tilespmem:s25+$0x14480];
	v37 =	vand.u32 $0xFF, v37;
	v38 =	vshrl.u32 v29, $0xF  }
0x254: {  	v30 =	vand.u32 $0xFF, v30;
	v39 =	vcvt.s32.f32 v25;
	v38 =	vand.u32 $0xFF, v38;
	v25 =	vld.idx.msk [tilespmem:v24+s24+$0x0], $0xffff  }
0x255: {  	v31 =	vmul.f32 $1.192092900e-07, v31;
	v40 =	vmul.f32 $1.192092900e-07, v32;
	v24 =	vld.idx.msk [tilespmem:v27+s24+$0x0], $0xffff;
	v32 =	vshrl.u32 v35, $0xF  }
0x256: {  	v41 =	vmul.f32 $1.192092900e-07, v26;
	v26 =	vmul.f32 $1.192092900e-07, v33;
	v27 =	vld.idx.msk [tilespmem:v34+s24+$0x0], $0xffff;
	v42 =	vand.u32 $0xFF, v32  }
.Ltmp11:
0x257: {  	v43 =	vmul.f32 $1.192092900e-07, v28;
	v32 =	vcvt.s32.f32 v29;
	v28 =	vld.idx.msk [tilespmem:v36+s24+$0x0], $0xffff;
	(pc) =	sbr.rel @p0 .LBB2_14-.Ltmp11, $4  }
0x258: {  	v44 =	vmul.f32 $1.192092900e-07, v39;
	v34 =	vadd.f32 $-1.270000000e+02, v31;
	v31 =	vcvt.s32.f32 v35;
	v29 =	vld.idx.msk [tilespmem:v37+s24+$0x0], $0xffff  }
0x259: {  	v33 =	vadd.f32 $-1.270000000e+02, v40;
	v26 =	vadd.f32 $-1.270000000e+02, v26;
	v35 =	vmul.f32 $1.192092900e-07, v32;
	v32 =	vld.idx.msk [tilespmem:v38+s24+$0x0], $0xffff  }
0x25a: {  	v36 =	vadd.f32 $-1.270000000e+02, v43;
	v39 =	vmul.f32 $1.192092900e-07, v31;
	v38 =	vadd.f32 $-1.270000000e+02, v41;
	v30 =	vld.idx.msk [tilespmem:v30+s24+$0x0], $0xffff  }
0x25b: {  	v37 =	vadd.f32 $-1.270000000e+02, v44;
	v35 =	vadd.f32 $-1.270000000e+02, v35;
	v31 =	vld.idx.msk [tilespmem:v42+s24+$0x0], $0xffff  }
0x25c: {  	v27 =	vadd.f32 v38, v27  }
0x25d: {  	v25 =	vadd.f32 v34, v25  }
0x25e: {  	v55 =	vld [tilespmem:s0+$0x14380];
	v28 =	vadd.f32 v36, v28;
	v24 =	vadd.f32 v33, v24;
	v23 =	vmul.f32 v27, v23  }
0x25f: {  	v56 =	vld [tilespmem:s25+$0x14490];
	v57 =	vadd.f32 $-1.270000000e+02, v39;
	v58 =	vadd.f32 v37, v29  }
0x260: {  	v59 =	vld [tilespmem:s26+$0x14380];
	v14 =	vmul.f32 v25, v14;
	v22 =	vmul.f32 v28, v22;
	v19 =	vadd.f32 v23, v19  }
0x261: {  	v60 =	vadd.f32 v35, v32;
	v61 =	vadd.f32 v26, v30;
	v21 =	vmul.f32 v58, v21  }
0x262: {  	v16 =	vmul.f32 v24, v16;
	v20 =	vadd.f32 v22, v20;
	v14 =	vadd.f32 v14, v19  }
0x263: {  	s30 =	sshll.u32 s23, $0x2;
	v23 =	vadd.f32 v57, v31;
	v62 =	vmul.f32 v60, v55;
	v18 =	vadd.f32 v21, v18  }
0x264: {  	s2 =	sor.u32 $0x1, s30;
	v19 =	vmul.f32 v61, v56;
	v16 =	vadd.f32 v16, v20;
	v14 =	vadd.f32 $0.0e+00, v14  }
0x265: {  	p0 =	slt.s32 s30, s5;
	p4 =	slt.s32 s2, s5;
	v63 =	vmul.f32 v23, v59;
	v17 =	vadd.f32 v62, v17  }
0x266: {  	s0 =	sor.u32 $0x2, s30;
	v18 =	vadd.f32 v19, v18;
	v16 =	vpsel !p4, $0x0, v16;
	v14 =	vpsel !p0, $0x0, v14  }
.Ltmp12:
0x267: {  	p5 =	slt.s32 s0, s5;
	v14 =	vadd.f32 v16, v14;
	(pc) =	sbr.rel .LBB2_16-.Ltmp12, $4  }
0x268: {  	s31 =	sshllo.u32 s23, $0x2;
	v16 =	vadd.f32 v63, v17;
	v17 =	vpsel !p5, $0x0, v18  }
0x269: {  	p6 =	slt.s32 s31, s5;
	v14 =	vadd.f32 v17, v14  }
0x26a: {  	v16 =	vpsel !p6, $0x0, v16  }
0x26b: {  	v14 =	vadd.f32 v16, v14  }
.LBB2_18:
0x26c: {  	_ =	sfence.sel $0x180000  }
0x26d: {  	[bflag:$0x0] =	sbarrier.arrive $0xFFFF  }
0x26e: {  	_ =	strace $0x90000047  }
0x26f: {  	s0 =	stileid.u32;
	[bflag:$0x2] =	sbarrier.arrive $0xFFFF  }
0x270: {  	p0 =	sne.s32 s0, $0x0;
	s0 =	rddreg [dreg:$0x3]  }
0x271: {  	s0 =	sadd.s32 @!p0 $0x100000, s0  }
0x272: {  	[sflag:s0] =	ssyncadd.tile.s32 @!p0 $0x1;
	_ =	shalt  }
.Lfunc_end2:
_tile_overlayer_lowered:
.L_overlay_start_2:
0x273: {  	(tag) =	ssettag $0x2  }
0x274: {  	s0 =	rddreg [dreg:$0x0];
	s2 =	stileid.u32  }
0x275: {  	s1 =	rddreg [dreg:$0x1];
	p0 =	sne.s32 s2, $0x0  }
0x276: {  	s3 =	rddreg [dreg:$0x2];
	[bflag:$0x3] =	sbarrier.arrive $0xFFFF;
	s2 =	simm.s32 @!p0 $0x1C07  }
0x277: {  	[timem:s3], [sflag:s2] =	dma.local @!p0 [hbm:s0], s1  }
0x278: {  	s0 =	simm.s32 @!p0 $0x7  }
0x279: {  	_ =	swait.ge @!p0 [sflag:s0], s1  }
0x27a: {  	s1 =	ssub.s32 @!p0 $0x0, s1;
	[sflag:s0] =	ssyncset.done @!p0 $0x0  }
0x27b: {  	[sflag:s0] =	ssyncadd.s32 @!p0 s1  }
0x27c: {  	[bflag:$0x3] =	sbarrier.arrive $0xFFFF  }
0x27d: {  	_ =	shalt  }

</sc_bundles>
